<compile_context>
chip_gen: v7x
topology: tpu7x:2x2x1
jax: 0.10.2.dev20260603
libtpu: 0.0.44.dev20260713+nightly
codegen_flags: <defaults>
</compile_context>

<pallas_src>
import jax
import jax.numpy as jnp
from jax import lax
from jax.experimental import pallas as pl
from jax.experimental.pallas import tpu as pltpu
from jax.experimental.pallas import tpu_sc as plsc

DIM = 1024
T = 20
LANES = 16
CHUNKS = DIM // LANES
NEWTON_ITERS = 3
EPS = 1e-5
NSLOT = 4

_GATHER_DN = lax.GatherDimensionNumbers(
    offset_dims=(), collapsed_slice_dims=(0,), start_index_map=(0,))


def _lane_shuffle(v, idx):
    return lax.gather(v, idx[:, None], _GATHER_DN, slice_sizes=(1,),
                      mode=lax.GatherScatterMode.PROMISE_IN_BOUNDS)


def _lane_allreduce_sum(v):
    lanes = lax.iota(jnp.int32, LANES)
    for shift in (1, 2, 4, 8):
        v = v + _lane_shuffle(v, lanes ^ shift)
    return v


def _rsqrt16(a):
    xi = lax.bitcast_convert_type(a, jnp.int32)
    yi = jnp.int32(0x5F3759DF) - (xi >> 1)
    y = lax.bitcast_convert_type(yi, jnp.float32)
    half = a * 0.5
    for _ in range(NEWTON_ITERS):
        y = y * (1.5 - half * y * y)
    return y


def _make_sc_kernel(num_bags, bags_per_w):
    mesh = plsc.VectorSubcoreMesh(core_axis_name="c", subcore_axis_name="s")
    nc = mesh.num_cores

    def run(idx, table):
        @pl.kernel(
            out_type=jax.ShapeDtypeStruct((num_bags, DIM), jnp.float32),
            mesh=mesh,
            scratch_types=[
                pltpu.VMEM((bags_per_w, T), jnp.int32),
                pltpu.VMEM((NSLOT, T, DIM), jnp.float32),
                pltpu.VMEM((NSLOT, DIM), jnp.float32),
            ] + [pltpu.SemaphoreType.DMA] * (2 * NSLOT),
            compiler_params=pltpu.CompilerParams(use_tc_tiling_on_sc=False),
        )
        def body(idx_hbm, table_hbm, out_hbm, idx_v, rows_v, row_v, *sems):
            gsems = sems[:NSLOT]
            osems = sems[NSLOT:]
            wid = lax.axis_index("s") * nc + lax.axis_index("c")
            base = wid * bags_per_w
            pltpu.sync_copy(idx_hbm.at[pl.ds(base, bags_per_w)], idx_v)
            zeros = jnp.zeros((LANES,), jnp.float32)

            for s in range(NSLOT - 1):
                pltpu.async_copy(
                    table_hbm.at[idx_v.at[s]], rows_v.at[s], gsems[s])

            def do_bag(j, slot):
                pltpu.make_async_copy(
                    table_hbm.at[idx_v.at[j]], rows_v.at[slot],
                    gsems[slot]).wait()

                @pl.when(j >= NSLOT)
                def _():
                    pltpu.make_async_copy(
                        row_v.at[slot], out_hbm.at[base + j - NSLOT],
                        osems[slot]).wait()

                nslot = (slot + NSLOT - 1) % NSLOT
                @pl.when(j + NSLOT - 1 < bags_per_w)
                def _():
                    pltpu.async_copy(
                        table_hbm.at[idx_v.at[j + NSLOT - 1]],
                        rows_v.at[nslot], gsems[nslot])

                def chunk_body(c, carry):
                    vsum, vsq = carry
                    vals = [rows_v[slot, t, pl.ds(c * LANES, LANES)]
                            for t in range(T)]
                    while len(vals) > 1:
                        nxt = [vals[k] + vals[k + 1]
                               for k in range(0, len(vals) - 1, 2)]
                        if len(vals) % 2:
                            nxt[-1] = nxt[-1] + vals[-1]
                        vals = nxt
                    s = vals[0]
                    row_v[slot, pl.ds(c * LANES, LANES)] = s
                    return (vsum + s, vsq + s * s)

                vsum, vsq = lax.fori_loop(
                    0, CHUNKS, chunk_body, (zeros, zeros), unroll=2)
                mean = _lane_allreduce_sum(vsum) * (1.0 / DIM)
                ex2 = _lane_allreduce_sum(vsq) * (1.0 / DIM)
                rstd = _rsqrt16(ex2 - mean * mean + EPS)

                def norm_body(c, _):
                    v = row_v[slot, pl.ds(c * LANES, LANES)]
                    row_v[slot, pl.ds(c * LANES, LANES)] = (v - mean) * rstd
                    return 0

                lax.fori_loop(0, CHUNKS, norm_body, 0)
                pltpu.async_copy(row_v.at[slot], out_hbm.at[base + j],
                                 osems[slot])

            @pl.loop(0, bags_per_w, step=NSLOT)
            def _(i):
                for b in range(NSLOT):
                    do_bag(i + b, b)

            for s in range(NSLOT):
                j = bags_per_w - NSLOT + s
                pltpu.make_async_copy(
                    row_v.at[s], out_hbm.at[base + j], osems[s]).wait()

        return body(idx, table)

    return run


_NUM_WORKERS = 32
_sc_run = None


def kernel(x, table):
    global _sc_run
    B, F, t = x.shape
    num_bags = B * F
    if _sc_run is None:
        _sc_run = _make_sc_kernel(num_bags, num_bags // _NUM_WORKERS)
    idx = x.reshape(num_bags, t)
    out = _sc_run(idx, table)
    return out.reshape(B, F, table.shape[1])

# --- scband reference (transcript-rebuilt; emitter-appended) ---
"""Pipeline reference for scband-tag-encoder-25984552140949 (READ-ONLY COPY).

The authoritative reference and input builder live on the scoring server;
editing this copy changes nothing except your own understanding.
"""

import jax, jax.numpy as jnp
import numpy as np

VOCAB = 100000
DIM = 1024

def setup_inputs(seed: int = 0) -> dict:
    key = jax.random.key(seed)
    k1, k2 = jax.random.split(key)
    x = jax.random.randint(k1, (1024, 26, 20), 0, VOCAB, dtype=jnp.int64 if jax.config.jax_enable_x64 else jnp.int32).astype(jnp.int32)
    table = jax.random.normal(k2, (VOCAB, DIM), dtype=jnp.float32)
    # padding_idx=0 row is zeros (PAD embedding)
    table = table.at[0].set(0.0)
    return {"x": x, "table": table}

def _layer_norm(h, eps=1e-5):
    mean = jnp.mean(h, axis=-1, keepdims=True)
    var = jnp.var(h, axis=-1, keepdims=True)
    return (h - mean) / jnp.sqrt(var + eps)

def reference(x, table):
    B, F, T = x.shape
    flat = x.reshape(B * F, T)
    # EmbeddingBag mode='sum' with padding_idx=0: row 0 is zeros so plain gather+sum is exact
    emb = jnp.take(table, flat, axis=0)          # [B*F, T, DIM]
    bag = jnp.sum(emb, axis=1)                   # [B*F, DIM]
    out = bag.reshape(B, F, table.shape[1])      # [B, F, DIM]
    out = _layer_norm(out)
    return out

if __name__ == "__main__":
    import jax
    _d = setup_inputs()
    print(jax.jit(kernel)(*tuple(_d.values())))

</pallas_src>

<mosaic_0001>
#map = affine_map<(d0, d1) -> (0, 0)>
module attributes {stable_mosaic.version = 14 : i64} {
  func.func @body(%arg0: i32, %arg1: i32, %arg2: memref<26624x20xi32, #tpu.memory_space<hbm>>, %arg3: memref<100000x1024xf32, #tpu.memory_space<hbm>>, %arg4: memref<26624x1024xf32, #tpu.memory_space<hbm>>, %arg5: memref<832x20xi32, #tpu.memory_space<vmem>>, %arg6: memref<4x20x1024xf32, #tpu.memory_space<vmem>>, %arg7: memref<4x1024xf32, #tpu.memory_space<vmem>>, %arg8: memref<!tpu.dma_semaphore, #tpu.memory_space<semaphore_mem>>, %arg9: memref<!tpu.dma_semaphore, #tpu.memory_space<semaphore_mem>>, %arg10: memref<!tpu.dma_semaphore, #tpu.memory_space<semaphore_mem>>, %arg11: memref<!tpu.dma_semaphore, #tpu.memory_space<semaphore_mem>>, %arg12: memref<!tpu.dma_semaphore, #tpu.memory_space<semaphore_mem>>, %arg13: memref<!tpu.dma_semaphore, #tpu.memory_space<semaphore_mem>>, %arg14: memref<!tpu.dma_semaphore, #tpu.memory_space<semaphore_mem>>, %arg15: memref<!tpu.dma_semaphore, #tpu.memory_space<semaphore_mem>>) attributes {dimension_semantics = [#tpu.dimension_semantics<core_parallel>, #tpu.dimension_semantics<subcore_parallel>], iteration_bounds = array<i64: 2, 16>, scalar_prefetch = 0 : i64, scratch_operands = 11 : i64, tpu.core_type = #tpu.core_type<sc_vector_subcore>, window_params = [{transform_indices = #map}, {transform_indices = #map}, {transform_indices = #map}]} {
    %mul3A = arith.constant 2 : i32
    %mul3A_0 = arith.muli %arg1, %mul3A : i32
    %add3A = arith.addi %mul3A_0, %arg0 : i32
    %mul3A_1 = arith.constant 832 : i32
    %mul3A_2 = arith.muli %add3A, %mul3A_1 : i32
    "tpu.region"() ({
      %run_scoped3A = tpu.sem_alloc : memref<!tpu.dma_semaphore, #tpu.memory_space<semaphore_mem>>
      %dma_start3A_102 = arith.constant 0 : i32
      %dma_start3A_103 = tpu.memref_slice %arg2[%mul3A_2, %dma_start3A_102] : memref<26624x20xi32, #tpu.memory_space<hbm>> -> memref<832x20xi32, #tpu.memory_space<hbm>>
      %dma_start3A_104 = arith.constant 0 : i32
      %dma_start3A_105 = tpu.memref_slice %arg2[%mul3A_2, %dma_start3A_104] : memref<26624x20xi32, #tpu.memory_space<hbm>> -> memref<832x20xi32, #tpu.memory_space<hbm>>
      tpu.enqueue_dma source(%dma_start3A_105 : memref<832x20xi32, #tpu.memory_space<hbm>>) target(%arg5 : memref<832x20xi32, #tpu.memory_space<vmem>>) target_semaphore(%run_scoped3A : memref<!tpu.dma_semaphore, #tpu.memory_space<semaphore_mem>>)
      %dma_wait3A_106 = arith.constant 0 : i32
      %dma_wait3A_107 = tpu.memref_slice %arg2[%mul3A_2, %dma_wait3A_106] : memref<26624x20xi32, #tpu.memory_space<hbm>> -> memref<832x20xi32, #tpu.memory_space<hbm>>
      %dma_wait3A_108 = arith.constant 0 : i32
      %dma_wait3A_109 = tpu.memref_slice %arg2[%mul3A_2, %dma_wait3A_108] : memref<26624x20xi32, #tpu.memory_space<hbm>> -> memref<832x20xi32, #tpu.memory_space<hbm>>
      tpu.wait_dma2 semaphore(%run_scoped3A : memref<!tpu.dma_semaphore, #tpu.memory_space<semaphore_mem>>) src(%dma_wait3A_109 : memref<832x20xi32, #tpu.memory_space<hbm>>) dst(%arg5 : memref<832x20xi32, #tpu.memory_space<vmem>>)
      tpu.yield
    }) : () -> ()
    %broadcast_in_dim3A = arith.constant 0.000000e+00 : f32
    %broadcast_in_dim3A_3 = vector.broadcast %broadcast_in_dim3A : f32 to vector<16xf32>
    %dma_start3A = arith.constant 0 : i32
    %dma_start3A_4 = arith.constant 0 : i32
    %dma_start3A_5 = arith.constant 0 : i32
    %dma_start3A_6 = arith.constant 0 : i32
    %dma_start3A_7 = tpu.memref_slice %arg6[%dma_start3A_4, %dma_start3A_5, %dma_start3A_6] : memref<4x20x1024xf32, #tpu.memory_space<vmem>> -> memref<1x20x1024xf32, #tpu.memory_space<vmem>>
    %dma_start3A_8 = tpu.memref_squeeze %dma_start3A_7 : memref<1x20x1024xf32, #tpu.memory_space<vmem>> -> memref<20x1024xf32, #tpu.memory_space<vmem>>
    %dma_start3A_9 = arith.constant 0 : i32
    %dma_start3A_10 = tpu.memref_slice %arg5[%dma_start3A, %dma_start3A_9] : memref<832x20xi32, #tpu.memory_space<vmem>> -> memref<1x20xi32, #tpu.memory_space<vmem>>
    %dma_start3A_11 = tpu.memref_squeeze %dma_start3A_10 : memref<1x20xi32, #tpu.memory_space<vmem>> -> memref<20xi32, #tpu.memory_space<vmem>>
    %dma_start3A_12 = arith.constant 0 : i32
    %dma_start3A_13 = arith.constant 0 : i32
    %dma_start3A_14 = tpu.memref_slice %arg3[%dma_start3A_12, %dma_start3A_13] : memref<100000x1024xf32, #tpu.memory_space<hbm>> -> memref<100000x1024xf32, #tpu.memory_space<hbm>>
    tpu.enqueue_indirect_dma source(%dma_start3A_14 : memref<100000x1024xf32, #tpu.memory_space<hbm>>) target(%dma_start3A_8 : memref<20x1024xf32, #tpu.memory_space<vmem>>) offsets(%dma_start3A_11 : memref<20xi32, #tpu.memory_space<vmem>>) semaphore(%arg8 : memref<!tpu.dma_semaphore, #tpu.memory_space<semaphore_mem>>)
    %dma_start3A_15 = arith.constant 1 : i32
    %dma_start3A_16 = arith.constant 1 : i32
    %dma_start3A_17 = arith.constant 0 : i32
    %dma_start3A_18 = arith.constant 0 : i32
    %dma_start3A_19 = tpu.memref_slice %arg6[%dma_start3A_16, %dma_start3A_17, %dma_start3A_18] : memref<4x20x1024xf32, #tpu.memory_space<vmem>> -> memref<1x20x1024xf32, #tpu.memory_space<vmem>>
    %dma_start3A_20 = tpu.memref_squeeze %dma_start3A_19 : memref<1x20x1024xf32, #tpu.memory_space<vmem>> -> memref<20x1024xf32, #tpu.memory_space<vmem>>
    %dma_start3A_21 = arith.constant 0 : i32
    %dma_start3A_22 = tpu.memref_slice %arg5[%dma_start3A_15, %dma_start3A_21] : memref<832x20xi32, #tpu.memory_space<vmem>> -> memref<1x20xi32, #tpu.memory_space<vmem>>
    %dma_start3A_23 = tpu.memref_squeeze %dma_start3A_22 : memref<1x20xi32, #tpu.memory_space<vmem>> -> memref<20xi32, #tpu.memory_space<vmem>>
    %dma_start3A_24 = arith.constant 0 : i32
    %dma_start3A_25 = arith.constant 0 : i32
    %dma_start3A_26 = tpu.memref_slice %arg3[%dma_start3A_24, %dma_start3A_25] : memref<100000x1024xf32, #tpu.memory_space<hbm>> -> memref<100000x1024xf32, #tpu.memory_space<hbm>>
    tpu.enqueue_indirect_dma source(%dma_start3A_26 : memref<100000x1024xf32, #tpu.memory_space<hbm>>) target(%dma_start3A_20 : memref<20x1024xf32, #tpu.memory_space<vmem>>) offsets(%dma_start3A_23 : memref<20xi32, #tpu.memory_space<vmem>>) semaphore(%arg9 : memref<!tpu.dma_semaphore, #tpu.memory_space<semaphore_mem>>)
    %dma_start3A_27 = arith.constant 2 : i32
    %dma_start3A_28 = arith.constant 2 : i32
    %dma_start3A_29 = arith.constant 0 : i32
    %dma_start3A_30 = arith.constant 0 : i32
    %dma_start3A_31 = tpu.memref_slice %arg6[%dma_start3A_28, %dma_start3A_29, %dma_start3A_30] : memref<4x20x1024xf32, #tpu.memory_space<vmem>> -> memref<1x20x1024xf32, #tpu.memory_space<vmem>>
    %dma_start3A_32 = tpu.memref_squeeze %dma_start3A_31 : memref<1x20x1024xf32, #tpu.memory_space<vmem>> -> memref<20x1024xf32, #tpu.memory_space<vmem>>
    %dma_start3A_33 = arith.constant 0 : i32
    %dma_start3A_34 = tpu.memref_slice %arg5[%dma_start3A_27, %dma_start3A_33] : memref<832x20xi32, #tpu.memory_space<vmem>> -> memref<1x20xi32, #tpu.memory_space<vmem>>
    %dma_start3A_35 = tpu.memref_squeeze %dma_start3A_34 : memref<1x20xi32, #tpu.memory_space<vmem>> -> memref<20xi32, #tpu.memory_space<vmem>>
    %dma_start3A_36 = arith.constant 0 : i32
    %dma_start3A_37 = arith.constant 0 : i32
    %dma_start3A_38 = tpu.memref_slice %arg3[%dma_start3A_36, %dma_start3A_37] : memref<100000x1024xf32, #tpu.memory_space<hbm>> -> memref<100000x1024xf32, #tpu.memory_space<hbm>>
    tpu.enqueue_indirect_dma source(%dma_start3A_38 : memref<100000x1024xf32, #tpu.memory_space<hbm>>) target(%dma_start3A_32 : memref<20x1024xf32, #tpu.memory_space<vmem>>) offsets(%dma_start3A_35 : memref<20xi32, #tpu.memory_space<vmem>>) semaphore(%arg10 : memref<!tpu.dma_semaphore, #tpu.memory_space<semaphore_mem>>)
    %scan3A = arith.constant 0 : i32
    %scan3A_39 = arith.constant 208 : i32
    %scan3A_40 = arith.addi %scan3A, %scan3A_39 : i32
    %scan3A_41 = arith.constant 1 : i32
    scf.for %scan3A_102 = %scan3A to %scan3A_40 step %scan3A_41  : i32 {
      %mul3A_103 = arith.constant 4 : i32
      %mul3A_104 = arith.muli %scan3A_102, %mul3A_103 : i32
      %add3A_105 = arith.constant 0 : i32
      %add3A_106 = arith.addi %add3A_105, %mul3A_104 : i32
      %add3A_107 = arith.constant 0 : i32
      %add3A_108 = arith.addi %add3A_106, %add3A_107 : i32
      %dma_wait3A_109 = arith.constant 0 : i32
      %dma_wait3A_110 = arith.constant 0 : i32
      %dma_wait3A_111 = arith.constant 0 : i32
      %dma_wait3A_112 = tpu.memref_slice %arg6[%dma_wait3A_109, %dma_wait3A_110, %dma_wait3A_111] : memref<4x20x1024xf32, #tpu.memory_space<vmem>> -> memref<1x20x1024xf32, #tpu.memory_space<vmem>>
      %dma_wait3A_113 = tpu.memref_squeeze %dma_wait3A_112 : memref<1x20x1024xf32, #tpu.memory_space<vmem>> -> memref<20x1024xf32, #tpu.memory_space<vmem>>
      %dma_wait3A_114 = arith.constant 0 : i32
      %dma_wait3A_115 = tpu.memref_slice %arg5[%add3A_108, %dma_wait3A_114] : memref<832x20xi32, #tpu.memory_space<vmem>> -> memref<1x20xi32, #tpu.memory_space<vmem>>
      %dma_wait3A_116 = tpu.memref_squeeze %dma_wait3A_115 : memref<1x20xi32, #tpu.memory_space<vmem>> -> memref<20xi32, #tpu.memory_space<vmem>>
      %dma_wait3A_117 = arith.constant 0 : i32
      %dma_wait3A_118 = arith.constant 0 : i32
      %dma_wait3A_119 = tpu.memref_slice %arg3[%dma_wait3A_117, %dma_wait3A_118] : memref<100000x1024xf32, #tpu.memory_space<hbm>> -> memref<100000x1024xf32, #tpu.memory_space<hbm>>
      tpu.wait_indirect_dma semaphore(%arg8 : memref<!tpu.dma_semaphore, #tpu.memory_space<semaphore_mem>>) src(%dma_wait3A_119 : memref<100000x1024xf32, #tpu.memory_space<hbm>>) dst(%dma_wait3A_113 : memref<20x1024xf32, #tpu.memory_space<vmem>>)
      %ge3A = arith.constant 4 : i32
      %ge3A_120 = arith.cmpi sge, %add3A_108, %ge3A : i32
      %convert_element_type3A = arith.extui %ge3A_120 : i1 to i32
      %cond3A = arith.constant 0 : i32
      %cond3A_121 = arith.cmpi ne, %convert_element_type3A, %cond3A : i32
      scf.if %cond3A_121 {
        %add3A_705 = arith.addi %mul3A_2, %add3A_108 : i32
        %sub3A_706 = arith.constant 4 : i32
        %sub3A_707 = arith.subi %add3A_705, %sub3A_706 : i32
        %dma_wait3A_708 = arith.constant 0 : i32
        %dma_wait3A_709 = arith.constant 0 : i32
        %dma_wait3A_710 = tpu.memref_slice %arg7[%dma_wait3A_708, %dma_wait3A_709] : memref<4x1024xf32, #tpu.memory_space<vmem>> -> memref<1x1024xf32, #tpu.memory_space<vmem>>
        %dma_wait3A_711 = tpu.memref_squeeze %dma_wait3A_710 : memref<1x1024xf32, #tpu.memory_space<vmem>> -> memref<1024xf32, #tpu.memory_space<vmem>>
        %dma_wait3A_712 = arith.constant 0 : i32
        %dma_wait3A_713 = tpu.memref_slice %arg4[%sub3A_707, %dma_wait3A_712] : memref<26624x1024xf32, #tpu.memory_space<hbm>> -> memref<1x1024xf32, #tpu.memory_space<hbm>>
        %dma_wait3A_714 = tpu.memref_squeeze %dma_wait3A_713 : memref<1x1024xf32, #tpu.memory_space<hbm>> -> memref<1024xf32, #tpu.memory_space<hbm>>
        %dma_wait3A_715 = arith.constant 0 : i32
        %dma_wait3A_716 = tpu.memref_slice %arg4[%sub3A_707, %dma_wait3A_715] : memref<26624x1024xf32, #tpu.memory_space<hbm>> -> memref<1x1024xf32, #tpu.memory_space<hbm>>
        %dma_wait3A_717 = tpu.memref_squeeze %dma_wait3A_716 : memref<1x1024xf32, #tpu.memory_space<hbm>> -> memref<1024xf32, #tpu.memory_space<hbm>>
        %dma_wait3A_718 = arith.constant 0 : i32
        %dma_wait3A_719 = tpu.memref_slice %arg7[%dma_wait3A_708, %dma_wait3A_718] : memref<4x1024xf32, #tpu.memory_space<vmem>> -> memref<1x1024xf32, #tpu.memory_space<vmem>>
        %dma_wait3A_720 = tpu.memref_squeeze %dma_wait3A_719 : memref<1x1024xf32, #tpu.memory_space<vmem>> -> memref<1024xf32, #tpu.memory_space<vmem>>
        tpu.wait_dma2 semaphore(%arg12 : memref<!tpu.dma_semaphore, #tpu.memory_space<semaphore_mem>>) src(%dma_wait3A_720 : memref<1024xf32, #tpu.memory_space<vmem>>) dst(%dma_wait3A_717 : memref<1024xf32, #tpu.memory_space<hbm>>)
      } else {
      }
      %add3A_122 = arith.constant 4 : i32
      %add3A_123 = arith.addi %add3A_108, %add3A_122 : i32
      %sub3A = arith.constant 1 : i32
      %sub3A_124 = arith.subi %add3A_123, %sub3A : i32
      %lt3A = arith.constant 832 : i32
      %lt3A_125 = arith.cmpi slt, %sub3A_124, %lt3A : i32
      %convert_element_type3A_126 = arith.extui %lt3A_125 : i1 to i32
      %cond3A_127 = arith.constant 0 : i32
      %cond3A_128 = arith.cmpi ne, %convert_element_type3A_126, %cond3A_127 : i32
      scf.if %cond3A_128 {
        %add3A_705 = arith.constant 4 : i32
        %add3A_706 = arith.addi %add3A_108, %add3A_705 : i32
        %sub3A_707 = arith.constant 1 : i32
        %sub3A_708 = arith.subi %add3A_706, %sub3A_707 : i32
        %dma_start3A_709 = arith.constant 3 : i32
        %dma_start3A_710 = arith.constant 0 : i32
        %dma_start3A_711 = arith.constant 0 : i32
        %dma_start3A_712 = tpu.memref_slice %arg6[%dma_start3A_709, %dma_start3A_710, %dma_start3A_711] : memref<4x20x1024xf32, #tpu.memory_space<vmem>> -> memref<1x20x1024xf32, #tpu.memory_space<vmem>>
        %dma_start3A_713 = tpu.memref_squeeze %dma_start3A_712 : memref<1x20x1024xf32, #tpu.memory_space<vmem>> -> memref<20x1024xf32, #tpu.memory_space<vmem>>
        %dma_start3A_714 = arith.constant 0 : i32
        %dma_start3A_715 = tpu.memref_slice %arg5[%sub3A_708, %dma_start3A_714] : memref<832x20xi32, #tpu.memory_space<vmem>> -> memref<1x20xi32, #tpu.memory_space<vmem>>
        %dma_start3A_716 = tpu.memref_squeeze %dma_start3A_715 : memref<1x20xi32, #tpu.memory_space<vmem>> -> memref<20xi32, #tpu.memory_space<vmem>>
        %dma_start3A_717 = arith.constant 0 : i32
        %dma_start3A_718 = arith.constant 0 : i32
        %dma_start3A_719 = tpu.memref_slice %arg3[%dma_start3A_717, %dma_start3A_718] : memref<100000x1024xf32, #tpu.memory_space<hbm>> -> memref<100000x1024xf32, #tpu.memory_space<hbm>>
        tpu.enqueue_indirect_dma source(%dma_start3A_719 : memref<100000x1024xf32, #tpu.memory_space<hbm>>) target(%dma_start3A_713 : memref<20x1024xf32, #tpu.memory_space<vmem>>) offsets(%dma_start3A_716 : memref<20xi32, #tpu.memory_space<vmem>>) semaphore(%arg11 : memref<!tpu.dma_semaphore, #tpu.memory_space<semaphore_mem>>)
      } else {
      }
      %scan3A_129 = arith.constant 0 : i32
      %scan3A_130 = arith.constant 64 : i32
      %scan3A_131 = arith.addi %scan3A_129, %scan3A_130 : i32
      %scan3A_132 = arith.constant 2 : i32
      %scan3A_133:2 = scf.for %scan3A_705 = %scan3A_129 to %scan3A_131 step %scan3A_132 iter_args(%scan3A_706 = %broadcast_in_dim3A_3, %scan3A_707 = %broadcast_in_dim3A_3) -> (vector<16xf32>, vector<16xf32>)  : i32 {
        %mul3A_708 = arith.constant 16 : i32
        %mul3A_709 = arith.muli %scan3A_705, %mul3A_708 : i32
        %get3A = arith.constant 0 : i32
        %get3A_710 = arith.constant 0 : i32
        %get3A_711 = arith.index_cast %get3A : i32 to index
        %get3A_712 = arith.index_cast %get3A_710 : i32 to index
        %get3A_713 = arith.index_cast %mul3A_709 : i32 to index
        %get3A_714 = tpu.vector_load %arg6[%get3A_711, %get3A_712, %get3A_713] {strides = array<i32>} : memref<4x20x1024xf32, #tpu.memory_space<vmem>>, vector<1x1x16xf32>,
        %get3A_715 = vector.shape_cast %get3A_714 : vector<1x1x16xf32> to vector<16xf32>
        %mul3A_716 = arith.constant 16 : i32
        %mul3A_717 = arith.muli %scan3A_705, %mul3A_716 : i32
        %get3A_718 = arith.constant 0 : i32
        %get3A_719 = arith.constant 1 : i32
        %get3A_720 = arith.index_cast %get3A_718 : i32 to index
        %get3A_721 = arith.index_cast %get3A_719 : i32 to index
        %get3A_722 = arith.index_cast %mul3A_717 : i32 to index
        %get3A_723 = tpu.vector_load %arg6[%get3A_720, %get3A_721, %get3A_722] {strides = array<i32>} : memref<4x20x1024xf32, #tpu.memory_space<vmem>>, vector<1x1x16xf32>,
        %get3A_724 = vector.shape_cast %get3A_723 : vector<1x1x16xf32> to vector<16xf32>
        %mul3A_725 = arith.constant 16 : i32
        %mul3A_726 = arith.muli %scan3A_705, %mul3A_725 : i32
        %get3A_727 = arith.constant 0 : i32
        %get3A_728 = arith.constant 2 : i32
        %get3A_729 = arith.index_cast %get3A_727 : i32 to index
        %get3A_730 = arith.index_cast %get3A_728 : i32 to index
        %get3A_731 = arith.index_cast %mul3A_726 : i32 to index
        %get3A_732 = tpu.vector_load %arg6[%get3A_729, %get3A_730, %get3A_731] {strides = array<i32>} : memref<4x20x1024xf32, #tpu.memory_space<vmem>>, vector<1x1x16xf32>,
        %get3A_733 = vector.shape_cast %get3A_732 : vector<1x1x16xf32> to vector<16xf32>
        %mul3A_734 = arith.constant 16 : i32
        %mul3A_735 = arith.muli %scan3A_705, %mul3A_734 : i32
        %get3A_736 = arith.constant 0 : i32
        %get3A_737 = arith.constant 3 : i32
        %get3A_738 = arith.index_cast %get3A_736 : i32 to index
        %get3A_739 = arith.index_cast %get3A_737 : i32 to index
        %get3A_740 = arith.index_cast %mul3A_735 : i32 to index
        %get3A_741 = tpu.vector_load %arg6[%get3A_738, %get3A_739, %get3A_740] {strides = array<i32>} : memref<4x20x1024xf32, #tpu.memory_space<vmem>>, vector<1x1x16xf32>,
        %get3A_742 = vector.shape_cast %get3A_741 : vector<1x1x16xf32> to vector<16xf32>
        %mul3A_743 = arith.constant 16 : i32
        %mul3A_744 = arith.muli %scan3A_705, %mul3A_743 : i32
        %get3A_745 = arith.constant 0 : i32
        %get3A_746 = arith.constant 4 : i32
        %get3A_747 = arith.index_cast %get3A_745 : i32 to index
        %get3A_748 = arith.index_cast %get3A_746 : i32 to index
        %get3A_749 = arith.index_cast %mul3A_744 : i32 to index
        %get3A_750 = tpu.vector_load %arg6[%get3A_747, %get3A_748, %get3A_749] {strides = array<i32>} : memref<4x20x1024xf32, #tpu.memory_space<vmem>>, vector<1x1x16xf32>,
        %get3A_751 = vector.shape_cast %get3A_750 : vector<1x1x16xf32> to vector<16xf32>
        %mul3A_752 = arith.constant 16 : i32
        %mul3A_753 = arith.muli %scan3A_705, %mul3A_752 : i32
        %get3A_754 = arith.constant 0 : i32
        %get3A_755 = arith.constant 5 : i32
        %get3A_756 = arith.index_cast %get3A_754 : i32 to index
        %get3A_757 = arith.index_cast %get3A_755 : i32 to index
        %get3A_758 = arith.index_cast %mul3A_753 : i32 to index
        %get3A_759 = tpu.vector_load %arg6[%get3A_756, %get3A_757, %get3A_758] {strides = array<i32>} : memref<4x20x1024xf32, #tpu.memory_space<vmem>>, vector<1x1x16xf32>,
        %get3A_760 = vector.shape_cast %get3A_759 : vector<1x1x16xf32> to vector<16xf32>
        %mul3A_761 = arith.constant 16 : i32
        %mul3A_762 = arith.muli %scan3A_705, %mul3A_761 : i32
        %get3A_763 = arith.constant 0 : i32
        %get3A_764 = arith.constant 6 : i32
        %get3A_765 = arith.index_cast %get3A_763 : i32 to index
        %get3A_766 = arith.index_cast %get3A_764 : i32 to index
        %get3A_767 = arith.index_cast %mul3A_762 : i32 to index
        %get3A_768 = tpu.vector_load %arg6[%get3A_765, %get3A_766, %get3A_767] {strides = array<i32>} : memref<4x20x1024xf32, #tpu.memory_space<vmem>>, vector<1x1x16xf32>,
        %get3A_769 = vector.shape_cast %get3A_768 : vector<1x1x16xf32> to vector<16xf32>
        %mul3A_770 = arith.constant 16 : i32
        %mul3A_771 = arith.muli %scan3A_705, %mul3A_770 : i32
        %get3A_772 = arith.constant 0 : i32
        %get3A_773 = arith.constant 7 : i32
        %get3A_774 = arith.index_cast %get3A_772 : i32 to index
        %get3A_775 = arith.index_cast %get3A_773 : i32 to index
        %get3A_776 = arith.index_cast %mul3A_771 : i32 to index
        %get3A_777 = tpu.vector_load %arg6[%get3A_774, %get3A_775, %get3A_776] {strides = array<i32>} : memref<4x20x1024xf32, #tpu.memory_space<vmem>>, vector<1x1x16xf32>,
        %get3A_778 = vector.shape_cast %get3A_777 : vector<1x1x16xf32> to vector<16xf32>
        %mul3A_779 = arith.constant 16 : i32
        %mul3A_780 = arith.muli %scan3A_705, %mul3A_779 : i32
        %get3A_781 = arith.constant 0 : i32
        %get3A_782 = arith.constant 8 : i32
        %get3A_783 = arith.index_cast %get3A_781 : i32 to index
        %get3A_784 = arith.index_cast %get3A_782 : i32 to index
        %get3A_785 = arith.index_cast %mul3A_780 : i32 to index
        %get3A_786 = tpu.vector_load %arg6[%get3A_783, %get3A_784, %get3A_785] {strides = array<i32>} : memref<4x20x1024xf32, #tpu.memory_space<vmem>>, vector<1x1x16xf32>,
        %get3A_787 = vector.shape_cast %get3A_786 : vector<1x1x16xf32> to vector<16xf32>
        %mul3A_788 = arith.constant 16 : i32
        %mul3A_789 = arith.muli %scan3A_705, %mul3A_788 : i32
        %get3A_790 = arith.constant 0 : i32
        %get3A_791 = arith.constant 9 : i32
        %get3A_792 = arith.index_cast %get3A_790 : i32 to index
        %get3A_793 = arith.index_cast %get3A_791 : i32 to index
        %get3A_794 = arith.index_cast %mul3A_789 : i32 to index
        %get3A_795 = tpu.vector_load %arg6[%get3A_792, %get3A_793, %get3A_794] {strides = array<i32>} : memref<4x20x1024xf32, #tpu.memory_space<vmem>>, vector<1x1x16xf32>,
        %get3A_796 = vector.shape_cast %get3A_795 : vector<1x1x16xf32> to vector<16xf32>
        %mul3A_797 = arith.constant 16 : i32
        %mul3A_798 = arith.muli %scan3A_705, %mul3A_797 : i32
        %get3A_799 = arith.constant 0 : i32
        %get3A_800 = arith.constant 10 : i32
        %get3A_801 = arith.index_cast %get3A_799 : i32 to index
        %get3A_802 = arith.index_cast %get3A_800 : i32 to index
        %get3A_803 = arith.index_cast %mul3A_798 : i32 to index
        %get3A_804 = tpu.vector_load %arg6[%get3A_801, %get3A_802, %get3A_803] {strides = array<i32>} : memref<4x20x1024xf32, #tpu.memory_space<vmem>>, vector<1x1x16xf32>,
        %get3A_805 = vector.shape_cast %get3A_804 : vector<1x1x16xf32> to vector<16xf32>
        %mul3A_806 = arith.constant 16 : i32
        %mul3A_807 = arith.muli %scan3A_705, %mul3A_806 : i32
        %get3A_808 = arith.constant 0 : i32
        %get3A_809 = arith.constant 11 : i32
        %get3A_810 = arith.index_cast %get3A_808 : i32 to index
        %get3A_811 = arith.index_cast %get3A_809 : i32 to index
        %get3A_812 = arith.index_cast %mul3A_807 : i32 to index
        %get3A_813 = tpu.vector_load %arg6[%get3A_810, %get3A_811, %get3A_812] {strides = array<i32>} : memref<4x20x1024xf32, #tpu.memory_space<vmem>>, vector<1x1x16xf32>,
        %get3A_814 = vector.shape_cast %get3A_813 : vector<1x1x16xf32> to vector<16xf32>
        %mul3A_815 = arith.constant 16 : i32
        %mul3A_816 = arith.muli %scan3A_705, %mul3A_815 : i32
        %get3A_817 = arith.constant 0 : i32
        %get3A_818 = arith.constant 12 : i32
        %get3A_819 = arith.index_cast %get3A_817 : i32 to index
        %get3A_820 = arith.index_cast %get3A_818 : i32 to index
        %get3A_821 = arith.index_cast %mul3A_816 : i32 to index
        %get3A_822 = tpu.vector_load %arg6[%get3A_819, %get3A_820, %get3A_821] {strides = array<i32>} : memref<4x20x1024xf32, #tpu.memory_space<vmem>>, vector<1x1x16xf32>,
        %get3A_823 = vector.shape_cast %get3A_822 : vector<1x1x16xf32> to vector<16xf32>
        %mul3A_824 = arith.constant 16 : i32
        %mul3A_825 = arith.muli %scan3A_705, %mul3A_824 : i32
        %get3A_826 = arith.constant 0 : i32
        %get3A_827 = arith.constant 13 : i32
        %get3A_828 = arith.index_cast %get3A_826 : i32 to index
        %get3A_829 = arith.index_cast %get3A_827 : i32 to index
        %get3A_830 = arith.index_cast %mul3A_825 : i32 to index
        %get3A_831 = tpu.vector_load %arg6[%get3A_828, %get3A_829, %get3A_830] {strides = array<i32>} : memref<4x20x1024xf32, #tpu.memory_space<vmem>>, vector<1x1x16xf32>,
        %get3A_832 = vector.shape_cast %get3A_831 : vector<1x1x16xf32> to vector<16xf32>
        %mul3A_833 = arith.constant 16 : i32
        %mul3A_834 = arith.muli %scan3A_705, %mul3A_833 : i32
        %get3A_835 = arith.constant 0 : i32
        %get3A_836 = arith.constant 14 : i32
        %get3A_837 = arith.index_cast %get3A_835 : i32 to index
        %get3A_838 = arith.index_cast %get3A_836 : i32 to index
        %get3A_839 = arith.index_cast %mul3A_834 : i32 to index
        %get3A_840 = tpu.vector_load %arg6[%get3A_837, %get3A_838, %get3A_839] {strides = array<i32>} : memref<4x20x1024xf32, #tpu.memory_space<vmem>>, vector<1x1x16xf32>,
        %get3A_841 = vector.shape_cast %get3A_840 : vector<1x1x16xf32> to vector<16xf32>
        %mul3A_842 = arith.constant 16 : i32
        %mul3A_843 = arith.muli %scan3A_705, %mul3A_842 : i32
        %get3A_844 = arith.constant 0 : i32
        %get3A_845 = arith.constant 15 : i32
        %get3A_846 = arith.index_cast %get3A_844 : i32 to index
        %get3A_847 = arith.index_cast %get3A_845 : i32 to index
        %get3A_848 = arith.index_cast %mul3A_843 : i32 to index
        %get3A_849 = tpu.vector_load %arg6[%get3A_846, %get3A_847, %get3A_848] {strides = array<i32>} : memref<4x20x1024xf32, #tpu.memory_space<vmem>>, vector<1x1x16xf32>,
        %get3A_850 = vector.shape_cast %get3A_849 : vector<1x1x16xf32> to vector<16xf32>
        %mul3A_851 = arith.constant 16 : i32
        %mul3A_852 = arith.muli %scan3A_705, %mul3A_851 : i32
        %get3A_853 = arith.constant 0 : i32
        %get3A_854 = arith.constant 16 : i32
        %get3A_855 = arith.index_cast %get3A_853 : i32 to index
        %get3A_856 = arith.index_cast %get3A_854 : i32 to index
        %get3A_857 = arith.index_cast %mul3A_852 : i32 to index
        %get3A_858 = tpu.vector_load %arg6[%get3A_855, %get3A_856, %get3A_857] {strides = array<i32>} : memref<4x20x1024xf32, #tpu.memory_space<vmem>>, vector<1x1x16xf32>,
        %get3A_859 = vector.shape_cast %get3A_858 : vector<1x1x16xf32> to vector<16xf32>
        %mul3A_860 = arith.constant 16 : i32
        %mul3A_861 = arith.muli %scan3A_705, %mul3A_860 : i32
        %get3A_862 = arith.constant 0 : i32
        %get3A_863 = arith.constant 17 : i32
        %get3A_864 = arith.index_cast %get3A_862 : i32 to index
        %get3A_865 = arith.index_cast %get3A_863 : i32 to index
        %get3A_866 = arith.index_cast %mul3A_861 : i32 to index
        %get3A_867 = tpu.vector_load %arg6[%get3A_864, %get3A_865, %get3A_866] {strides = array<i32>} : memref<4x20x1024xf32, #tpu.memory_space<vmem>>, vector<1x1x16xf32>,
        %get3A_868 = vector.shape_cast %get3A_867 : vector<1x1x16xf32> to vector<16xf32>
        %mul3A_869 = arith.constant 16 : i32
        %mul3A_870 = arith.muli %scan3A_705, %mul3A_869 : i32
        %get3A_871 = arith.constant 0 : i32
        %get3A_872 = arith.constant 18 : i32
        %get3A_873 = arith.index_cast %get3A_871 : i32 to index
        %get3A_874 = arith.index_cast %get3A_872 : i32 to index
        %get3A_875 = arith.index_cast %mul3A_870 : i32 to index
        %get3A_876 = tpu.vector_load %arg6[%get3A_873, %get3A_874, %get3A_875] {strides = array<i32>} : memref<4x20x1024xf32, #tpu.memory_space<vmem>>, vector<1x1x16xf32>,
        %get3A_877 = vector.shape_cast %get3A_876 : vector<1x1x16xf32> to vector<16xf32>
        %mul3A_878 = arith.constant 16 : i32
        %mul3A_879 = arith.muli %scan3A_705, %mul3A_878 : i32
        %get3A_880 = arith.constant 0 : i32
        %get3A_881 = arith.constant 19 : i32
        %get3A_882 = arith.index_cast %get3A_880 : i32 to index
        %get3A_883 = arith.index_cast %get3A_881 : i32 to index
        %get3A_884 = arith.index_cast %mul3A_879 : i32 to index
        %get3A_885 = tpu.vector_load %arg6[%get3A_882, %get3A_883, %get3A_884] {strides = array<i32>} : memref<4x20x1024xf32, #tpu.memory_space<vmem>>, vector<1x1x16xf32>,
        %get3A_886 = vector.shape_cast %get3A_885 : vector<1x1x16xf32> to vector<16xf32>
        %add3A_887 = arith.addf %get3A_715, %get3A_724 : vector<16xf32>
        %add3A_888 = arith.addf %get3A_733, %get3A_742 : vector<16xf32>
        %add3A_889 = arith.addf %get3A_751, %get3A_760 : vector<16xf32>
        %add3A_890 = arith.addf %get3A_769, %get3A_778 : vector<16xf32>
        %add3A_891 = arith.addf %get3A_787, %get3A_796 : vector<16xf32>
        %add3A_892 = arith.addf %get3A_805, %get3A_814 : vector<16xf32>
        %add3A_893 = arith.addf %get3A_823, %get3A_832 : vector<16xf32>
        %add3A_894 = arith.addf %get3A_841, %get3A_850 : vector<16xf32>
        %add3A_895 = arith.addf %get3A_859, %get3A_868 : vector<16xf32>
        %add3A_896 = arith.addf %get3A_877, %get3A_886 : vector<16xf32>
        %add3A_897 = arith.addf %add3A_887, %add3A_888 : vector<16xf32>
        %add3A_898 = arith.addf %add3A_889, %add3A_890 : vector<16xf32>
        %add3A_899 = arith.addf %add3A_891, %add3A_892 : vector<16xf32>
        %add3A_900 = arith.addf %add3A_893, %add3A_894 : vector<16xf32>
        %add3A_901 = arith.addf %add3A_895, %add3A_896 : vector<16xf32>
        %add3A_902 = arith.addf %add3A_897, %add3A_898 : vector<16xf32>
        %add3A_903 = arith.addf %add3A_899, %add3A_900 : vector<16xf32>
        %add3A_904 = arith.addf %add3A_903, %add3A_901 : vector<16xf32>
        %add3A_905 = arith.addf %add3A_902, %add3A_904 : vector<16xf32>
        %mul3A_906 = arith.constant 16 : i32
        %mul3A_907 = arith.muli %scan3A_705, %mul3A_906 : i32
        %swap3A = arith.constant 0 : i32
        %swap3A_908 = arith.index_cast %swap3A : i32 to index
        %swap3A_909 = arith.index_cast %mul3A_907 : i32 to index
        %swap3A_910 = tpu.vector_load %arg7[%swap3A_908, %swap3A_909] {strides = array<i32>} : memref<4x1024xf32, #tpu.memory_space<vmem>>, vector<1x16xf32>,
        %swap3A_911 = vector.shape_cast %swap3A_910 : vector<1x16xf32> to vector<16xf32>
        %swap3A_912 = vector.shape_cast %add3A_905 : vector<16xf32> to vector<1x16xf32>
        tpu.vector_store %arg7[%swap3A_908, %swap3A_909], %swap3A_912 {strides = array<i32>} : memref<4x1024xf32, #tpu.memory_space<vmem>>, vector<1x16xf32>,
        %add3A_913 = arith.addf %scan3A_706, %add3A_905 : vector<16xf32>
        %mul3A_914 = arith.mulf %add3A_905, %add3A_905 : vector<16xf32>
        %add3A_915 = arith.addf %scan3A_707, %mul3A_914 : vector<16xf32>
        %scan3A_916 = arith.constant 1 : i32
        %scan3A_917 = arith.addi %scan3A_705, %scan3A_916 : i32
        %mul3A_918 = arith.constant 16 : i32
        %mul3A_919 = arith.muli %scan3A_917, %mul3A_918 : i32
        %get3A_920 = arith.constant 0 : i32
        %get3A_921 = arith.constant 0 : i32
        %get3A_922 = arith.index_cast %get3A_920 : i32 to index
        %get3A_923 = arith.index_cast %get3A_921 : i32 to index
        %get3A_924 = arith.index_cast %mul3A_919 : i32 to index
        %get3A_925 = tpu.vector_load %arg6[%get3A_922, %get3A_923, %get3A_924] {strides = array<i32>} : memref<4x20x1024xf32, #tpu.memory_space<vmem>>, vector<1x1x16xf32>,
        %get3A_926 = vector.shape_cast %get3A_925 : vector<1x1x16xf32> to vector<16xf32>
        %mul3A_927 = arith.constant 16 : i32
        %mul3A_928 = arith.muli %scan3A_917, %mul3A_927 : i32
        %get3A_929 = arith.constant 0 : i32
        %get3A_930 = arith.constant 1 : i32
        %get3A_931 = arith.index_cast %get3A_929 : i32 to index
        %get3A_932 = arith.index_cast %get3A_930 : i32 to index
        %get3A_933 = arith.index_cast %mul3A_928 : i32 to index
        %get3A_934 = tpu.vector_load %arg6[%get3A_931, %get3A_932, %get3A_933] {strides = array<i32>} : memref<4x20x1024xf32, #tpu.memory_space<vmem>>, vector<1x1x16xf32>,
        %get3A_935 = vector.shape_cast %get3A_934 : vector<1x1x16xf32> to vector<16xf32>
        %mul3A_936 = arith.constant 16 : i32
        %mul3A_937 = arith.muli %scan3A_917, %mul3A_936 : i32
        %get3A_938 = arith.constant 0 : i32
        %get3A_939 = arith.constant 2 : i32
        %get3A_940 = arith.index_cast %get3A_938 : i32 to index
        %get3A_941 = arith.index_cast %get3A_939 : i32 to index
        %get3A_942 = arith.index_cast %mul3A_937 : i32 to index
        %get3A_943 = tpu.vector_load %arg6[%get3A_940, %get3A_941, %get3A_942] {strides = array<i32>} : memref<4x20x1024xf32, #tpu.memory_space<vmem>>, vector<1x1x16xf32>,
        %get3A_944 = vector.shape_cast %get3A_943 : vector<1x1x16xf32> to vector<16xf32>
        %mul3A_945 = arith.constant 16 : i32
        %mul3A_946 = arith.muli %scan3A_917, %mul3A_945 : i32
        %get3A_947 = arith.constant 0 : i32
        %get3A_948 = arith.constant 3 : i32
        %get3A_949 = arith.index_cast %get3A_947 : i32 to index
        %get3A_950 = arith.index_cast %get3A_948 : i32 to index
        %get3A_951 = arith.index_cast %mul3A_946 : i32 to index
        %get3A_952 = tpu.vector_load %arg6[%get3A_949, %get3A_950, %get3A_951] {strides = array<i32>} : memref<4x20x1024xf32, #tpu.memory_space<vmem>>, vector<1x1x16xf32>,
        %get3A_953 = vector.shape_cast %get3A_952 : vector<1x1x16xf32> to vector<16xf32>
        %mul3A_954 = arith.constant 16 : i32
        %mul3A_955 = arith.muli %scan3A_917, %mul3A_954 : i32
        %get3A_956 = arith.constant 0 : i32
        %get3A_957 = arith.constant 4 : i32
        %get3A_958 = arith.index_cast %get3A_956 : i32 to index
        %get3A_959 = arith.index_cast %get3A_957 : i32 to index
        %get3A_960 = arith.index_cast %mul3A_955 : i32 to index
        %get3A_961 = tpu.vector_load %arg6[%get3A_958, %get3A_959, %get3A_960] {strides = array<i32>} : memref<4x20x1024xf32, #tpu.memory_space<vmem>>, vector<1x1x16xf32>,
        %get3A_962 = vector.shape_cast %get3A_961 : vector<1x1x16xf32> to vector<16xf32>
        %mul3A_963 = arith.constant 16 : i32
        %mul3A_964 = arith.muli %scan3A_917, %mul3A_963 : i32
        %get3A_965 = arith.constant 0 : i32
        %get3A_966 = arith.constant 5 : i32
        %get3A_967 = arith.index_cast %get3A_965 : i32 to index
        %get3A_968 = arith.index_cast %get3A_966 : i32 to index
        %get3A_969 = arith.index_cast %mul3A_964 : i32 to index
        %get3A_970 = tpu.vector_load %arg6[%get3A_967, %get3A_968, %get3A_969] {strides = array<i32>} : memref<4x20x1024xf32, #tpu.memory_space<vmem>>, vector<1x1x16xf32>,
        %get3A_971 = vector.shape_cast %get3A_970 : vector<1x1x16xf32> to vector<16xf32>
        %mul3A_972 = arith.constant 16 : i32
        %mul3A_973 = arith.muli %scan3A_917, %mul3A_972 : i32
        %get3A_974 = arith.constant 0 : i32
        %get3A_975 = arith.constant 6 : i32
        %get3A_976 = arith.index_cast %get3A_974 : i32 to index
        %get3A_977 = arith.index_cast %get3A_975 : i32 to index
        %get3A_978 = arith.index_cast %mul3A_973 : i32 to index
        %get3A_979 = tpu.vector_load %arg6[%get3A_976, %get3A_977, %get3A_978] {strides = array<i32>} : memref<4x20x1024xf32, #tpu.memory_space<vmem>>, vector<1x1x16xf32>,
        %get3A_980 = vector.shape_cast %get3A_979 : vector<1x1x16xf32> to vector<16xf32>
        %mul3A_981 = arith.constant 16 : i32
        %mul3A_982 = arith.muli %scan3A_917, %mul3A_981 : i32
        %get3A_983 = arith.constant 0 : i32
        %get3A_984 = arith.constant 7 : i32
        %get3A_985 = arith.index_cast %get3A_983 : i32 to index
        %get3A_986 = arith.index_cast %get3A_984 : i32 to index
        %get3A_987 = arith.index_cast %mul3A_982 : i32 to index
        %get3A_988 = tpu.vector_load %arg6[%get3A_985, %get3A_986, %get3A_987] {strides = array<i32>} : memref<4x20x1024xf32, #tpu.memory_space<vmem>>, vector<1x1x16xf32>,
        %get3A_989 = vector.shape_cast %get3A_988 : vector<1x1x16xf32> to vector<16xf32>
        %mul3A_990 = arith.constant 16 : i32
        %mul3A_991 = arith.muli %scan3A_917, %mul3A_990 : i32
        %get3A_992 = arith.constant 0 : i32
        %get3A_993 = arith.constant 8 : i32
        %get3A_994 = arith.index_cast %get3A_992 : i32 to index
        %get3A_995 = arith.index_cast %get3A_993 : i32 to index
        %get3A_996 = arith.index_cast %mul3A_991 : i32 to index
        %get3A_997 = tpu.vector_load %arg6[%get3A_994, %get3A_995, %get3A_996] {strides = array<i32>} : memref<4x20x1024xf32, #tpu.memory_space<vmem>>, vector<1x1x16xf32>,
        %get3A_998 = vector.shape_cast %get3A_997 : vector<1x1x16xf32> to vector<16xf32>
        %mul3A_999 = arith.constant 16 : i32
        %mul3A_1000 = arith.muli %scan3A_917, %mul3A_999 : i32
        %get3A_1001 = arith.constant 0 : i32
        %get3A_1002 = arith.constant 9 : i32
        %get3A_1003 = arith.index_cast %get3A_1001 : i32 to index
        %get3A_1004 = arith.index_cast %get3A_1002 : i32 to index
        %get3A_1005 = arith.index_cast %mul3A_1000 : i32 to index
        %get3A_1006 = tpu.vector_load %arg6[%get3A_1003, %get3A_1004, %get3A_1005] {strides = array<i32>} : memref<4x20x1024xf32, #tpu.memory_space<vmem>>, vector<1x1x16xf32>,
        %get3A_1007 = vector.shape_cast %get3A_1006 : vector<1x1x16xf32> to vector<16xf32>
        %mul3A_1008 = arith.constant 16 : i32
        %mul3A_1009 = arith.muli %scan3A_917, %mul3A_1008 : i32
        %get3A_1010 = arith.constant 0 : i32
        %get3A_1011 = arith.constant 10 : i32
        %get3A_1012 = arith.index_cast %get3A_1010 : i32 to index
        %get3A_1013 = arith.index_cast %get3A_1011 : i32 to index
        %get3A_1014 = arith.index_cast %mul3A_1009 : i32 to index
        %get3A_1015 = tpu.vector_load %arg6[%get3A_1012, %get3A_1013, %get3A_1014] {strides = array<i32>} : memref<4x20x1024xf32, #tpu.memory_space<vmem>>, vector<1x1x16xf32>,
        %get3A_1016 = vector.shape_cast %get3A_1015 : vector<1x1x16xf32> to vector<16xf32>
        %mul3A_1017 = arith.constant 16 : i32
        %mul3A_1018 = arith.muli %scan3A_917, %mul3A_1017 : i32
        %get3A_1019 = arith.constant 0 : i32
        %get3A_1020 = arith.constant 11 : i32
        %get3A_1021 = arith.index_cast %get3A_1019 : i32 to index
        %get3A_1022 = arith.index_cast %get3A_1020 : i32 to index
        %get3A_1023 = arith.index_cast %mul3A_1018 : i32 to index
        %get3A_1024 = tpu.vector_load %arg6[%get3A_1021, %get3A_1022, %get3A_1023] {strides = array<i32>} : memref<4x20x1024xf32, #tpu.memory_space<vmem>>, vector<1x1x16xf32>,
        %get3A_1025 = vector.shape_cast %get3A_1024 : vector<1x1x16xf32> to vector<16xf32>
        %mul3A_1026 = arith.constant 16 : i32
        %mul3A_1027 = arith.muli %scan3A_917, %mul3A_1026 : i32
        %get3A_1028 = arith.constant 0 : i32
        %get3A_1029 = arith.constant 12 : i32
        %get3A_1030 = arith.index_cast %get3A_1028 : i32 to index
        %get3A_1031 = arith.index_cast %get3A_1029 : i32 to index
        %get3A_1032 = arith.index_cast %mul3A_1027 : i32 to index
        %get3A_1033 = tpu.vector_load %arg6[%get3A_1030, %get3A_1031, %get3A_1032] {strides = array<i32>} : memref<4x20x1024xf32, #tpu.memory_space<vmem>>, vector<1x1x16xf32>,
        %get3A_1034 = vector.shape_cast %get3A_1033 : vector<1x1x16xf32> to vector<16xf32>
        %mul3A_1035 = arith.constant 16 : i32
        %mul3A_1036 = arith.muli %scan3A_917, %mul3A_1035 : i32
        %get3A_1037 = arith.constant 0 : i32
        %get3A_1038 = arith.constant 13 : i32
        %get3A_1039 = arith.index_cast %get3A_1037 : i32 to index
        %get3A_1040 = arith.index_cast %get3A_1038 : i32 to index
        %get3A_1041 = arith.index_cast %mul3A_1036 : i32 to index
        %get3A_1042 = tpu.vector_load %arg6[%get3A_1039, %get3A_1040, %get3A_1041] {strides = array<i32>} : memref<4x20x1024xf32, #tpu.memory_space<vmem>>, vector<1x1x16xf32>,
        %get3A_1043 = vector.shape_cast %get3A_1042 : vector<1x1x16xf32> to vector<16xf32>
        %mul3A_1044 = arith.constant 16 : i32
        %mul3A_1045 = arith.muli %scan3A_917, %mul3A_1044 : i32
        %get3A_1046 = arith.constant 0 : i32
        %get3A_1047 = arith.constant 14 : i32
        %get3A_1048 = arith.index_cast %get3A_1046 : i32 to index
        %get3A_1049 = arith.index_cast %get3A_1047 : i32 to index
        %get3A_1050 = arith.index_cast %mul3A_1045 : i32 to index
        %get3A_1051 = tpu.vector_load %arg6[%get3A_1048, %get3A_1049, %get3A_1050] {strides = array<i32>} : memref<4x20x1024xf32, #tpu.memory_space<vmem>>, vector<1x1x16xf32>,
        %get3A_1052 = vector.shape_cast %get3A_1051 : vector<1x1x16xf32> to vector<16xf32>
        %mul3A_1053 = arith.constant 16 : i32
        %mul3A_1054 = arith.muli %scan3A_917, %mul3A_1053 : i32
        %get3A_1055 = arith.constant 0 : i32
        %get3A_1056 = arith.constant 15 : i32
        %get3A_1057 = arith.index_cast %get3A_1055 : i32 to index
        %get3A_1058 = arith.index_cast %get3A_1056 : i32 to index
        %get3A_1059 = arith.index_cast %mul3A_1054 : i32 to index
        %get3A_1060 = tpu.vector_load %arg6[%get3A_1057, %get3A_1058, %get3A_1059] {strides = array<i32>} : memref<4x20x1024xf32, #tpu.memory_space<vmem>>, vector<1x1x16xf32>,
        %get3A_1061 = vector.shape_cast %get3A_1060 : vector<1x1x16xf32> to vector<16xf32>
        %mul3A_1062 = arith.constant 16 : i32
        %mul3A_1063 = arith.muli %scan3A_917, %mul3A_1062 : i32
        %get3A_1064 = arith.constant 0 : i32
        %get3A_1065 = arith.constant 16 : i32
        %get3A_1066 = arith.index_cast %get3A_1064 : i32 to index
        %get3A_1067 = arith.index_cast %get3A_1065 : i32 to index
        %get3A_1068 = arith.index_cast %mul3A_1063 : i32 to index
        %get3A_1069 = tpu.vector_load %arg6[%get3A_1066, %get3A_1067, %get3A_1068] {strides = array<i32>} : memref<4x20x1024xf32, #tpu.memory_space<vmem>>, vector<1x1x16xf32>,
        %get3A_1070 = vector.shape_cast %get3A_1069 : vector<1x1x16xf32> to vector<16xf32>
        %mul3A_1071 = arith.constant 16 : i32
        %mul3A_1072 = arith.muli %scan3A_917, %mul3A_1071 : i32
        %get3A_1073 = arith.constant 0 : i32
        %get3A_1074 = arith.constant 17 : i32
        %get3A_1075 = arith.index_cast %get3A_1073 : i32 to index
        %get3A_1076 = arith.index_cast %get3A_1074 : i32 to index
        %get3A_1077 = arith.index_cast %mul3A_1072 : i32 to index
        %get3A_1078 = tpu.vector_load %arg6[%get3A_1075, %get3A_1076, %get3A_1077] {strides = array<i32>} : memref<4x20x1024xf32, #tpu.memory_space<vmem>>, vector<1x1x16xf32>,
        %get3A_1079 = vector.shape_cast %get3A_1078 : vector<1x1x16xf32> to vector<16xf32>
        %mul3A_1080 = arith.constant 16 : i32
        %mul3A_1081 = arith.muli %scan3A_917, %mul3A_1080 : i32
        %get3A_1082 = arith.constant 0 : i32
        %get3A_1083 = arith.constant 18 : i32
        %get3A_1084 = arith.index_cast %get3A_1082 : i32 to index
        %get3A_1085 = arith.index_cast %get3A_1083 : i32 to index
        %get3A_1086 = arith.index_cast %mul3A_1081 : i32 to index
        %get3A_1087 = tpu.vector_load %arg6[%get3A_1084, %get3A_1085, %get3A_1086] {strides = array<i32>} : memref<4x20x1024xf32, #tpu.memory_space<vmem>>, vector<1x1x16xf32>,
        %get3A_1088 = vector.shape_cast %get3A_1087 : vector<1x1x16xf32> to vector<16xf32>
        %mul3A_1089 = arith.constant 16 : i32
        %mul3A_1090 = arith.muli %scan3A_917, %mul3A_1089 : i32
        %get3A_1091 = arith.constant 0 : i32
        %get3A_1092 = arith.constant 19 : i32
        %get3A_1093 = arith.index_cast %get3A_1091 : i32 to index
        %get3A_1094 = arith.index_cast %get3A_1092 : i32 to index
        %get3A_1095 = arith.index_cast %mul3A_1090 : i32 to index
        %get3A_1096 = tpu.vector_load %arg6[%get3A_1093, %get3A_1094, %get3A_1095] {strides = array<i32>} : memref<4x20x1024xf32, #tpu.memory_space<vmem>>, vector<1x1x16xf32>,
        %get3A_1097 = vector.shape_cast %get3A_1096 : vector<1x1x16xf32> to vector<16xf32>
        %add3A_1098 = arith.addf %get3A_926, %get3A_935 : vector<16xf32>
        %add3A_1099 = arith.addf %get3A_944, %get3A_953 : vector<16xf32>
        %add3A_1100 = arith.addf %get3A_962, %get3A_971 : vector<16xf32>
        %add3A_1101 = arith.addf %get3A_980, %get3A_989 : vector<16xf32>
        %add3A_1102 = arith.addf %get3A_998, %get3A_1007 : vector<16xf32>
        %add3A_1103 = arith.addf %get3A_1016, %get3A_1025 : vector<16xf32>
        %add3A_1104 = arith.addf %get3A_1034, %get3A_1043 : vector<16xf32>
        %add3A_1105 = arith.addf %get3A_1052, %get3A_1061 : vector<16xf32>
        %add3A_1106 = arith.addf %get3A_1070, %get3A_1079 : vector<16xf32>
        %add3A_1107 = arith.addf %get3A_1088, %get3A_1097 : vector<16xf32>
        %add3A_1108 = arith.addf %add3A_1098, %add3A_1099 : vector<16xf32>
        %add3A_1109 = arith.addf %add3A_1100, %add3A_1101 : vector<16xf32>
        %add3A_1110 = arith.addf %add3A_1102, %add3A_1103 : vector<16xf32>
        %add3A_1111 = arith.addf %add3A_1104, %add3A_1105 : vector<16xf32>
        %add3A_1112 = arith.addf %add3A_1106, %add3A_1107 : vector<16xf32>
        %add3A_1113 = arith.addf %add3A_1108, %add3A_1109 : vector<16xf32>
        %add3A_1114 = arith.addf %add3A_1110, %add3A_1111 : vector<16xf32>
        %add3A_1115 = arith.addf %add3A_1114, %add3A_1112 : vector<16xf32>
        %add3A_1116 = arith.addf %add3A_1113, %add3A_1115 : vector<16xf32>
        %mul3A_1117 = arith.constant 16 : i32
        %mul3A_1118 = arith.muli %scan3A_917, %mul3A_1117 : i32
        %swap3A_1119 = arith.constant 0 : i32
        %swap3A_1120 = arith.index_cast %swap3A_1119 : i32 to index
        %swap3A_1121 = arith.index_cast %mul3A_1118 : i32 to index
        %swap3A_1122 = tpu.vector_load %arg7[%swap3A_1120, %swap3A_1121] {strides = array<i32>} : memref<4x1024xf32, #tpu.memory_space<vmem>>, vector<1x16xf32>,
        %swap3A_1123 = vector.shape_cast %swap3A_1122 : vector<1x16xf32> to vector<16xf32>
        %swap3A_1124 = vector.shape_cast %add3A_1116 : vector<16xf32> to vector<1x16xf32>
        tpu.vector_store %arg7[%swap3A_1120, %swap3A_1121], %swap3A_1124 {strides = array<i32>} : memref<4x1024xf32, #tpu.memory_space<vmem>>, vector<1x16xf32>,
        %add3A_1125 = arith.addf %add3A_913, %add3A_1116 : vector<16xf32>
        %mul3A_1126 = arith.mulf %add3A_1116, %add3A_1116 : vector<16xf32>
        %add3A_1127 = arith.addf %add3A_915, %mul3A_1126 : vector<16xf32>
        scf.yield %add3A_1125, %add3A_1127 : vector<16xf32>, vector<16xf32>
      }
      %scan3A_134 = arith.constant 64 : i32
      %iota3A = tpu.iota {dimensions = array<i32: 0>} : vector<16xi32>
      %xor3A = arith.constant 1 : i32
      %xor3A_135 = vector.broadcast %xor3A : i32 to vector<16xi32>
      %xor3A_136 = arith.xori %iota3A, %xor3A_135 : vector<16xi32>
      %broadcast_in_dim3A_137 = vector.shape_cast %xor3A_136 : vector<16xi32> to vector<16x1xi32>
      %gather3A = vector.shape_cast %broadcast_in_dim3A_137 : vector<16x1xi32> to vector<16xi32>
      %gather3A_138 = tpu.dynamic_gather %scan3A_133#0[%gather3A] in [0] : vector<16xf32>, vector<16xi32> -> vector<16xf32>
      %add3A_139 = arith.addf %scan3A_133#0, %gather3A_138 : vector<16xf32>
      %xor3A_140 = arith.constant 2 : i32
      %xor3A_141 = vector.broadcast %xor3A_140 : i32 to vector<16xi32>
      %xor3A_142 = arith.xori %iota3A, %xor3A_141 : vector<16xi32>
      %broadcast_in_dim3A_143 = vector.shape_cast %xor3A_142 : vector<16xi32> to vector<16x1xi32>
      %gather3A_144 = vector.shape_cast %broadcast_in_dim3A_143 : vector<16x1xi32> to vector<16xi32>
      %gather3A_145 = tpu.dynamic_gather %add3A_139[%gather3A_144] in [0] : vector<16xf32>, vector<16xi32> -> vector<16xf32>
      %add3A_146 = arith.addf %add3A_139, %gather3A_145 : vector<16xf32>
      %xor3A_147 = arith.constant 4 : i32
      %xor3A_148 = vector.broadcast %xor3A_147 : i32 to vector<16xi32>
      %xor3A_149 = arith.xori %iota3A, %xor3A_148 : vector<16xi32>
      %broadcast_in_dim3A_150 = vector.shape_cast %xor3A_149 : vector<16xi32> to vector<16x1xi32>
      %gather3A_151 = vector.shape_cast %broadcast_in_dim3A_150 : vector<16x1xi32> to vector<16xi32>
      %gather3A_152 = tpu.dynamic_gather %add3A_146[%gather3A_151] in [0] : vector<16xf32>, vector<16xi32> -> vector<16xf32>
      %add3A_153 = arith.addf %add3A_146, %gather3A_152 : vector<16xf32>
      %xor3A_154 = arith.constant 8 : i32
      %xor3A_155 = vector.broadcast %xor3A_154 : i32 to vector<16xi32>
      %xor3A_156 = arith.xori %iota3A, %xor3A_155 : vector<16xi32>
      %broadcast_in_dim3A_157 = vector.shape_cast %xor3A_156 : vector<16xi32> to vector<16x1xi32>
      %gather3A_158 = vector.shape_cast %broadcast_in_dim3A_157 : vector<16x1xi32> to vector<16xi32>
      %gather3A_159 = tpu.dynamic_gather %add3A_153[%gather3A_158] in [0] : vector<16xf32>, vector<16xi32> -> vector<16xf32>
      %add3A_160 = arith.addf %add3A_153, %gather3A_159 : vector<16xf32>
      %mul3A_161 = arith.constant 9.765625E-4 : f32
      %mul3A_162 = vector.broadcast %mul3A_161 : f32 to vector<16xf32>
      %mul3A_163 = arith.mulf %add3A_160, %mul3A_162 : vector<16xf32>
      %iota3A_164 = tpu.iota {dimensions = array<i32: 0>} : vector<16xi32>
      %xor3A_165 = arith.constant 1 : i32
      %xor3A_166 = vector.broadcast %xor3A_165 : i32 to vector<16xi32>
      %xor3A_167 = arith.xori %iota3A_164, %xor3A_166 : vector<16xi32>
      %broadcast_in_dim3A_168 = vector.shape_cast %xor3A_167 : vector<16xi32> to vector<16x1xi32>
      %gather3A_169 = vector.shape_cast %broadcast_in_dim3A_168 : vector<16x1xi32> to vector<16xi32>
      %gather3A_170 = tpu.dynamic_gather %scan3A_133#1[%gather3A_169] in [0] : vector<16xf32>, vector<16xi32> -> vector<16xf32>
      %add3A_171 = arith.addf %scan3A_133#1, %gather3A_170 : vector<16xf32>
      %xor3A_172 = arith.constant 2 : i32
      %xor3A_173 = vector.broadcast %xor3A_172 : i32 to vector<16xi32>
      %xor3A_174 = arith.xori %iota3A_164, %xor3A_173 : vector<16xi32>
      %broadcast_in_dim3A_175 = vector.shape_cast %xor3A_174 : vector<16xi32> to vector<16x1xi32>
      %gather3A_176 = vector.shape_cast %broadcast_in_dim3A_175 : vector<16x1xi32> to vector<16xi32>
      %gather3A_177 = tpu.dynamic_gather %add3A_171[%gather3A_176] in [0] : vector<16xf32>, vector<16xi32> -> vector<16xf32>
      %add3A_178 = arith.addf %add3A_171, %gather3A_177 : vector<16xf32>
      %xor3A_179 = arith.constant 4 : i32
      %xor3A_180 = vector.broadcast %xor3A_179 : i32 to vector<16xi32>
      %xor3A_181 = arith.xori %iota3A_164, %xor3A_180 : vector<16xi32>
      %broadcast_in_dim3A_182 = vector.shape_cast %xor3A_181 : vector<16xi32> to vector<16x1xi32>
      %gather3A_183 = vector.shape_cast %broadcast_in_dim3A_182 : vector<16x1xi32> to vector<16xi32>
      %gather3A_184 = tpu.dynamic_gather %add3A_178[%gather3A_183] in [0] : vector<16xf32>, vector<16xi32> -> vector<16xf32>
      %add3A_185 = arith.addf %add3A_178, %gather3A_184 : vector<16xf32>
      %xor3A_186 = arith.constant 8 : i32
      %xor3A_187 = vector.broadcast %xor3A_186 : i32 to vector<16xi32>
      %xor3A_188 = arith.xori %iota3A_164, %xor3A_187 : vector<16xi32>
      %broadcast_in_dim3A_189 = vector.shape_cast %xor3A_188 : vector<16xi32> to vector<16x1xi32>
      %gather3A_190 = vector.shape_cast %broadcast_in_dim3A_189 : vector<16x1xi32> to vector<16xi32>
      %gather3A_191 = tpu.dynamic_gather %add3A_185[%gather3A_190] in [0] : vector<16xf32>, vector<16xi32> -> vector<16xf32>
      %add3A_192 = arith.addf %add3A_185, %gather3A_191 : vector<16xf32>
      %mul3A_193 = arith.constant 9.765625E-4 : f32
      %mul3A_194 = vector.broadcast %mul3A_193 : f32 to vector<16xf32>
      %mul3A_195 = arith.mulf %add3A_192, %mul3A_194 : vector<16xf32>
      %mul3A_196 = arith.mulf %mul3A_163, %mul3A_163 : vector<16xf32>
      %sub3A_197 = arith.subf %mul3A_195, %mul3A_196 : vector<16xf32>
      %add3A_198 = arith.constant 9.99999974E-6 : f32
      %add3A_199 = vector.broadcast %add3A_198 : f32 to vector<16xf32>
      %add3A_200 = arith.addf %sub3A_197, %add3A_199 : vector<16xf32>
      %bitcast_convert_type3A = tpu.bitcast %add3A_200 : vector<16xf32> -> vector<16xi32>
      %shift_right_arithmetic3A = arith.constant 1 : i32
      %shift_right_arithmetic3A_201 = vector.broadcast %shift_right_arithmetic3A : i32 to vector<16xi32>
      %shift_right_arithmetic3A_202 = arith.shrsi %bitcast_convert_type3A, %shift_right_arithmetic3A_201 : vector<16xi32>
      %sub3A_203 = arith.constant 1597463007 : i32
      %sub3A_204 = vector.broadcast %sub3A_203 : i32 to vector<16xi32>
      %sub3A_205 = arith.subi %sub3A_204, %shift_right_arithmetic3A_202 : vector<16xi32>
      %bitcast_convert_type3A_206 = tpu.bitcast %sub3A_205 : vector<16xi32> -> vector<16xf32>
      %mul3A_207 = arith.constant 5.000000e-01 : f32
      %mul3A_208 = vector.broadcast %mul3A_207 : f32 to vector<16xf32>
      %mul3A_209 = arith.mulf %add3A_200, %mul3A_208 : vector<16xf32>
      %mul3A_210 = arith.mulf %mul3A_209, %bitcast_convert_type3A_206 : vector<16xf32>
      %mul3A_211 = arith.mulf %mul3A_210, %bitcast_convert_type3A_206 : vector<16xf32>
      %sub3A_212 = arith.constant 1.500000e+00 : f32
      %sub3A_213 = vector.broadcast %sub3A_212 : f32 to vector<16xf32>
      %sub3A_214 = arith.subf %sub3A_213, %mul3A_211 : vector<16xf32>
      %mul3A_215 = arith.mulf %bitcast_convert_type3A_206, %sub3A_214 : vector<16xf32>
      %mul3A_216 = arith.mulf %mul3A_209, %mul3A_215 : vector<16xf32>
      %mul3A_217 = arith.mulf %mul3A_216, %mul3A_215 : vector<16xf32>
      %sub3A_218 = arith.constant 1.500000e+00 : f32
      %sub3A_219 = vector.broadcast %sub3A_218 : f32 to vector<16xf32>
      %sub3A_220 = arith.subf %sub3A_219, %mul3A_217 : vector<16xf32>
      %mul3A_221 = arith.mulf %mul3A_215, %sub3A_220 : vector<16xf32>
      %mul3A_222 = arith.mulf %mul3A_209, %mul3A_221 : vector<16xf32>
      %mul3A_223 = arith.mulf %mul3A_222, %mul3A_221 : vector<16xf32>
      %sub3A_224 = arith.constant 1.500000e+00 : f32
      %sub3A_225 = vector.broadcast %sub3A_224 : f32 to vector<16xf32>
      %sub3A_226 = arith.subf %sub3A_225, %mul3A_223 : vector<16xf32>
      %mul3A_227 = arith.mulf %mul3A_221, %sub3A_226 : vector<16xf32>
      %scan3A_228 = arith.constant 0 : i32
      %scan3A_229 = arith.constant 0 : i32
      %scan3A_230 = arith.constant 64 : i32
      %scan3A_231 = arith.addi %scan3A_229, %scan3A_230 : i32
      %scan3A_232 = arith.constant 1 : i32
      %scan3A_233 = scf.for %scan3A_705 = %scan3A_229 to %scan3A_231 step %scan3A_232 iter_args(%scan3A_706 = %scan3A_228) -> (i32)  : i32 {
        %mul3A_707 = arith.constant 16 : i32
        %mul3A_708 = arith.muli %scan3A_705, %mul3A_707 : i32
        %get3A = arith.constant 0 : i32
        %get3A_709 = arith.index_cast %get3A : i32 to index
        %get3A_710 = arith.index_cast %mul3A_708 : i32 to index
        %get3A_711 = tpu.vector_load %arg7[%get3A_709, %get3A_710] {strides = array<i32>} : memref<4x1024xf32, #tpu.memory_space<vmem>>, vector<1x16xf32>,
        %get3A_712 = vector.shape_cast %get3A_711 : vector<1x16xf32> to vector<16xf32>
        %sub3A_713 = arith.subf %get3A_712, %mul3A_163 : vector<16xf32>
        %mul3A_714 = arith.mulf %sub3A_713, %mul3A_227 : vector<16xf32>
        %mul3A_715 = arith.constant 16 : i32
        %mul3A_716 = arith.muli %scan3A_705, %mul3A_715 : i32
        %swap3A = arith.constant 0 : i32
        %swap3A_717 = arith.index_cast %swap3A : i32 to index
        %swap3A_718 = arith.index_cast %mul3A_716 : i32 to index
        %swap3A_719 = tpu.vector_load %arg7[%swap3A_717, %swap3A_718] {strides = array<i32>} : memref<4x1024xf32, #tpu.memory_space<vmem>>, vector<1x16xf32>,
        %swap3A_720 = vector.shape_cast %swap3A_719 : vector<1x16xf32> to vector<16xf32>
        %swap3A_721 = vector.shape_cast %mul3A_714 : vector<16xf32> to vector<1x16xf32>
        tpu.vector_store %arg7[%swap3A_717, %swap3A_718], %swap3A_721 {strides = array<i32>} : memref<4x1024xf32, #tpu.memory_space<vmem>>, vector<1x16xf32>,
        %scan3A_722 = arith.constant 0 : i32
        scf.yield %scan3A_722 : i32
      }
      %scan3A_234 = arith.constant 64 : i32
      %add3A_235 = arith.addi %mul3A_2, %add3A_108 : i32
      %dma_start3A_236 = arith.constant 0 : i32
      %dma_start3A_237 = arith.constant 0 : i32
      %dma_start3A_238 = tpu.memref_slice %arg7[%dma_start3A_236, %dma_start3A_237] : memref<4x1024xf32, #tpu.memory_space<vmem>> -> memref<1x1024xf32, #tpu.memory_space<vmem>>
      %dma_start3A_239 = tpu.memref_squeeze %dma_start3A_238 : memref<1x1024xf32, #tpu.memory_space<vmem>> -> memref<1024xf32, #tpu.memory_space<vmem>>
      %dma_start3A_240 = arith.constant 0 : i32
      %dma_start3A_241 = tpu.memref_slice %arg4[%add3A_235, %dma_start3A_240] : memref<26624x1024xf32, #tpu.memory_space<hbm>> -> memref<1x1024xf32, #tpu.memory_space<hbm>>
      %dma_start3A_242 = tpu.memref_squeeze %dma_start3A_241 : memref<1x1024xf32, #tpu.memory_space<hbm>> -> memref<1024xf32, #tpu.memory_space<hbm>>
      %dma_start3A_243 = arith.constant 0 : i32
      %dma_start3A_244 = tpu.memref_slice %arg4[%add3A_235, %dma_start3A_243] : memref<26624x1024xf32, #tpu.memory_space<hbm>> -> memref<1x1024xf32, #tpu.memory_space<hbm>>
      %dma_start3A_245 = tpu.memref_squeeze %dma_start3A_244 : memref<1x1024xf32, #tpu.memory_space<hbm>> -> memref<1024xf32, #tpu.memory_space<hbm>>
      %dma_start3A_246 = arith.constant 0 : i32
      %dma_start3A_247 = tpu.memref_slice %arg7[%dma_start3A_236, %dma_start3A_246] : memref<4x1024xf32, #tpu.memory_space<vmem>> -> memref<1x1024xf32, #tpu.memory_space<vmem>>
      %dma_start3A_248 = tpu.memref_squeeze %dma_start3A_247 : memref<1x1024xf32, #tpu.memory_space<vmem>> -> memref<1024xf32, #tpu.memory_space<vmem>>
      tpu.enqueue_dma source(%dma_start3A_248 : memref<1024xf32, #tpu.memory_space<vmem>>) target(%dma_start3A_245 : memref<1024xf32, #tpu.memory_space<hbm>>) target_semaphore(%arg12 : memref<!tpu.dma_semaphore, #tpu.memory_space<semaphore_mem>>)
      %add3A_249 = arith.constant 1 : i32
      %add3A_250 = arith.addi %add3A_106, %add3A_249 : i32
      %dma_wait3A_251 = arith.constant 1 : i32
      %dma_wait3A_252 = arith.constant 0 : i32
      %dma_wait3A_253 = arith.constant 0 : i32
      %dma_wait3A_254 = tpu.memref_slice %arg6[%dma_wait3A_251, %dma_wait3A_252, %dma_wait3A_253] : memref<4x20x1024xf32, #tpu.memory_space<vmem>> -> memref<1x20x1024xf32, #tpu.memory_space<vmem>>
      %dma_wait3A_255 = tpu.memref_squeeze %dma_wait3A_254 : memref<1x20x1024xf32, #tpu.memory_space<vmem>> -> memref<20x1024xf32, #tpu.memory_space<vmem>>
      %dma_wait3A_256 = arith.constant 0 : i32
      %dma_wait3A_257 = tpu.memref_slice %arg5[%add3A_250, %dma_wait3A_256] : memref<832x20xi32, #tpu.memory_space<vmem>> -> memref<1x20xi32, #tpu.memory_space<vmem>>
      %dma_wait3A_258 = tpu.memref_squeeze %dma_wait3A_257 : memref<1x20xi32, #tpu.memory_space<vmem>> -> memref<20xi32, #tpu.memory_space<vmem>>
      %dma_wait3A_259 = arith.constant 0 : i32
      %dma_wait3A_260 = arith.constant 0 : i32
      %dma_wait3A_261 = tpu.memref_slice %arg3[%dma_wait3A_259, %dma_wait3A_260] : memref<100000x1024xf32, #tpu.memory_space<hbm>> -> memref<100000x1024xf32, #tpu.memory_space<hbm>>
      tpu.wait_indirect_dma semaphore(%arg9 : memref<!tpu.dma_semaphore, #tpu.memory_space<semaphore_mem>>) src(%dma_wait3A_261 : memref<100000x1024xf32, #tpu.memory_space<hbm>>) dst(%dma_wait3A_255 : memref<20x1024xf32, #tpu.memory_space<vmem>>)
      %ge3A_262 = arith.constant 4 : i32
      %ge3A_263 = arith.cmpi sge, %add3A_250, %ge3A_262 : i32
      %convert_element_type3A_264 = arith.extui %ge3A_263 : i1 to i32
      %cond3A_265 = arith.constant 0 : i32
      %cond3A_266 = arith.cmpi ne, %convert_element_type3A_264, %cond3A_265 : i32
      scf.if %cond3A_266 {
        %add3A_705 = arith.addi %mul3A_2, %add3A_250 : i32
        %sub3A_706 = arith.constant 4 : i32
        %sub3A_707 = arith.subi %add3A_705, %sub3A_706 : i32
        %dma_wait3A_708 = arith.constant 1 : i32
        %dma_wait3A_709 = arith.constant 0 : i32
        %dma_wait3A_710 = tpu.memref_slice %arg7[%dma_wait3A_708, %dma_wait3A_709] : memref<4x1024xf32, #tpu.memory_space<vmem>> -> memref<1x1024xf32, #tpu.memory_space<vmem>>
        %dma_wait3A_711 = tpu.memref_squeeze %dma_wait3A_710 : memref<1x1024xf32, #tpu.memory_space<vmem>> -> memref<1024xf32, #tpu.memory_space<vmem>>
        %dma_wait3A_712 = arith.constant 0 : i32
        %dma_wait3A_713 = tpu.memref_slice %arg4[%sub3A_707, %dma_wait3A_712] : memref<26624x1024xf32, #tpu.memory_space<hbm>> -> memref<1x1024xf32, #tpu.memory_space<hbm>>
        %dma_wait3A_714 = tpu.memref_squeeze %dma_wait3A_713 : memref<1x1024xf32, #tpu.memory_space<hbm>> -> memref<1024xf32, #tpu.memory_space<hbm>>
        %dma_wait3A_715 = arith.constant 0 : i32
        %dma_wait3A_716 = tpu.memref_slice %arg4[%sub3A_707, %dma_wait3A_715] : memref<26624x1024xf32, #tpu.memory_space<hbm>> -> memref<1x1024xf32, #tpu.memory_space<hbm>>
        %dma_wait3A_717 = tpu.memref_squeeze %dma_wait3A_716 : memref<1x1024xf32, #tpu.memory_space<hbm>> -> memref<1024xf32, #tpu.memory_space<hbm>>
        %dma_wait3A_718 = arith.constant 0 : i32
        %dma_wait3A_719 = tpu.memref_slice %arg7[%dma_wait3A_708, %dma_wait3A_718] : memref<4x1024xf32, #tpu.memory_space<vmem>> -> memref<1x1024xf32, #tpu.memory_space<vmem>>
        %dma_wait3A_720 = tpu.memref_squeeze %dma_wait3A_719 : memref<1x1024xf32, #tpu.memory_space<vmem>> -> memref<1024xf32, #tpu.memory_space<vmem>>
        tpu.wait_dma2 semaphore(%arg13 : memref<!tpu.dma_semaphore, #tpu.memory_space<semaphore_mem>>) src(%dma_wait3A_720 : memref<1024xf32, #tpu.memory_space<vmem>>) dst(%dma_wait3A_717 : memref<1024xf32, #tpu.memory_space<hbm>>)
      } else {
      }
      %add3A_267 = arith.constant 4 : i32
      %add3A_268 = arith.addi %add3A_250, %add3A_267 : i32
      %sub3A_269 = arith.constant 1 : i32
      %sub3A_270 = arith.subi %add3A_268, %sub3A_269 : i32
      %lt3A_271 = arith.constant 832 : i32
      %lt3A_272 = arith.cmpi slt, %sub3A_270, %lt3A_271 : i32
      %convert_element_type3A_273 = arith.extui %lt3A_272 : i1 to i32
      %cond3A_274 = arith.constant 0 : i32
      %cond3A_275 = arith.cmpi ne, %convert_element_type3A_273, %cond3A_274 : i32
      scf.if %cond3A_275 {
        %add3A_705 = arith.constant 4 : i32
        %add3A_706 = arith.addi %add3A_250, %add3A_705 : i32
        %sub3A_707 = arith.constant 1 : i32
        %sub3A_708 = arith.subi %add3A_706, %sub3A_707 : i32
        %dma_start3A_709 = arith.constant 0 : i32
        %dma_start3A_710 = arith.constant 0 : i32
        %dma_start3A_711 = arith.constant 0 : i32
        %dma_start3A_712 = tpu.memref_slice %arg6[%dma_start3A_709, %dma_start3A_710, %dma_start3A_711] : memref<4x20x1024xf32, #tpu.memory_space<vmem>> -> memref<1x20x1024xf32, #tpu.memory_space<vmem>>
        %dma_start3A_713 = tpu.memref_squeeze %dma_start3A_712 : memref<1x20x1024xf32, #tpu.memory_space<vmem>> -> memref<20x1024xf32, #tpu.memory_space<vmem>>
        %dma_start3A_714 = arith.constant 0 : i32
        %dma_start3A_715 = tpu.memref_slice %arg5[%sub3A_708, %dma_start3A_714] : memref<832x20xi32, #tpu.memory_space<vmem>> -> memref<1x20xi32, #tpu.memory_space<vmem>>
        %dma_start3A_716 = tpu.memref_squeeze %dma_start3A_715 : memref<1x20xi32, #tpu.memory_space<vmem>> -> memref<20xi32, #tpu.memory_space<vmem>>
        %dma_start3A_717 = arith.constant 0 : i32
        %dma_start3A_718 = arith.constant 0 : i32
        %dma_start3A_719 = tpu.memref_slice %arg3[%dma_start3A_717, %dma_start3A_718] : memref<100000x1024xf32, #tpu.memory_space<hbm>> -> memref<100000x1024xf32, #tpu.memory_space<hbm>>
        tpu.enqueue_indirect_dma source(%dma_start3A_719 : memref<100000x1024xf32, #tpu.memory_space<hbm>>) target(%dma_start3A_713 : memref<20x1024xf32, #tpu.memory_space<vmem>>) offsets(%dma_start3A_716 : memref<20xi32, #tpu.memory_space<vmem>>) semaphore(%arg8 : memref<!tpu.dma_semaphore, #tpu.memory_space<semaphore_mem>>)
      } else {
      }
      %scan3A_276 = arith.constant 0 : i32
      %scan3A_277 = arith.constant 64 : i32
      %scan3A_278 = arith.addi %scan3A_276, %scan3A_277 : i32
      %scan3A_279 = arith.constant 2 : i32
      %scan3A_280:2 = scf.for %scan3A_705 = %scan3A_276 to %scan3A_278 step %scan3A_279 iter_args(%scan3A_706 = %broadcast_in_dim3A_3, %scan3A_707 = %broadcast_in_dim3A_3) -> (vector<16xf32>, vector<16xf32>)  : i32 {
        %mul3A_708 = arith.constant 16 : i32
        %mul3A_709 = arith.muli %scan3A_705, %mul3A_708 : i32
        %get3A = arith.constant 1 : i32
        %get3A_710 = arith.constant 0 : i32
        %get3A_711 = arith.index_cast %get3A : i32 to index
        %get3A_712 = arith.index_cast %get3A_710 : i32 to index
        %get3A_713 = arith.index_cast %mul3A_709 : i32 to index
        %get3A_714 = tpu.vector_load %arg6[%get3A_711, %get3A_712, %get3A_713] {strides = array<i32>} : memref<4x20x1024xf32, #tpu.memory_space<vmem>>, vector<1x1x16xf32>,
        %get3A_715 = vector.shape_cast %get3A_714 : vector<1x1x16xf32> to vector<16xf32>
        %mul3A_716 = arith.constant 16 : i32
        %mul3A_717 = arith.muli %scan3A_705, %mul3A_716 : i32
        %get3A_718 = arith.constant 1 : i32
        %get3A_719 = arith.constant 1 : i32
        %get3A_720 = arith.index_cast %get3A_718 : i32 to index
        %get3A_721 = arith.index_cast %get3A_719 : i32 to index
        %get3A_722 = arith.index_cast %mul3A_717 : i32 to index
        %get3A_723 = tpu.vector_load %arg6[%get3A_720, %get3A_721, %get3A_722] {strides = array<i32>} : memref<4x20x1024xf32, #tpu.memory_space<vmem>>, vector<1x1x16xf32>,
        %get3A_724 = vector.shape_cast %get3A_723 : vector<1x1x16xf32> to vector<16xf32>
        %mul3A_725 = arith.constant 16 : i32
        %mul3A_726 = arith.muli %scan3A_705, %mul3A_725 : i32
        %get3A_727 = arith.constant 1 : i32
        %get3A_728 = arith.constant 2 : i32
        %get3A_729 = arith.index_cast %get3A_727 : i32 to index
        %get3A_730 = arith.index_cast %get3A_728 : i32 to index
        %get3A_731 = arith.index_cast %mul3A_726 : i32 to index
        %get3A_732 = tpu.vector_load %arg6[%get3A_729, %get3A_730, %get3A_731] {strides = array<i32>} : memref<4x20x1024xf32, #tpu.memory_space<vmem>>, vector<1x1x16xf32>,
        %get3A_733 = vector.shape_cast %get3A_732 : vector<1x1x16xf32> to vector<16xf32>
        %mul3A_734 = arith.constant 16 : i32
        %mul3A_735 = arith.muli %scan3A_705, %mul3A_734 : i32
        %get3A_736 = arith.constant 1 : i32
        %get3A_737 = arith.constant 3 : i32
        %get3A_738 = arith.index_cast %get3A_736 : i32 to index
        %get3A_739 = arith.index_cast %get3A_737 : i32 to index
        %get3A_740 = arith.index_cast %mul3A_735 : i32 to index
        %get3A_741 = tpu.vector_load %arg6[%get3A_738, %get3A_739, %get3A_740] {strides = array<i32>} : memref<4x20x1024xf32, #tpu.memory_space<vmem>>, vector<1x1x16xf32>,
        %get3A_742 = vector.shape_cast %get3A_741 : vector<1x1x16xf32> to vector<16xf32>
        %mul3A_743 = arith.constant 16 : i32
        %mul3A_744 = arith.muli %scan3A_705, %mul3A_743 : i32
        %get3A_745 = arith.constant 1 : i32
        %get3A_746 = arith.constant 4 : i32
        %get3A_747 = arith.index_cast %get3A_745 : i32 to index
        %get3A_748 = arith.index_cast %get3A_746 : i32 to index
        %get3A_749 = arith.index_cast %mul3A_744 : i32 to index
        %get3A_750 = tpu.vector_load %arg6[%get3A_747, %get3A_748, %get3A_749] {strides = array<i32>} : memref<4x20x1024xf32, #tpu.memory_space<vmem>>, vector<1x1x16xf32>,
        %get3A_751 = vector.shape_cast %get3A_750 : vector<1x1x16xf32> to vector<16xf32>
        %mul3A_752 = arith.constant 16 : i32
        %mul3A_753 = arith.muli %scan3A_705, %mul3A_752 : i32
        %get3A_754 = arith.constant 1 : i32
        %get3A_755 = arith.constant 5 : i32
        %get3A_756 = arith.index_cast %get3A_754 : i32 to index
        %get3A_757 = arith.index_cast %get3A_755 : i32 to index
        %get3A_758 = arith.index_cast %mul3A_753 : i32 to index
        %get3A_759 = tpu.vector_load %arg6[%get3A_756, %get3A_757, %get3A_758] {strides = array<i32>} : memref<4x20x1024xf32, #tpu.memory_space<vmem>>, vector<1x1x16xf32>,
        %get3A_760 = vector.shape_cast %get3A_759 : vector<1x1x16xf32> to vector<16xf32>
        %mul3A_761 = arith.constant 16 : i32
        %mul3A_762 = arith.muli %scan3A_705, %mul3A_761 : i32
        %get3A_763 = arith.constant 1 : i32
        %get3A_764 = arith.constant 6 : i32
        %get3A_765 = arith.index_cast %get3A_763 : i32 to index
        %get3A_766 = arith.index_cast %get3A_764 : i32 to index
        %get3A_767 = arith.index_cast %mul3A_762 : i32 to index
        %get3A_768 = tpu.vector_load %arg6[%get3A_765, %get3A_766, %get3A_767] {strides = array<i32>} : memref<4x20x1024xf32, #tpu.memory_space<vmem>>, vector<1x1x16xf32>,
        %get3A_769 = vector.shape_cast %get3A_768 : vector<1x1x16xf32> to vector<16xf32>
        %mul3A_770 = arith.constant 16 : i32
        %mul3A_771 = arith.muli %scan3A_705, %mul3A_770 : i32
        %get3A_772 = arith.constant 1 : i32
        %get3A_773 = arith.constant 7 : i32
        %get3A_774 = arith.index_cast %get3A_772 : i32 to index
        %get3A_775 = arith.index_cast %get3A_773 : i32 to index
        %get3A_776 = arith.index_cast %mul3A_771 : i32 to index
        %get3A_777 = tpu.vector_load %arg6[%get3A_774, %get3A_775, %get3A_776] {strides = array<i32>} : memref<4x20x1024xf32, #tpu.memory_space<vmem>>, vector<1x1x16xf32>,
        %get3A_778 = vector.shape_cast %get3A_777 : vector<1x1x16xf32> to vector<16xf32>
        %mul3A_779 = arith.constant 16 : i32
        %mul3A_780 = arith.muli %scan3A_705, %mul3A_779 : i32
        %get3A_781 = arith.constant 1 : i32
        %get3A_782 = arith.constant 8 : i32
        %get3A_783 = arith.index_cast %get3A_781 : i32 to index
        %get3A_784 = arith.index_cast %get3A_782 : i32 to index
        %get3A_785 = arith.index_cast %mul3A_780 : i32 to index
        %get3A_786 = tpu.vector_load %arg6[%get3A_783, %get3A_784, %get3A_785] {strides = array<i32>} : memref<4x20x1024xf32, #tpu.memory_space<vmem>>, vector<1x1x16xf32>,
        %get3A_787 = vector.shape_cast %get3A_786 : vector<1x1x16xf32> to vector<16xf32>
        %mul3A_788 = arith.constant 16 : i32
        %mul3A_789 = arith.muli %scan3A_705, %mul3A_788 : i32
        %get3A_790 = arith.constant 1 : i32
        %get3A_791 = arith.constant 9 : i32
        %get3A_792 = arith.index_cast %get3A_790 : i32 to index
        %get3A_793 = arith.index_cast %get3A_791 : i32 to index
        %get3A_794 = arith.index_cast %mul3A_789 : i32 to index
        %get3A_795 = tpu.vector_load %arg6[%get3A_792, %get3A_793, %get3A_794] {strides = array<i32>} : memref<4x20x1024xf32, #tpu.memory_space<vmem>>, vector<1x1x16xf32>,
        %get3A_796 = vector.shape_cast %get3A_795 : vector<1x1x16xf32> to vector<16xf32>
        %mul3A_797 = arith.constant 16 : i32
        %mul3A_798 = arith.muli %scan3A_705, %mul3A_797 : i32
        %get3A_799 = arith.constant 1 : i32
        %get3A_800 = arith.constant 10 : i32
        %get3A_801 = arith.index_cast %get3A_799 : i32 to index
        %get3A_802 = arith.index_cast %get3A_800 : i32 to index
        %get3A_803 = arith.index_cast %mul3A_798 : i32 to index
        %get3A_804 = tpu.vector_load %arg6[%get3A_801, %get3A_802, %get3A_803] {strides = array<i32>} : memref<4x20x1024xf32, #tpu.memory_space<vmem>>, vector<1x1x16xf32>,
        %get3A_805 = vector.shape_cast %get3A_804 : vector<1x1x16xf32> to vector<16xf32>
        %mul3A_806 = arith.constant 16 : i32
        %mul3A_807 = arith.muli %scan3A_705, %mul3A_806 : i32
        %get3A_808 = arith.constant 1 : i32
        %get3A_809 = arith.constant 11 : i32
        %get3A_810 = arith.index_cast %get3A_808 : i32 to index
        %get3A_811 = arith.index_cast %get3A_809 : i32 to index
        %get3A_812 = arith.index_cast %mul3A_807 : i32 to index
        %get3A_813 = tpu.vector_load %arg6[%get3A_810, %get3A_811, %get3A_812] {strides = array<i32>} : memref<4x20x1024xf32, #tpu.memory_space<vmem>>, vector<1x1x16xf32>,
        %get3A_814 = vector.shape_cast %get3A_813 : vector<1x1x16xf32> to vector<16xf32>
        %mul3A_815 = arith.constant 16 : i32
        %mul3A_816 = arith.muli %scan3A_705, %mul3A_815 : i32
        %get3A_817 = arith.constant 1 : i32
        %get3A_818 = arith.constant 12 : i32
        %get3A_819 = arith.index_cast %get3A_817 : i32 to index
        %get3A_820 = arith.index_cast %get3A_818 : i32 to index
        %get3A_821 = arith.index_cast %mul3A_816 : i32 to index
        %get3A_822 = tpu.vector_load %arg6[%get3A_819, %get3A_820, %get3A_821] {strides = array<i32>} : memref<4x20x1024xf32, #tpu.memory_space<vmem>>, vector<1x1x16xf32>,
        %get3A_823 = vector.shape_cast %get3A_822 : vector<1x1x16xf32> to vector<16xf32>
        %mul3A_824 = arith.constant 16 : i32
        %mul3A_825 = arith.muli %scan3A_705, %mul3A_824 : i32
        %get3A_826 = arith.constant 1 : i32
        %get3A_827 = arith.constant 13 : i32
        %get3A_828 = arith.index_cast %get3A_826 : i32 to index
        %get3A_829 = arith.index_cast %get3A_827 : i32 to index
        %get3A_830 = arith.index_cast %mul3A_825 : i32 to index
        %get3A_831 = tpu.vector_load %arg6[%get3A_828, %get3A_829, %get3A_830] {strides = array<i32>} : memref<4x20x1024xf32, #tpu.memory_space<vmem>>, vector<1x1x16xf32>,
        %get3A_832 = vector.shape_cast %get3A_831 : vector<1x1x16xf32> to vector<16xf32>
        %mul3A_833 = arith.constant 16 : i32
        %mul3A_834 = arith.muli %scan3A_705, %mul3A_833 : i32
        %get3A_835 = arith.constant 1 : i32
        %get3A_836 = arith.constant 14 : i32
        %get3A_837 = arith.index_cast %get3A_835 : i32 to index
        %get3A_838 = arith.index_cast %get3A_836 : i32 to index
        %get3A_839 = arith.index_cast %mul3A_834 : i32 to index
        %get3A_840 = tpu.vector_load %arg6[%get3A_837, %get3A_838, %get3A_839] {strides = array<i32>} : memref<4x20x1024xf32, #tpu.memory_space<vmem>>, vector<1x1x16xf32>,
        %get3A_841 = vector.shape_cast %get3A_840 : vector<1x1x16xf32> to vector<16xf32>
        %mul3A_842 = arith.constant 16 : i32
        %mul3A_843 = arith.muli %scan3A_705, %mul3A_842 : i32
        %get3A_844 = arith.constant 1 : i32
        %get3A_845 = arith.constant 15 : i32
        %get3A_846 = arith.index_cast %get3A_844 : i32 to index
        %get3A_847 = arith.index_cast %get3A_845 : i32 to index
        %get3A_848 = arith.index_cast %mul3A_843 : i32 to index
        %get3A_849 = tpu.vector_load %arg6[%get3A_846, %get3A_847, %get3A_848] {strides = array<i32>} : memref<4x20x1024xf32, #tpu.memory_space<vmem>>, vector<1x1x16xf32>,
        %get3A_850 = vector.shape_cast %get3A_849 : vector<1x1x16xf32> to vector<16xf32>
        %mul3A_851 = arith.constant 16 : i32
        %mul3A_852 = arith.muli %scan3A_705, %mul3A_851 : i32
        %get3A_853 = arith.constant 1 : i32
        %get3A_854 = arith.constant 16 : i32
        %get3A_855 = arith.index_cast %get3A_853 : i32 to index
        %get3A_856 = arith.index_cast %get3A_854 : i32 to index
        %get3A_857 = arith.index_cast %mul3A_852 : i32 to index
        %get3A_858 = tpu.vector_load %arg6[%get3A_855, %get3A_856, %get3A_857] {strides = array<i32>} : memref<4x20x1024xf32, #tpu.memory_space<vmem>>, vector<1x1x16xf32>,
        %get3A_859 = vector.shape_cast %get3A_858 : vector<1x1x16xf32> to vector<16xf32>
        %mul3A_860 = arith.constant 16 : i32
        %mul3A_861 = arith.muli %scan3A_705, %mul3A_860 : i32
        %get3A_862 = arith.constant 1 : i32
        %get3A_863 = arith.constant 17 : i32
        %get3A_864 = arith.index_cast %get3A_862 : i32 to index
        %get3A_865 = arith.index_cast %get3A_863 : i32 to index
        %get3A_866 = arith.index_cast %mul3A_861 : i32 to index
        %get3A_867 = tpu.vector_load %arg6[%get3A_864, %get3A_865, %get3A_866] {strides = array<i32>} : memref<4x20x1024xf32, #tpu.memory_space<vmem>>, vector<1x1x16xf32>,
        %get3A_868 = vector.shape_cast %get3A_867 : vector<1x1x16xf32> to vector<16xf32>
        %mul3A_869 = arith.constant 16 : i32
        %mul3A_870 = arith.muli %scan3A_705, %mul3A_869 : i32
        %get3A_871 = arith.constant 1 : i32
        %get3A_872 = arith.constant 18 : i32
        %get3A_873 = arith.index_cast %get3A_871 : i32 to index
        %get3A_874 = arith.index_cast %get3A_872 : i32 to index
        %get3A_875 = arith.index_cast %mul3A_870 : i32 to index
        %get3A_876 = tpu.vector_load %arg6[%get3A_873, %get3A_874, %get3A_875] {strides = array<i32>} : memref<4x20x1024xf32, #tpu.memory_space<vmem>>, vector<1x1x16xf32>,
        %get3A_877 = vector.shape_cast %get3A_876 : vector<1x1x16xf32> to vector<16xf32>
        %mul3A_878 = arith.constant 16 : i32
        %mul3A_879 = arith.muli %scan3A_705, %mul3A_878 : i32
        %get3A_880 = arith.constant 1 : i32
        %get3A_881 = arith.constant 19 : i32
        %get3A_882 = arith.index_cast %get3A_880 : i32 to index
        %get3A_883 = arith.index_cast %get3A_881 : i32 to index
        %get3A_884 = arith.index_cast %mul3A_879 : i32 to index
        %get3A_885 = tpu.vector_load %arg6[%get3A_882, %get3A_883, %get3A_884] {strides = array<i32>} : memref<4x20x1024xf32, #tpu.memory_space<vmem>>, vector<1x1x16xf32>,
        %get3A_886 = vector.shape_cast %get3A_885 : vector<1x1x16xf32> to vector<16xf32>
        %add3A_887 = arith.addf %get3A_715, %get3A_724 : vector<16xf32>
        %add3A_888 = arith.addf %get3A_733, %get3A_742 : vector<16xf32>
        %add3A_889 = arith.addf %get3A_751, %get3A_760 : vector<16xf32>
        %add3A_890 = arith.addf %get3A_769, %get3A_778 : vector<16xf32>
        %add3A_891 = arith.addf %get3A_787, %get3A_796 : vector<16xf32>
        %add3A_892 = arith.addf %get3A_805, %get3A_814 : vector<16xf32>
        %add3A_893 = arith.addf %get3A_823, %get3A_832 : vector<16xf32>
        %add3A_894 = arith.addf %get3A_841, %get3A_850 : vector<16xf32>
        %add3A_895 = arith.addf %get3A_859, %get3A_868 : vector<16xf32>
        %add3A_896 = arith.addf %get3A_877, %get3A_886 : vector<16xf32>
        %add3A_897 = arith.addf %add3A_887, %add3A_888 : vector<16xf32>
        %add3A_898 = arith.addf %add3A_889, %add3A_890 : vector<16xf32>
        %add3A_899 = arith.addf %add3A_891, %add3A_892 : vector<16xf32>
        %add3A_900 = arith.addf %add3A_893, %add3A_894 : vector<16xf32>
        %add3A_901 = arith.addf %add3A_895, %add3A_896 : vector<16xf32>
        %add3A_902 = arith.addf %add3A_897, %add3A_898 : vector<16xf32>
        %add3A_903 = arith.addf %add3A_899, %add3A_900 : vector<16xf32>
        %add3A_904 = arith.addf %add3A_903, %add3A_901 : vector<16xf32>
        %add3A_905 = arith.addf %add3A_902, %add3A_904 : vector<16xf32>
        %mul3A_906 = arith.constant 16 : i32
        %mul3A_907 = arith.muli %scan3A_705, %mul3A_906 : i32
        %swap3A = arith.constant 1 : i32
        %swap3A_908 = arith.index_cast %swap3A : i32 to index
        %swap3A_909 = arith.index_cast %mul3A_907 : i32 to index
        %swap3A_910 = tpu.vector_load %arg7[%swap3A_908, %swap3A_909] {strides = array<i32>} : memref<4x1024xf32, #tpu.memory_space<vmem>>, vector<1x16xf32>,
        %swap3A_911 = vector.shape_cast %swap3A_910 : vector<1x16xf32> to vector<16xf32>
        %swap3A_912 = vector.shape_cast %add3A_905 : vector<16xf32> to vector<1x16xf32>
        tpu.vector_store %arg7[%swap3A_908, %swap3A_909], %swap3A_912 {strides = array<i32>} : memref<4x1024xf32, #tpu.memory_space<vmem>>, vector<1x16xf32>,
        %add3A_913 = arith.addf %scan3A_706, %add3A_905 : vector<16xf32>
        %mul3A_914 = arith.mulf %add3A_905, %add3A_905 : vector<16xf32>
        %add3A_915 = arith.addf %scan3A_707, %mul3A_914 : vector<16xf32>
        %scan3A_916 = arith.constant 1 : i32
        %scan3A_917 = arith.addi %scan3A_705, %scan3A_916 : i32
        %mul3A_918 = arith.constant 16 : i32
        %mul3A_919 = arith.muli %scan3A_917, %mul3A_918 : i32
        %get3A_920 = arith.constant 1 : i32
        %get3A_921 = arith.constant 0 : i32
        %get3A_922 = arith.index_cast %get3A_920 : i32 to index
        %get3A_923 = arith.index_cast %get3A_921 : i32 to index
        %get3A_924 = arith.index_cast %mul3A_919 : i32 to index
        %get3A_925 = tpu.vector_load %arg6[%get3A_922, %get3A_923, %get3A_924] {strides = array<i32>} : memref<4x20x1024xf32, #tpu.memory_space<vmem>>, vector<1x1x16xf32>,
        %get3A_926 = vector.shape_cast %get3A_925 : vector<1x1x16xf32> to vector<16xf32>
        %mul3A_927 = arith.constant 16 : i32
        %mul3A_928 = arith.muli %scan3A_917, %mul3A_927 : i32
        %get3A_929 = arith.constant 1 : i32
        %get3A_930 = arith.constant 1 : i32
        %get3A_931 = arith.index_cast %get3A_929 : i32 to index
        %get3A_932 = arith.index_cast %get3A_930 : i32 to index
        %get3A_933 = arith.index_cast %mul3A_928 : i32 to index
        %get3A_934 = tpu.vector_load %arg6[%get3A_931, %get3A_932, %get3A_933] {strides = array<i32>} : memref<4x20x1024xf32, #tpu.memory_space<vmem>>, vector<1x1x16xf32>,
        %get3A_935 = vector.shape_cast %get3A_934 : vector<1x1x16xf32> to vector<16xf32>
        %mul3A_936 = arith.constant 16 : i32
        %mul3A_937 = arith.muli %scan3A_917, %mul3A_936 : i32
        %get3A_938 = arith.constant 1 : i32
        %get3A_939 = arith.constant 2 : i32
        %get3A_940 = arith.index_cast %get3A_938 : i32 to index
        %get3A_941 = arith.index_cast %get3A_939 : i32 to index
        %get3A_942 = arith.index_cast %mul3A_937 : i32 to index
        %get3A_943 = tpu.vector_load %arg6[%get3A_940, %get3A_941, %get3A_942] {strides = array<i32>} : memref<4x20x1024xf32, #tpu.memory_space<vmem>>, vector<1x1x16xf32>,
        %get3A_944 = vector.shape_cast %get3A_943 : vector<1x1x16xf32> to vector<16xf32>
        %mul3A_945 = arith.constant 16 : i32
        %mul3A_946 = arith.muli %scan3A_917, %mul3A_945 : i32
        %get3A_947 = arith.constant 1 : i32
        %get3A_948 = arith.constant 3 : i32
        %get3A_949 = arith.index_cast %get3A_947 : i32 to index
        %get3A_950 = arith.index_cast %get3A_948 : i32 to index
        %get3A_951 = arith.index_cast %mul3A_946 : i32 to index
        %get3A_952 = tpu.vector_load %arg6[%get3A_949, %get3A_950, %get3A_951] {strides = array<i32>} : memref<4x20x1024xf32, #tpu.memory_space<vmem>>, vector<1x1x16xf32>,
        %get3A_953 = vector.shape_cast %get3A_952 : vector<1x1x16xf32> to vector<16xf32>
        %mul3A_954 = arith.constant 16 : i32
        %mul3A_955 = arith.muli %scan3A_917, %mul3A_954 : i32
        %get3A_956 = arith.constant 1 : i32
        %get3A_957 = arith.constant 4 : i32
        %get3A_958 = arith.index_cast %get3A_956 : i32 to index
        %get3A_959 = arith.index_cast %get3A_957 : i32 to index
        %get3A_960 = arith.index_cast %mul3A_955 : i32 to index
        %get3A_961 = tpu.vector_load %arg6[%get3A_958, %get3A_959, %get3A_960] {strides = array<i32>} : memref<4x20x1024xf32, #tpu.memory_space<vmem>>, vector<1x1x16xf32>,
        %get3A_962 = vector.shape_cast %get3A_961 : vector<1x1x16xf32> to vector<16xf32>
        %mul3A_963 = arith.constant 16 : i32
        %mul3A_964 = arith.muli %scan3A_917, %mul3A_963 : i32
        %get3A_965 = arith.constant 1 : i32
        %get3A_966 = arith.constant 5 : i32
        %get3A_967 = arith.index_cast %get3A_965 : i32 to index
        %get3A_968 = arith.index_cast %get3A_966 : i32 to index
        %get3A_969 = arith.index_cast %mul3A_964 : i32 to index
        %get3A_970 = tpu.vector_load %arg6[%get3A_967, %get3A_968, %get3A_969] {strides = array<i32>} : memref<4x20x1024xf32, #tpu.memory_space<vmem>>, vector<1x1x16xf32>,
        %get3A_971 = vector.shape_cast %get3A_970 : vector<1x1x16xf32> to vector<16xf32>
        %mul3A_972 = arith.constant 16 : i32
        %mul3A_973 = arith.muli %scan3A_917, %mul3A_972 : i32
        %get3A_974 = arith.constant 1 : i32
        %get3A_975 = arith.constant 6 : i32
        %get3A_976 = arith.index_cast %get3A_974 : i32 to index
        %get3A_977 = arith.index_cast %get3A_975 : i32 to index
        %get3A_978 = arith.index_cast %mul3A_973 : i32 to index
        %get3A_979 = tpu.vector_load %arg6[%get3A_976, %get3A_977, %get3A_978] {strides = array<i32>} : memref<4x20x1024xf32, #tpu.memory_space<vmem>>, vector<1x1x16xf32>,
        %get3A_980 = vector.shape_cast %get3A_979 : vector<1x1x16xf32> to vector<16xf32>
        %mul3A_981 = arith.constant 16 : i32
        %mul3A_982 = arith.muli %scan3A_917, %mul3A_981 : i32
        %get3A_983 = arith.constant 1 : i32
        %get3A_984 = arith.constant 7 : i32
        %get3A_985 = arith.index_cast %get3A_983 : i32 to index
        %get3A_986 = arith.index_cast %get3A_984 : i32 to index
        %get3A_987 = arith.index_cast %mul3A_982 : i32 to index
        %get3A_988 = tpu.vector_load %arg6[%get3A_985, %get3A_986, %get3A_987] {strides = array<i32>} : memref<4x20x1024xf32, #tpu.memory_space<vmem>>, vector<1x1x16xf32>,
        %get3A_989 = vector.shape_cast %get3A_988 : vector<1x1x16xf32> to vector<16xf32>
        %mul3A_990 = arith.constant 16 : i32
        %mul3A_991 = arith.muli %scan3A_917, %mul3A_990 : i32
        %get3A_992 = arith.constant 1 : i32
        %get3A_993 = arith.constant 8 : i32
        %get3A_994 = arith.index_cast %get3A_992 : i32 to index
        %get3A_995 = arith.index_cast %get3A_993 : i32 to index
        %get3A_996 = arith.index_cast %mul3A_991 : i32 to index
        %get3A_997 = tpu.vector_load %arg6[%get3A_994, %get3A_995, %get3A_996] {strides = array<i32>} : memref<4x20x1024xf32, #tpu.memory_space<vmem>>, vector<1x1x16xf32>,
        %get3A_998 = vector.shape_cast %get3A_997 : vector<1x1x16xf32> to vector<16xf32>
        %mul3A_999 = arith.constant 16 : i32
        %mul3A_1000 = arith.muli %scan3A_917, %mul3A_999 : i32
        %get3A_1001 = arith.constant 1 : i32
        %get3A_1002 = arith.constant 9 : i32
        %get3A_1003 = arith.index_cast %get3A_1001 : i32 to index
        %get3A_1004 = arith.index_cast %get3A_1002 : i32 to index
        %get3A_1005 = arith.index_cast %mul3A_1000 : i32 to index
        %get3A_1006 = tpu.vector_load %arg6[%get3A_1003, %get3A_1004, %get3A_1005] {strides = array<i32>} : memref<4x20x1024xf32, #tpu.memory_space<vmem>>, vector<1x1x16xf32>,
        %get3A_1007 = vector.shape_cast %get3A_1006 : vector<1x1x16xf32> to vector<16xf32>
        %mul3A_1008 = arith.constant 16 : i32
        %mul3A_1009 = arith.muli %scan3A_917, %mul3A_1008 : i32
        %get3A_1010 = arith.constant 1 : i32
        %get3A_1011 = arith.constant 10 : i32
        %get3A_1012 = arith.index_cast %get3A_1010 : i32 to index
        %get3A_1013 = arith.index_cast %get3A_1011 : i32 to index
        %get3A_1014 = arith.index_cast %mul3A_1009 : i32 to index
        %get3A_1015 = tpu.vector_load %arg6[%get3A_1012, %get3A_1013, %get3A_1014] {strides = array<i32>} : memref<4x20x1024xf32, #tpu.memory_space<vmem>>, vector<1x1x16xf32>,
        %get3A_1016 = vector.shape_cast %get3A_1015 : vector<1x1x16xf32> to vector<16xf32>
        %mul3A_1017 = arith.constant 16 : i32
        %mul3A_1018 = arith.muli %scan3A_917, %mul3A_1017 : i32
        %get3A_1019 = arith.constant 1 : i32
        %get3A_1020 = arith.constant 11 : i32
        %get3A_1021 = arith.index_cast %get3A_1019 : i32 to index
        %get3A_1022 = arith.index_cast %get3A_1020 : i32 to index
        %get3A_1023 = arith.index_cast %mul3A_1018 : i32 to index
        %get3A_1024 = tpu.vector_load %arg6[%get3A_1021, %get3A_1022, %get3A_1023] {strides = array<i32>} : memref<4x20x1024xf32, #tpu.memory_space<vmem>>, vector<1x1x16xf32>,
        %get3A_1025 = vector.shape_cast %get3A_1024 : vector<1x1x16xf32> to vector<16xf32>
        %mul3A_1026 = arith.constant 16 : i32
        %mul3A_1027 = arith.muli %scan3A_917, %mul3A_1026 : i32
        %get3A_1028 = arith.constant 1 : i32
        %get3A_1029 = arith.constant 12 : i32
        %get3A_1030 = arith.index_cast %get3A_1028 : i32 to index
        %get3A_1031 = arith.index_cast %get3A_1029 : i32 to index
        %get3A_1032 = arith.index_cast %mul3A_1027 : i32 to index
        %get3A_1033 = tpu.vector_load %arg6[%get3A_1030, %get3A_1031, %get3A_1032] {strides = array<i32>} : memref<4x20x1024xf32, #tpu.memory_space<vmem>>, vector<1x1x16xf32>,
        %get3A_1034 = vector.shape_cast %get3A_1033 : vector<1x1x16xf32> to vector<16xf32>
        %mul3A_1035 = arith.constant 16 : i32
        %mul3A_1036 = arith.muli %scan3A_917, %mul3A_1035 : i32
        %get3A_1037 = arith.constant 1 : i32
        %get3A_1038 = arith.constant 13 : i32
        %get3A_1039 = arith.index_cast %get3A_1037 : i32 to index
        %get3A_1040 = arith.index_cast %get3A_1038 : i32 to index
        %get3A_1041 = arith.index_cast %mul3A_1036 : i32 to index
        %get3A_1042 = tpu.vector_load %arg6[%get3A_1039, %get3A_1040, %get3A_1041] {strides = array<i32>} : memref<4x20x1024xf32, #tpu.memory_space<vmem>>, vector<1x1x16xf32>,
        %get3A_1043 = vector.shape_cast %get3A_1042 : vector<1x1x16xf32> to vector<16xf32>
        %mul3A_1044 = arith.constant 16 : i32
        %mul3A_1045 = arith.muli %scan3A_917, %mul3A_1044 : i32
        %get3A_1046 = arith.constant 1 : i32
        %get3A_1047 = arith.constant 14 : i32
        %get3A_1048 = arith.index_cast %get3A_1046 : i32 to index
        %get3A_1049 = arith.index_cast %get3A_1047 : i32 to index
        %get3A_1050 = arith.index_cast %mul3A_1045 : i32 to index
        %get3A_1051 = tpu.vector_load %arg6[%get3A_1048, %get3A_1049, %get3A_1050] {strides = array<i32>} : memref<4x20x1024xf32, #tpu.memory_space<vmem>>, vector<1x1x16xf32>,
        %get3A_1052 = vector.shape_cast %get3A_1051 : vector<1x1x16xf32> to vector<16xf32>
        %mul3A_1053 = arith.constant 16 : i32
        %mul3A_1054 = arith.muli %scan3A_917, %mul3A_1053 : i32
        %get3A_1055 = arith.constant 1 : i32
        %get3A_1056 = arith.constant 15 : i32
        %get3A_1057 = arith.index_cast %get3A_1055 : i32 to index
        %get3A_1058 = arith.index_cast %get3A_1056 : i32 to index
        %get3A_1059 = arith.index_cast %mul3A_1054 : i32 to index
        %get3A_1060 = tpu.vector_load %arg6[%get3A_1057, %get3A_1058, %get3A_1059] {strides = array<i32>} : memref<4x20x1024xf32, #tpu.memory_space<vmem>>, vector<1x1x16xf32>,
        %get3A_1061 = vector.shape_cast %get3A_1060 : vector<1x1x16xf32> to vector<16xf32>
        %mul3A_1062 = arith.constant 16 : i32
        %mul3A_1063 = arith.muli %scan3A_917, %mul3A_1062 : i32
        %get3A_1064 = arith.constant 1 : i32
        %get3A_1065 = arith.constant 16 : i32
        %get3A_1066 = arith.index_cast %get3A_1064 : i32 to index
        %get3A_1067 = arith.index_cast %get3A_1065 : i32 to index
        %get3A_1068 = arith.index_cast %mul3A_1063 : i32 to index
        %get3A_1069 = tpu.vector_load %arg6[%get3A_1066, %get3A_1067, %get3A_1068] {strides = array<i32>} : memref<4x20x1024xf32, #tpu.memory_space<vmem>>, vector<1x1x16xf32>,
        %get3A_1070 = vector.shape_cast %get3A_1069 : vector<1x1x16xf32> to vector<16xf32>
        %mul3A_1071 = arith.constant 16 : i32
        %mul3A_1072 = arith.muli %scan3A_917, %mul3A_1071 : i32
        %get3A_1073 = arith.constant 1 : i32
        %get3A_1074 = arith.constant 17 : i32
        %get3A_1075 = arith.index_cast %get3A_1073 : i32 to index
        %get3A_1076 = arith.index_cast %get3A_1074 : i32 to index
        %get3A_1077 = arith.index_cast %mul3A_1072 : i32 to index
        %get3A_1078 = tpu.vector_load %arg6[%get3A_1075, %get3A_1076, %get3A_1077] {strides = array<i32>} : memref<4x20x1024xf32, #tpu.memory_space<vmem>>, vector<1x1x16xf32>,
        %get3A_1079 = vector.shape_cast %get3A_1078 : vector<1x1x16xf32> to vector<16xf32>
        %mul3A_1080 = arith.constant 16 : i32
        %mul3A_1081 = arith.muli %scan3A_917, %mul3A_1080 : i32
        %get3A_1082 = arith.constant 1 : i32
        %get3A_1083 = arith.constant 18 : i32
        %get3A_1084 = arith.index_cast %get3A_1082 : i32 to index
        %get3A_1085 = arith.index_cast %get3A_1083 : i32 to index
        %get3A_1086 = arith.index_cast %mul3A_1081 : i32 to index
        %get3A_1087 = tpu.vector_load %arg6[%get3A_1084, %get3A_1085, %get3A_1086] {strides = array<i32>} : memref<4x20x1024xf32, #tpu.memory_space<vmem>>, vector<1x1x16xf32>,
        %get3A_1088 = vector.shape_cast %get3A_1087 : vector<1x1x16xf32> to vector<16xf32>
        %mul3A_1089 = arith.constant 16 : i32
        %mul3A_1090 = arith.muli %scan3A_917, %mul3A_1089 : i32
        %get3A_1091 = arith.constant 1 : i32
        %get3A_1092 = arith.constant 19 : i32
        %get3A_1093 = arith.index_cast %get3A_1091 : i32 to index
        %get3A_1094 = arith.index_cast %get3A_1092 : i32 to index
        %get3A_1095 = arith.index_cast %mul3A_1090 : i32 to index
        %get3A_1096 = tpu.vector_load %arg6[%get3A_1093, %get3A_1094, %get3A_1095] {strides = array<i32>} : memref<4x20x1024xf32, #tpu.memory_space<vmem>>, vector<1x1x16xf32>,
        %get3A_1097 = vector.shape_cast %get3A_1096 : vector<1x1x16xf32> to vector<16xf32>
        %add3A_1098 = arith.addf %get3A_926, %get3A_935 : vector<16xf32>
        %add3A_1099 = arith.addf %get3A_944, %get3A_953 : vector<16xf32>
        %add3A_1100 = arith.addf %get3A_962, %get3A_971 : vector<16xf32>
        %add3A_1101 = arith.addf %get3A_980, %get3A_989 : vector<16xf32>
        %add3A_1102 = arith.addf %get3A_998, %get3A_1007 : vector<16xf32>
        %add3A_1103 = arith.addf %get3A_1016, %get3A_1025 : vector<16xf32>
        %add3A_1104 = arith.addf %get3A_1034, %get3A_1043 : vector<16xf32>
        %add3A_1105 = arith.addf %get3A_1052, %get3A_1061 : vector<16xf32>
        %add3A_1106 = arith.addf %get3A_1070, %get3A_1079 : vector<16xf32>
        %add3A_1107 = arith.addf %get3A_1088, %get3A_1097 : vector<16xf32>
        %add3A_1108 = arith.addf %add3A_1098, %add3A_1099 : vector<16xf32>
        %add3A_1109 = arith.addf %add3A_1100, %add3A_1101 : vector<16xf32>
        %add3A_1110 = arith.addf %add3A_1102, %add3A_1103 : vector<16xf32>
        %add3A_1111 = arith.addf %add3A_1104, %add3A_1105 : vector<16xf32>
        %add3A_1112 = arith.addf %add3A_1106, %add3A_1107 : vector<16xf32>
        %add3A_1113 = arith.addf %add3A_1108, %add3A_1109 : vector<16xf32>
        %add3A_1114 = arith.addf %add3A_1110, %add3A_1111 : vector<16xf32>
        %add3A_1115 = arith.addf %add3A_1114, %add3A_1112 : vector<16xf32>
        %add3A_1116 = arith.addf %add3A_1113, %add3A_1115 : vector<16xf32>
        %mul3A_1117 = arith.constant 16 : i32
        %mul3A_1118 = arith.muli %scan3A_917, %mul3A_1117 : i32
        %swap3A_1119 = arith.constant 1 : i32
        %swap3A_1120 = arith.index_cast %swap3A_1119 : i32 to index
        %swap3A_1121 = arith.index_cast %mul3A_1118 : i32 to index
        %swap3A_1122 = tpu.vector_load %arg7[%swap3A_1120, %swap3A_1121] {strides = array<i32>} : memref<4x1024xf32, #tpu.memory_space<vmem>>, vector<1x16xf32>,
        %swap3A_1123 = vector.shape_cast %swap3A_1122 : vector<1x16xf32> to vector<16xf32>
        %swap3A_1124 = vector.shape_cast %add3A_1116 : vector<16xf32> to vector<1x16xf32>
        tpu.vector_store %arg7[%swap3A_1120, %swap3A_1121], %swap3A_1124 {strides = array<i32>} : memref<4x1024xf32, #tpu.memory_space<vmem>>, vector<1x16xf32>,
        %add3A_1125 = arith.addf %add3A_913, %add3A_1116 : vector<16xf32>
        %mul3A_1126 = arith.mulf %add3A_1116, %add3A_1116 : vector<16xf32>
        %add3A_1127 = arith.addf %add3A_915, %mul3A_1126 : vector<16xf32>
        scf.yield %add3A_1125, %add3A_1127 : vector<16xf32>, vector<16xf32>
      }
      %scan3A_281 = arith.constant 64 : i32
      %iota3A_282 = tpu.iota {dimensions = array<i32: 0>} : vector<16xi32>
      %xor3A_283 = arith.constant 1 : i32
      %xor3A_284 = vector.broadcast %xor3A_283 : i32 to vector<16xi32>
      %xor3A_285 = arith.xori %iota3A_282, %xor3A_284 : vector<16xi32>
      %broadcast_in_dim3A_286 = vector.shape_cast %xor3A_285 : vector<16xi32> to vector<16x1xi32>
      %gather3A_287 = vector.shape_cast %broadcast_in_dim3A_286 : vector<16x1xi32> to vector<16xi32>
      %gather3A_288 = tpu.dynamic_gather %scan3A_280#0[%gather3A_287] in [0] : vector<16xf32>, vector<16xi32> -> vector<16xf32>
      %add3A_289 = arith.addf %scan3A_280#0, %gather3A_288 : vector<16xf32>
      %xor3A_290 = arith.constant 2 : i32
      %xor3A_291 = vector.broadcast %xor3A_290 : i32 to vector<16xi32>
      %xor3A_292 = arith.xori %iota3A_282, %xor3A_291 : vector<16xi32>
      %broadcast_in_dim3A_293 = vector.shape_cast %xor3A_292 : vector<16xi32> to vector<16x1xi32>
      %gather3A_294 = vector.shape_cast %broadcast_in_dim3A_293 : vector<16x1xi32> to vector<16xi32>
      %gather3A_295 = tpu.dynamic_gather %add3A_289[%gather3A_294] in [0] : vector<16xf32>, vector<16xi32> -> vector<16xf32>
      %add3A_296 = arith.addf %add3A_289, %gather3A_295 : vector<16xf32>
      %xor3A_297 = arith.constant 4 : i32
      %xor3A_298 = vector.broadcast %xor3A_297 : i32 to vector<16xi32>
      %xor3A_299 = arith.xori %iota3A_282, %xor3A_298 : vector<16xi32>
      %broadcast_in_dim3A_300 = vector.shape_cast %xor3A_299 : vector<16xi32> to vector<16x1xi32>
      %gather3A_301 = vector.shape_cast %broadcast_in_dim3A_300 : vector<16x1xi32> to vector<16xi32>
      %gather3A_302 = tpu.dynamic_gather %add3A_296[%gather3A_301] in [0] : vector<16xf32>, vector<16xi32> -> vector<16xf32>
      %add3A_303 = arith.addf %add3A_296, %gather3A_302 : vector<16xf32>
      %xor3A_304 = arith.constant 8 : i32
      %xor3A_305 = vector.broadcast %xor3A_304 : i32 to vector<16xi32>
      %xor3A_306 = arith.xori %iota3A_282, %xor3A_305 : vector<16xi32>
      %broadcast_in_dim3A_307 = vector.shape_cast %xor3A_306 : vector<16xi32> to vector<16x1xi32>
      %gather3A_308 = vector.shape_cast %broadcast_in_dim3A_307 : vector<16x1xi32> to vector<16xi32>
      %gather3A_309 = tpu.dynamic_gather %add3A_303[%gather3A_308] in [0] : vector<16xf32>, vector<16xi32> -> vector<16xf32>
      %add3A_310 = arith.addf %add3A_303, %gather3A_309 : vector<16xf32>
      %mul3A_311 = arith.constant 9.765625E-4 : f32
      %mul3A_312 = vector.broadcast %mul3A_311 : f32 to vector<16xf32>
      %mul3A_313 = arith.mulf %add3A_310, %mul3A_312 : vector<16xf32>
      %iota3A_314 = tpu.iota {dimensions = array<i32: 0>} : vector<16xi32>
      %xor3A_315 = arith.constant 1 : i32
      %xor3A_316 = vector.broadcast %xor3A_315 : i32 to vector<16xi32>
      %xor3A_317 = arith.xori %iota3A_314, %xor3A_316 : vector<16xi32>
      %broadcast_in_dim3A_318 = vector.shape_cast %xor3A_317 : vector<16xi32> to vector<16x1xi32>
      %gather3A_319 = vector.shape_cast %broadcast_in_dim3A_318 : vector<16x1xi32> to vector<16xi32>
      %gather3A_320 = tpu.dynamic_gather %scan3A_280#1[%gather3A_319] in [0] : vector<16xf32>, vector<16xi32> -> vector<16xf32>
      %add3A_321 = arith.addf %scan3A_280#1, %gather3A_320 : vector<16xf32>
      %xor3A_322 = arith.constant 2 : i32
      %xor3A_323 = vector.broadcast %xor3A_322 : i32 to vector<16xi32>
      %xor3A_324 = arith.xori %iota3A_314, %xor3A_323 : vector<16xi32>
      %broadcast_in_dim3A_325 = vector.shape_cast %xor3A_324 : vector<16xi32> to vector<16x1xi32>
      %gather3A_326 = vector.shape_cast %broadcast_in_dim3A_325 : vector<16x1xi32> to vector<16xi32>
      %gather3A_327 = tpu.dynamic_gather %add3A_321[%gather3A_326] in [0] : vector<16xf32>, vector<16xi32> -> vector<16xf32>
      %add3A_328 = arith.addf %add3A_321, %gather3A_327 : vector<16xf32>
      %xor3A_329 = arith.constant 4 : i32
      %xor3A_330 = vector.broadcast %xor3A_329 : i32 to vector<16xi32>
      %xor3A_331 = arith.xori %iota3A_314, %xor3A_330 : vector<16xi32>
      %broadcast_in_dim3A_332 = vector.shape_cast %xor3A_331 : vector<16xi32> to vector<16x1xi32>
      %gather3A_333 = vector.shape_cast %broadcast_in_dim3A_332 : vector<16x1xi32> to vector<16xi32>
      %gather3A_334 = tpu.dynamic_gather %add3A_328[%gather3A_333] in [0] : vector<16xf32>, vector<16xi32> -> vector<16xf32>
      %add3A_335 = arith.addf %add3A_328, %gather3A_334 : vector<16xf32>
      %xor3A_336 = arith.constant 8 : i32
      %xor3A_337 = vector.broadcast %xor3A_336 : i32 to vector<16xi32>
      %xor3A_338 = arith.xori %iota3A_314, %xor3A_337 : vector<16xi32>
      %broadcast_in_dim3A_339 = vector.shape_cast %xor3A_338 : vector<16xi32> to vector<16x1xi32>
      %gather3A_340 = vector.shape_cast %broadcast_in_dim3A_339 : vector<16x1xi32> to vector<16xi32>
      %gather3A_341 = tpu.dynamic_gather %add3A_335[%gather3A_340] in [0] : vector<16xf32>, vector<16xi32> -> vector<16xf32>
      %add3A_342 = arith.addf %add3A_335, %gather3A_341 : vector<16xf32>
      %mul3A_343 = arith.constant 9.765625E-4 : f32
      %mul3A_344 = vector.broadcast %mul3A_343 : f32 to vector<16xf32>
      %mul3A_345 = arith.mulf %add3A_342, %mul3A_344 : vector<16xf32>
      %mul3A_346 = arith.mulf %mul3A_313, %mul3A_313 : vector<16xf32>
      %sub3A_347 = arith.subf %mul3A_345, %mul3A_346 : vector<16xf32>
      %add3A_348 = arith.constant 9.99999974E-6 : f32
      %add3A_349 = vector.broadcast %add3A_348 : f32 to vector<16xf32>
      %add3A_350 = arith.addf %sub3A_347, %add3A_349 : vector<16xf32>
      %bitcast_convert_type3A_351 = tpu.bitcast %add3A_350 : vector<16xf32> -> vector<16xi32>
      %shift_right_arithmetic3A_352 = arith.constant 1 : i32
      %shift_right_arithmetic3A_353 = vector.broadcast %shift_right_arithmetic3A_352 : i32 to vector<16xi32>
      %shift_right_arithmetic3A_354 = arith.shrsi %bitcast_convert_type3A_351, %shift_right_arithmetic3A_353 : vector<16xi32>
      %sub3A_355 = arith.constant 1597463007 : i32
      %sub3A_356 = vector.broadcast %sub3A_355 : i32 to vector<16xi32>
      %sub3A_357 = arith.subi %sub3A_356, %shift_right_arithmetic3A_354 : vector<16xi32>
      %bitcast_convert_type3A_358 = tpu.bitcast %sub3A_357 : vector<16xi32> -> vector<16xf32>
      %mul3A_359 = arith.constant 5.000000e-01 : f32
      %mul3A_360 = vector.broadcast %mul3A_359 : f32 to vector<16xf32>
      %mul3A_361 = arith.mulf %add3A_350, %mul3A_360 : vector<16xf32>
      %mul3A_362 = arith.mulf %mul3A_361, %bitcast_convert_type3A_358 : vector<16xf32>
      %mul3A_363 = arith.mulf %mul3A_362, %bitcast_convert_type3A_358 : vector<16xf32>
      %sub3A_364 = arith.constant 1.500000e+00 : f32
      %sub3A_365 = vector.broadcast %sub3A_364 : f32 to vector<16xf32>
      %sub3A_366 = arith.subf %sub3A_365, %mul3A_363 : vector<16xf32>
      %mul3A_367 = arith.mulf %bitcast_convert_type3A_358, %sub3A_366 : vector<16xf32>
      %mul3A_368 = arith.mulf %mul3A_361, %mul3A_367 : vector<16xf32>
      %mul3A_369 = arith.mulf %mul3A_368, %mul3A_367 : vector<16xf32>
      %sub3A_370 = arith.constant 1.500000e+00 : f32
      %sub3A_371 = vector.broadcast %sub3A_370 : f32 to vector<16xf32>
      %sub3A_372 = arith.subf %sub3A_371, %mul3A_369 : vector<16xf32>
      %mul3A_373 = arith.mulf %mul3A_367, %sub3A_372 : vector<16xf32>
      %mul3A_374 = arith.mulf %mul3A_361, %mul3A_373 : vector<16xf32>
      %mul3A_375 = arith.mulf %mul3A_374, %mul3A_373 : vector<16xf32>
      %sub3A_376 = arith.constant 1.500000e+00 : f32
      %sub3A_377 = vector.broadcast %sub3A_376 : f32 to vector<16xf32>
      %sub3A_378 = arith.subf %sub3A_377, %mul3A_375 : vector<16xf32>
      %mul3A_379 = arith.mulf %mul3A_373, %sub3A_378 : vector<16xf32>
      %scan3A_380 = arith.constant 0 : i32
      %scan3A_381 = arith.constant 0 : i32
      %scan3A_382 = arith.constant 64 : i32
      %scan3A_383 = arith.addi %scan3A_381, %scan3A_382 : i32
      %scan3A_384 = arith.constant 1 : i32
      %scan3A_385 = scf.for %scan3A_705 = %scan3A_381 to %scan3A_383 step %scan3A_384 iter_args(%scan3A_706 = %scan3A_380) -> (i32)  : i32 {
        %mul3A_707 = arith.constant 16 : i32
        %mul3A_708 = arith.muli %scan3A_705, %mul3A_707 : i32
        %get3A = arith.constant 1 : i32
        %get3A_709 = arith.index_cast %get3A : i32 to index
        %get3A_710 = arith.index_cast %mul3A_708 : i32 to index
        %get3A_711 = tpu.vector_load %arg7[%get3A_709, %get3A_710] {strides = array<i32>} : memref<4x1024xf32, #tpu.memory_space<vmem>>, vector<1x16xf32>,
        %get3A_712 = vector.shape_cast %get3A_711 : vector<1x16xf32> to vector<16xf32>
        %sub3A_713 = arith.subf %get3A_712, %mul3A_313 : vector<16xf32>
        %mul3A_714 = arith.mulf %sub3A_713, %mul3A_379 : vector<16xf32>
        %mul3A_715 = arith.constant 16 : i32
        %mul3A_716 = arith.muli %scan3A_705, %mul3A_715 : i32
        %swap3A = arith.constant 1 : i32
        %swap3A_717 = arith.index_cast %swap3A : i32 to index
        %swap3A_718 = arith.index_cast %mul3A_716 : i32 to index
        %swap3A_719 = tpu.vector_load %arg7[%swap3A_717, %swap3A_718] {strides = array<i32>} : memref<4x1024xf32, #tpu.memory_space<vmem>>, vector<1x16xf32>,
        %swap3A_720 = vector.shape_cast %swap3A_719 : vector<1x16xf32> to vector<16xf32>
        %swap3A_721 = vector.shape_cast %mul3A_714 : vector<16xf32> to vector<1x16xf32>
        tpu.vector_store %arg7[%swap3A_717, %swap3A_718], %swap3A_721 {strides = array<i32>} : memref<4x1024xf32, #tpu.memory_space<vmem>>, vector<1x16xf32>,
        %scan3A_722 = arith.constant 0 : i32
        scf.yield %scan3A_722 : i32
      }
      %scan3A_386 = arith.constant 64 : i32
      %add3A_387 = arith.addi %mul3A_2, %add3A_250 : i32
      %dma_start3A_388 = arith.constant 1 : i32
      %dma_start3A_389 = arith.constant 0 : i32
      %dma_start3A_390 = tpu.memref_slice %arg7[%dma_start3A_388, %dma_start3A_389] : memref<4x1024xf32, #tpu.memory_space<vmem>> -> memref<1x1024xf32, #tpu.memory_space<vmem>>
      %dma_start3A_391 = tpu.memref_squeeze %dma_start3A_390 : memref<1x1024xf32, #tpu.memory_space<vmem>> -> memref<1024xf32, #tpu.memory_space<vmem>>
      %dma_start3A_392 = arith.constant 0 : i32
      %dma_start3A_393 = tpu.memref_slice %arg4[%add3A_387, %dma_start3A_392] : memref<26624x1024xf32, #tpu.memory_space<hbm>> -> memref<1x1024xf32, #tpu.memory_space<hbm>>
      %dma_start3A_394 = tpu.memref_squeeze %dma_start3A_393 : memref<1x1024xf32, #tpu.memory_space<hbm>> -> memref<1024xf32, #tpu.memory_space<hbm>>
      %dma_start3A_395 = arith.constant 0 : i32
      %dma_start3A_396 = tpu.memref_slice %arg4[%add3A_387, %dma_start3A_395] : memref<26624x1024xf32, #tpu.memory_space<hbm>> -> memref<1x1024xf32, #tpu.memory_space<hbm>>
      %dma_start3A_397 = tpu.memref_squeeze %dma_start3A_396 : memref<1x1024xf32, #tpu.memory_space<hbm>> -> memref<1024xf32, #tpu.memory_space<hbm>>
      %dma_start3A_398 = arith.constant 0 : i32
      %dma_start3A_399 = tpu.memref_slice %arg7[%dma_start3A_388, %dma_start3A_398] : memref<4x1024xf32, #tpu.memory_space<vmem>> -> memref<1x1024xf32, #tpu.memory_space<vmem>>
      %dma_start3A_400 = tpu.memref_squeeze %dma_start3A_399 : memref<1x1024xf32, #tpu.memory_space<vmem>> -> memref<1024xf32, #tpu.memory_space<vmem>>
      tpu.enqueue_dma source(%dma_start3A_400 : memref<1024xf32, #tpu.memory_space<vmem>>) target(%dma_start3A_397 : memref<1024xf32, #tpu.memory_space<hbm>>) target_semaphore(%arg13 : memref<!tpu.dma_semaphore, #tpu.memory_space<semaphore_mem>>)
      %add3A_401 = arith.constant 2 : i32
      %add3A_402 = arith.addi %add3A_106, %add3A_401 : i32
      %dma_wait3A_403 = arith.constant 2 : i32
      %dma_wait3A_404 = arith.constant 0 : i32
      %dma_wait3A_405 = arith.constant 0 : i32
      %dma_wait3A_406 = tpu.memref_slice %arg6[%dma_wait3A_403, %dma_wait3A_404, %dma_wait3A_405] : memref<4x20x1024xf32, #tpu.memory_space<vmem>> -> memref<1x20x1024xf32, #tpu.memory_space<vmem>>
      %dma_wait3A_407 = tpu.memref_squeeze %dma_wait3A_406 : memref<1x20x1024xf32, #tpu.memory_space<vmem>> -> memref<20x1024xf32, #tpu.memory_space<vmem>>
      %dma_wait3A_408 = arith.constant 0 : i32
      %dma_wait3A_409 = tpu.memref_slice %arg5[%add3A_402, %dma_wait3A_408] : memref<832x20xi32, #tpu.memory_space<vmem>> -> memref<1x20xi32, #tpu.memory_space<vmem>>
      %dma_wait3A_410 = tpu.memref_squeeze %dma_wait3A_409 : memref<1x20xi32, #tpu.memory_space<vmem>> -> memref<20xi32, #tpu.memory_space<vmem>>
      %dma_wait3A_411 = arith.constant 0 : i32
      %dma_wait3A_412 = arith.constant 0 : i32
      %dma_wait3A_413 = tpu.memref_slice %arg3[%dma_wait3A_411, %dma_wait3A_412] : memref<100000x1024xf32, #tpu.memory_space<hbm>> -> memref<100000x1024xf32, #tpu.memory_space<hbm>>
      tpu.wait_indirect_dma semaphore(%arg10 : memref<!tpu.dma_semaphore, #tpu.memory_space<semaphore_mem>>) src(%dma_wait3A_413 : memref<100000x1024xf32, #tpu.memory_space<hbm>>) dst(%dma_wait3A_407 : memref<20x1024xf32, #tpu.memory_space<vmem>>)
      %ge3A_414 = arith.constant 4 : i32
      %ge3A_415 = arith.cmpi sge, %add3A_402, %ge3A_414 : i32
      %convert_element_type3A_416 = arith.extui %ge3A_415 : i1 to i32
      %cond3A_417 = arith.constant 0 : i32
      %cond3A_418 = arith.cmpi ne, %convert_element_type3A_416, %cond3A_417 : i32
      scf.if %cond3A_418 {
        %add3A_705 = arith.addi %mul3A_2, %add3A_402 : i32
        %sub3A_706 = arith.constant 4 : i32
        %sub3A_707 = arith.subi %add3A_705, %sub3A_706 : i32
        %dma_wait3A_708 = arith.constant 2 : i32
        %dma_wait3A_709 = arith.constant 0 : i32
        %dma_wait3A_710 = tpu.memref_slice %arg7[%dma_wait3A_708, %dma_wait3A_709] : memref<4x1024xf32, #tpu.memory_space<vmem>> -> memref<1x1024xf32, #tpu.memory_space<vmem>>
        %dma_wait3A_711 = tpu.memref_squeeze %dma_wait3A_710 : memref<1x1024xf32, #tpu.memory_space<vmem>> -> memref<1024xf32, #tpu.memory_space<vmem>>
        %dma_wait3A_712 = arith.constant 0 : i32
        %dma_wait3A_713 = tpu.memref_slice %arg4[%sub3A_707, %dma_wait3A_712] : memref<26624x1024xf32, #tpu.memory_space<hbm>> -> memref<1x1024xf32, #tpu.memory_space<hbm>>
        %dma_wait3A_714 = tpu.memref_squeeze %dma_wait3A_713 : memref<1x1024xf32, #tpu.memory_space<hbm>> -> memref<1024xf32, #tpu.memory_space<hbm>>
        %dma_wait3A_715 = arith.constant 0 : i32
        %dma_wait3A_716 = tpu.memref_slice %arg4[%sub3A_707, %dma_wait3A_715] : memref<26624x1024xf32, #tpu.memory_space<hbm>> -> memref<1x1024xf32, #tpu.memory_space<hbm>>
        %dma_wait3A_717 = tpu.memref_squeeze %dma_wait3A_716 : memref<1x1024xf32, #tpu.memory_space<hbm>> -> memref<1024xf32, #tpu.memory_space<hbm>>
        %dma_wait3A_718 = arith.constant 0 : i32
        %dma_wait3A_719 = tpu.memref_slice %arg7[%dma_wait3A_708, %dma_wait3A_718] : memref<4x1024xf32, #tpu.memory_space<vmem>> -> memref<1x1024xf32, #tpu.memory_space<vmem>>
        %dma_wait3A_720 = tpu.memref_squeeze %dma_wait3A_719 : memref<1x1024xf32, #tpu.memory_space<vmem>> -> memref<1024xf32, #tpu.memory_space<vmem>>
        tpu.wait_dma2 semaphore(%arg14 : memref<!tpu.dma_semaphore, #tpu.memory_space<semaphore_mem>>) src(%dma_wait3A_720 : memref<1024xf32, #tpu.memory_space<vmem>>) dst(%dma_wait3A_717 : memref<1024xf32, #tpu.memory_space<hbm>>)
      } else {
      }
      %add3A_419 = arith.constant 4 : i32
      %add3A_420 = arith.addi %add3A_402, %add3A_419 : i32
      %sub3A_421 = arith.constant 1 : i32
      %sub3A_422 = arith.subi %add3A_420, %sub3A_421 : i32
      %lt3A_423 = arith.constant 832 : i32
      %lt3A_424 = arith.cmpi slt, %sub3A_422, %lt3A_423 : i32
      %convert_element_type3A_425 = arith.extui %lt3A_424 : i1 to i32
      %cond3A_426 = arith.constant 0 : i32
      %cond3A_427 = arith.cmpi ne, %convert_element_type3A_425, %cond3A_426 : i32
      scf.if %cond3A_427 {
        %add3A_705 = arith.constant 4 : i32
        %add3A_706 = arith.addi %add3A_402, %add3A_705 : i32
        %sub3A_707 = arith.constant 1 : i32
        %sub3A_708 = arith.subi %add3A_706, %sub3A_707 : i32
        %dma_start3A_709 = arith.constant 1 : i32
        %dma_start3A_710 = arith.constant 0 : i32
        %dma_start3A_711 = arith.constant 0 : i32
        %dma_start3A_712 = tpu.memref_slice %arg6[%dma_start3A_709, %dma_start3A_710, %dma_start3A_711] : memref<4x20x1024xf32, #tpu.memory_space<vmem>> -> memref<1x20x1024xf32, #tpu.memory_space<vmem>>
        %dma_start3A_713 = tpu.memref_squeeze %dma_start3A_712 : memref<1x20x1024xf32, #tpu.memory_space<vmem>> -> memref<20x1024xf32, #tpu.memory_space<vmem>>
        %dma_start3A_714 = arith.constant 0 : i32
        %dma_start3A_715 = tpu.memref_slice %arg5[%sub3A_708, %dma_start3A_714] : memref<832x20xi32, #tpu.memory_space<vmem>> -> memref<1x20xi32, #tpu.memory_space<vmem>>
        %dma_start3A_716 = tpu.memref_squeeze %dma_start3A_715 : memref<1x20xi32, #tpu.memory_space<vmem>> -> memref<20xi32, #tpu.memory_space<vmem>>
        %dma_start3A_717 = arith.constant 0 : i32
        %dma_start3A_718 = arith.constant 0 : i32
        %dma_start3A_719 = tpu.memref_slice %arg3[%dma_start3A_717, %dma_start3A_718] : memref<100000x1024xf32, #tpu.memory_space<hbm>> -> memref<100000x1024xf32, #tpu.memory_space<hbm>>
        tpu.enqueue_indirect_dma source(%dma_start3A_719 : memref<100000x1024xf32, #tpu.memory_space<hbm>>) target(%dma_start3A_713 : memref<20x1024xf32, #tpu.memory_space<vmem>>) offsets(%dma_start3A_716 : memref<20xi32, #tpu.memory_space<vmem>>) semaphore(%arg9 : memref<!tpu.dma_semaphore, #tpu.memory_space<semaphore_mem>>)
      } else {
      }
      %scan3A_428 = arith.constant 0 : i32
      %scan3A_429 = arith.constant 64 : i32
      %scan3A_430 = arith.addi %scan3A_428, %scan3A_429 : i32
      %scan3A_431 = arith.constant 2 : i32
      %scan3A_432:2 = scf.for %scan3A_705 = %scan3A_428 to %scan3A_430 step %scan3A_431 iter_args(%scan3A_706 = %broadcast_in_dim3A_3, %scan3A_707 = %broadcast_in_dim3A_3) -> (vector<16xf32>, vector<16xf32>)  : i32 {
        %mul3A_708 = arith.constant 16 : i32
        %mul3A_709 = arith.muli %scan3A_705, %mul3A_708 : i32
        %get3A = arith.constant 2 : i32
        %get3A_710 = arith.constant 0 : i32
        %get3A_711 = arith.index_cast %get3A : i32 to index
        %get3A_712 = arith.index_cast %get3A_710 : i32 to index
        %get3A_713 = arith.index_cast %mul3A_709 : i32 to index
        %get3A_714 = tpu.vector_load %arg6[%get3A_711, %get3A_712, %get3A_713] {strides = array<i32>} : memref<4x20x1024xf32, #tpu.memory_space<vmem>>, vector<1x1x16xf32>,
        %get3A_715 = vector.shape_cast %get3A_714 : vector<1x1x16xf32> to vector<16xf32>
        %mul3A_716 = arith.constant 16 : i32
        %mul3A_717 = arith.muli %scan3A_705, %mul3A_716 : i32
        %get3A_718 = arith.constant 2 : i32
        %get3A_719 = arith.constant 1 : i32
        %get3A_720 = arith.index_cast %get3A_718 : i32 to index
        %get3A_721 = arith.index_cast %get3A_719 : i32 to index
        %get3A_722 = arith.index_cast %mul3A_717 : i32 to index
        %get3A_723 = tpu.vector_load %arg6[%get3A_720, %get3A_721, %get3A_722] {strides = array<i32>} : memref<4x20x1024xf32, #tpu.memory_space<vmem>>, vector<1x1x16xf32>,
        %get3A_724 = vector.shape_cast %get3A_723 : vector<1x1x16xf32> to vector<16xf32>
        %mul3A_725 = arith.constant 16 : i32
        %mul3A_726 = arith.muli %scan3A_705, %mul3A_725 : i32
        %get3A_727 = arith.constant 2 : i32
        %get3A_728 = arith.constant 2 : i32
        %get3A_729 = arith.index_cast %get3A_727 : i32 to index
        %get3A_730 = arith.index_cast %get3A_728 : i32 to index
        %get3A_731 = arith.index_cast %mul3A_726 : i32 to index
        %get3A_732 = tpu.vector_load %arg6[%get3A_729, %get3A_730, %get3A_731] {strides = array<i32>} : memref<4x20x1024xf32, #tpu.memory_space<vmem>>, vector<1x1x16xf32>,
        %get3A_733 = vector.shape_cast %get3A_732 : vector<1x1x16xf32> to vector<16xf32>
        %mul3A_734 = arith.constant 16 : i32
        %mul3A_735 = arith.muli %scan3A_705, %mul3A_734 : i32
        %get3A_736 = arith.constant 2 : i32
        %get3A_737 = arith.constant 3 : i32
        %get3A_738 = arith.index_cast %get3A_736 : i32 to index
        %get3A_739 = arith.index_cast %get3A_737 : i32 to index
        %get3A_740 = arith.index_cast %mul3A_735 : i32 to index
        %get3A_741 = tpu.vector_load %arg6[%get3A_738, %get3A_739, %get3A_740] {strides = array<i32>} : memref<4x20x1024xf32, #tpu.memory_space<vmem>>, vector<1x1x16xf32>,
        %get3A_742 = vector.shape_cast %get3A_741 : vector<1x1x16xf32> to vector<16xf32>
        %mul3A_743 = arith.constant 16 : i32
        %mul3A_744 = arith.muli %scan3A_705, %mul3A_743 : i32
        %get3A_745 = arith.constant 2 : i32
        %get3A_746 = arith.constant 4 : i32
        %get3A_747 = arith.index_cast %get3A_745 : i32 to index
        %get3A_748 = arith.index_cast %get3A_746 : i32 to index
        %get3A_749 = arith.index_cast %mul3A_744 : i32 to index
        %get3A_750 = tpu.vector_load %arg6[%get3A_747, %get3A_748, %get3A_749] {strides = array<i32>} : memref<4x20x1024xf32, #tpu.memory_space<vmem>>, vector<1x1x16xf32>,
        %get3A_751 = vector.shape_cast %get3A_750 : vector<1x1x16xf32> to vector<16xf32>
        %mul3A_752 = arith.constant 16 : i32
        %mul3A_753 = arith.muli %scan3A_705, %mul3A_752 : i32
        %get3A_754 = arith.constant 2 : i32
        %get3A_755 = arith.constant 5 : i32
        %get3A_756 = arith.index_cast %get3A_754 : i32 to index
        %get3A_757 = arith.index_cast %get3A_755 : i32 to index
        %get3A_758 = arith.index_cast %mul3A_753 : i32 to index
        %get3A_759 = tpu.vector_load %arg6[%get3A_756, %get3A_757, %get3A_758] {strides = array<i32>} : memref<4x20x1024xf32, #tpu.memory_space<vmem>>, vector<1x1x16xf32>,
        %get3A_760 = vector.shape_cast %get3A_759 : vector<1x1x16xf32> to vector<16xf32>
        %mul3A_761 = arith.constant 16 : i32
        %mul3A_762 = arith.muli %scan3A_705, %mul3A_761 : i32
        %get3A_763 = arith.constant 2 : i32
        %get3A_764 = arith.constant 6 : i32
        %get3A_765 = arith.index_cast %get3A_763 : i32 to index
        %get3A_766 = arith.index_cast %get3A_764 : i32 to index
        %get3A_767 = arith.index_cast %mul3A_762 : i32 to index
        %get3A_768 = tpu.vector_load %arg6[%get3A_765, %get3A_766, %get3A_767] {strides = array<i32>} : memref<4x20x1024xf32, #tpu.memory_space<vmem>>, vector<1x1x16xf32>,
        %get3A_769 = vector.shape_cast %get3A_768 : vector<1x1x16xf32> to vector<16xf32>
        %mul3A_770 = arith.constant 16 : i32
        %mul3A_771 = arith.muli %scan3A_705, %mul3A_770 : i32
        %get3A_772 = arith.constant 2 : i32
        %get3A_773 = arith.constant 7 : i32
        %get3A_774 = arith.index_cast %get3A_772 : i32 to index
        %get3A_775 = arith.index_cast %get3A_773 : i32 to index
        %get3A_776 = arith.index_cast %mul3A_771 : i32 to index
        %get3A_777 = tpu.vector_load %arg6[%get3A_774, %get3A_775, %get3A_776] {strides = array<i32>} : memref<4x20x1024xf32, #tpu.memory_space<vmem>>, vector<1x1x16xf32>,
        %get3A_778 = vector.shape_cast %get3A_777 : vector<1x1x16xf32> to vector<16xf32>
        %mul3A_779 = arith.constant 16 : i32
        %mul3A_780 = arith.muli %scan3A_705, %mul3A_779 : i32
        %get3A_781 = arith.constant 2 : i32
        %get3A_782 = arith.constant 8 : i32
        %get3A_783 = arith.index_cast %get3A_781 : i32 to index
        %get3A_784 = arith.index_cast %get3A_782 : i32 to index
        %get3A_785 = arith.index_cast %mul3A_780 : i32 to index
        %get3A_786 = tpu.vector_load %arg6[%get3A_783, %get3A_784, %get3A_785] {strides = array<i32>} : memref<4x20x1024xf32, #tpu.memory_space<vmem>>, vector<1x1x16xf32>,
        %get3A_787 = vector.shape_cast %get3A_786 : vector<1x1x16xf32> to vector<16xf32>
        %mul3A_788 = arith.constant 16 : i32
        %mul3A_789 = arith.muli %scan3A_705, %mul3A_788 : i32
        %get3A_790 = arith.constant 2 : i32
        %get3A_791 = arith.constant 9 : i32
        %get3A_792 = arith.index_cast %get3A_790 : i32 to index
        %get3A_793 = arith.index_cast %get3A_791 : i32 to index
        %get3A_794 = arith.index_cast %mul3A_789 : i32 to index
        %get3A_795 = tpu.vector_load %arg6[%get3A_792, %get3A_793, %get3A_794] {strides = array<i32>} : memref<4x20x1024xf32, #tpu.memory_space<vmem>>, vector<1x1x16xf32>,
        %get3A_796 = vector.shape_cast %get3A_795 : vector<1x1x16xf32> to vector<16xf32>
        %mul3A_797 = arith.constant 16 : i32
        %mul3A_798 = arith.muli %scan3A_705, %mul3A_797 : i32
        %get3A_799 = arith.constant 2 : i32
        %get3A_800 = arith.constant 10 : i32
        %get3A_801 = arith.index_cast %get3A_799 : i32 to index
        %get3A_802 = arith.index_cast %get3A_800 : i32 to index
        %get3A_803 = arith.index_cast %mul3A_798 : i32 to index
        %get3A_804 = tpu.vector_load %arg6[%get3A_801, %get3A_802, %get3A_803] {strides = array<i32>} : memref<4x20x1024xf32, #tpu.memory_space<vmem>>, vector<1x1x16xf32>,
        %get3A_805 = vector.shape_cast %get3A_804 : vector<1x1x16xf32> to vector<16xf32>
        %mul3A_806 = arith.constant 16 : i32
        %mul3A_807 = arith.muli %scan3A_705, %mul3A_806 : i32
        %get3A_808 = arith.constant 2 : i32
        %get3A_809 = arith.constant 11 : i32
        %get3A_810 = arith.index_cast %get3A_808 : i32 to index
        %get3A_811 = arith.index_cast %get3A_809 : i32 to index
        %get3A_812 = arith.index_cast %mul3A_807 : i32 to index
        %get3A_813 = tpu.vector_load %arg6[%get3A_810, %get3A_811, %get3A_812] {strides = array<i32>} : memref<4x20x1024xf32, #tpu.memory_space<vmem>>, vector<1x1x16xf32>,
        %get3A_814 = vector.shape_cast %get3A_813 : vector<1x1x16xf32> to vector<16xf32>
        %mul3A_815 = arith.constant 16 : i32
        %mul3A_816 = arith.muli %scan3A_705, %mul3A_815 : i32
        %get3A_817 = arith.constant 2 : i32
        %get3A_818 = arith.constant 12 : i32
        %get3A_819 = arith.index_cast %get3A_817 : i32 to index
        %get3A_820 = arith.index_cast %get3A_818 : i32 to index
        %get3A_821 = arith.index_cast %mul3A_816 : i32 to index
        %get3A_822 = tpu.vector_load %arg6[%get3A_819, %get3A_820, %get3A_821] {strides = array<i32>} : memref<4x20x1024xf32, #tpu.memory_space<vmem>>, vector<1x1x16xf32>,
        %get3A_823 = vector.shape_cast %get3A_822 : vector<1x1x16xf32> to vector<16xf32>
        %mul3A_824 = arith.constant 16 : i32
        %mul3A_825 = arith.muli %scan3A_705, %mul3A_824 : i32
        %get3A_826 = arith.constant 2 : i32
        %get3A_827 = arith.constant 13 : i32
        %get3A_828 = arith.index_cast %get3A_826 : i32 to index
        %get3A_829 = arith.index_cast %get3A_827 : i32 to index
        %get3A_830 = arith.index_cast %mul3A_825 : i32 to index
        %get3A_831 = tpu.vector_load %arg6[%get3A_828, %get3A_829, %get3A_830] {strides = array<i32>} : memref<4x20x1024xf32, #tpu.memory_space<vmem>>, vector<1x1x16xf32>,
        %get3A_832 = vector.shape_cast %get3A_831 : vector<1x1x16xf32> to vector<16xf32>
        %mul3A_833 = arith.constant 16 : i32
        %mul3A_834 = arith.muli %scan3A_705, %mul3A_833 : i32
        %get3A_835 = arith.constant 2 : i32
        %get3A_836 = arith.constant 14 : i32
        %get3A_837 = arith.index_cast %get3A_835 : i32 to index
        %get3A_838 = arith.index_cast %get3A_836 : i32 to index
        %get3A_839 = arith.index_cast %mul3A_834 : i32 to index
        %get3A_840 = tpu.vector_load %arg6[%get3A_837, %get3A_838, %get3A_839] {strides = array<i32>} : memref<4x20x1024xf32, #tpu.memory_space<vmem>>, vector<1x1x16xf32>,
        %get3A_841 = vector.shape_cast %get3A_840 : vector<1x1x16xf32> to vector<16xf32>
        %mul3A_842 = arith.constant 16 : i32
        %mul3A_843 = arith.muli %scan3A_705, %mul3A_842 : i32
        %get3A_844 = arith.constant 2 : i32
        %get3A_845 = arith.constant 15 : i32
        %get3A_846 = arith.index_cast %get3A_844 : i32 to index
        %get3A_847 = arith.index_cast %get3A_845 : i32 to index
        %get3A_848 = arith.index_cast %mul3A_843 : i32 to index
        %get3A_849 = tpu.vector_load %arg6[%get3A_846, %get3A_847, %get3A_848] {strides = array<i32>} : memref<4x20x1024xf32, #tpu.memory_space<vmem>>, vector<1x1x16xf32>,
        %get3A_850 = vector.shape_cast %get3A_849 : vector<1x1x16xf32> to vector<16xf32>
        %mul3A_851 = arith.constant 16 : i32
        %mul3A_852 = arith.muli %scan3A_705, %mul3A_851 : i32
        %get3A_853 = arith.constant 2 : i32
        %get3A_854 = arith.constant 16 : i32
        %get3A_855 = arith.index_cast %get3A_853 : i32 to index
        %get3A_856 = arith.index_cast %get3A_854 : i32 to index
        %get3A_857 = arith.index_cast %mul3A_852 : i32 to index
        %get3A_858 = tpu.vector_load %arg6[%get3A_855, %get3A_856, %get3A_857] {strides = array<i32>} : memref<4x20x1024xf32, #tpu.memory_space<vmem>>, vector<1x1x16xf32>,
        %get3A_859 = vector.shape_cast %get3A_858 : vector<1x1x16xf32> to vector<16xf32>
        %mul3A_860 = arith.constant 16 : i32
        %mul3A_861 = arith.muli %scan3A_705, %mul3A_860 : i32
        %get3A_862 = arith.constant 2 : i32
        %get3A_863 = arith.constant 17 : i32
        %get3A_864 = arith.index_cast %get3A_862 : i32 to index
        %get3A_865 = arith.index_cast %get3A_863 : i32 to index
        %get3A_866 = arith.index_cast %mul3A_861 : i32 to index
        %get3A_867 = tpu.vector_load %arg6[%get3A_864, %get3A_865, %get3A_866] {strides = array<i32>} : memref<4x20x1024xf32, #tpu.memory_space<vmem>>, vector<1x1x16xf32>,
        %get3A_868 = vector.shape_cast %get3A_867 : vector<1x1x16xf32> to vector<16xf32>
        %mul3A_869 = arith.constant 16 : i32
        %mul3A_870 = arith.muli %scan3A_705, %mul3A_869 : i32
        %get3A_871 = arith.constant 2 : i32
        %get3A_872 = arith.constant 18 : i32
        %get3A_873 = arith.index_cast %get3A_871 : i32 to index
        %get3A_874 = arith.index_cast %get3A_872 : i32 to index
        %get3A_875 = arith.index_cast %mul3A_870 : i32 to index
        %get3A_876 = tpu.vector_load %arg6[%get3A_873, %get3A_874, %get3A_875] {strides = array<i32>} : memref<4x20x1024xf32, #tpu.memory_space<vmem>>, vector<1x1x16xf32>,
        %get3A_877 = vector.shape_cast %get3A_876 : vector<1x1x16xf32> to vector<16xf32>
        %mul3A_878 = arith.constant 16 : i32
        %mul3A_879 = arith.muli %scan3A_705, %mul3A_878 : i32
        %get3A_880 = arith.constant 2 : i32
        %get3A_881 = arith.constant 19 : i32
        %get3A_882 = arith.index_cast %get3A_880 : i32 to index
        %get3A_883 = arith.index_cast %get3A_881 : i32 to index
        %get3A_884 = arith.index_cast %mul3A_879 : i32 to index
        %get3A_885 = tpu.vector_load %arg6[%get3A_882, %get3A_883, %get3A_884] {strides = array<i32>} : memref<4x20x1024xf32, #tpu.memory_space<vmem>>, vector<1x1x16xf32>,
        %get3A_886 = vector.shape_cast %get3A_885 : vector<1x1x16xf32> to vector<16xf32>
        %add3A_887 = arith.addf %get3A_715, %get3A_724 : vector<16xf32>
        %add3A_888 = arith.addf %get3A_733, %get3A_742 : vector<16xf32>
        %add3A_889 = arith.addf %get3A_751, %get3A_760 : vector<16xf32>
        %add3A_890 = arith.addf %get3A_769, %get3A_778 : vector<16xf32>
        %add3A_891 = arith.addf %get3A_787, %get3A_796 : vector<16xf32>
        %add3A_892 = arith.addf %get3A_805, %get3A_814 : vector<16xf32>
        %add3A_893 = arith.addf %get3A_823, %get3A_832 : vector<16xf32>
        %add3A_894 = arith.addf %get3A_841, %get3A_850 : vector<16xf32>
        %add3A_895 = arith.addf %get3A_859, %get3A_868 : vector<16xf32>
        %add3A_896 = arith.addf %get3A_877, %get3A_886 : vector<16xf32>
        %add3A_897 = arith.addf %add3A_887, %add3A_888 : vector<16xf32>
        %add3A_898 = arith.addf %add3A_889, %add3A_890 : vector<16xf32>
        %add3A_899 = arith.addf %add3A_891, %add3A_892 : vector<16xf32>
        %add3A_900 = arith.addf %add3A_893, %add3A_894 : vector<16xf32>
        %add3A_901 = arith.addf %add3A_895, %add3A_896 : vector<16xf32>
        %add3A_902 = arith.addf %add3A_897, %add3A_898 : vector<16xf32>
        %add3A_903 = arith.addf %add3A_899, %add3A_900 : vector<16xf32>
        %add3A_904 = arith.addf %add3A_903, %add3A_901 : vector<16xf32>
        %add3A_905 = arith.addf %add3A_902, %add3A_904 : vector<16xf32>
        %mul3A_906 = arith.constant 16 : i32
        %mul3A_907 = arith.muli %scan3A_705, %mul3A_906 : i32
        %swap3A = arith.constant 2 : i32
        %swap3A_908 = arith.index_cast %swap3A : i32 to index
        %swap3A_909 = arith.index_cast %mul3A_907 : i32 to index
        %swap3A_910 = tpu.vector_load %arg7[%swap3A_908, %swap3A_909] {strides = array<i32>} : memref<4x1024xf32, #tpu.memory_space<vmem>>, vector<1x16xf32>,
        %swap3A_911 = vector.shape_cast %swap3A_910 : vector<1x16xf32> to vector<16xf32>
        %swap3A_912 = vector.shape_cast %add3A_905 : vector<16xf32> to vector<1x16xf32>
        tpu.vector_store %arg7[%swap3A_908, %swap3A_909], %swap3A_912 {strides = array<i32>} : memref<4x1024xf32, #tpu.memory_space<vmem>>, vector<1x16xf32>,
        %add3A_913 = arith.addf %scan3A_706, %add3A_905 : vector<16xf32>
        %mul3A_914 = arith.mulf %add3A_905, %add3A_905 : vector<16xf32>
        %add3A_915 = arith.addf %scan3A_707, %mul3A_914 : vector<16xf32>
        %scan3A_916 = arith.constant 1 : i32
        %scan3A_917 = arith.addi %scan3A_705, %scan3A_916 : i32
        %mul3A_918 = arith.constant 16 : i32
        %mul3A_919 = arith.muli %scan3A_917, %mul3A_918 : i32
        %get3A_920 = arith.constant 2 : i32
        %get3A_921 = arith.constant 0 : i32
        %get3A_922 = arith.index_cast %get3A_920 : i32 to index
        %get3A_923 = arith.index_cast %get3A_921 : i32 to index
        %get3A_924 = arith.index_cast %mul3A_919 : i32 to index
        %get3A_925 = tpu.vector_load %arg6[%get3A_922, %get3A_923, %get3A_924] {strides = array<i32>} : memref<4x20x1024xf32, #tpu.memory_space<vmem>>, vector<1x1x16xf32>,
        %get3A_926 = vector.shape_cast %get3A_925 : vector<1x1x16xf32> to vector<16xf32>
        %mul3A_927 = arith.constant 16 : i32
        %mul3A_928 = arith.muli %scan3A_917, %mul3A_927 : i32
        %get3A_929 = arith.constant 2 : i32
        %get3A_930 = arith.constant 1 : i32
        %get3A_931 = arith.index_cast %get3A_929 : i32 to index
        %get3A_932 = arith.index_cast %get3A_930 : i32 to index
        %get3A_933 = arith.index_cast %mul3A_928 : i32 to index
        %get3A_934 = tpu.vector_load %arg6[%get3A_931, %get3A_932, %get3A_933] {strides = array<i32>} : memref<4x20x1024xf32, #tpu.memory_space<vmem>>, vector<1x1x16xf32>,
        %get3A_935 = vector.shape_cast %get3A_934 : vector<1x1x16xf32> to vector<16xf32>
        %mul3A_936 = arith.constant 16 : i32
        %mul3A_937 = arith.muli %scan3A_917, %mul3A_936 : i32
        %get3A_938 = arith.constant 2 : i32
        %get3A_939 = arith.constant 2 : i32
        %get3A_940 = arith.index_cast %get3A_938 : i32 to index
        %get3A_941 = arith.index_cast %get3A_939 : i32 to index
        %get3A_942 = arith.index_cast %mul3A_937 : i32 to index
        %get3A_943 = tpu.vector_load %arg6[%get3A_940, %get3A_941, %get3A_942] {strides = array<i32>} : memref<4x20x1024xf32, #tpu.memory_space<vmem>>, vector<1x1x16xf32>,
        %get3A_944 = vector.shape_cast %get3A_943 : vector<1x1x16xf32> to vector<16xf32>
        %mul3A_945 = arith.constant 16 : i32
        %mul3A_946 = arith.muli %scan3A_917, %mul3A_945 : i32
        %get3A_947 = arith.constant 2 : i32
        %get3A_948 = arith.constant 3 : i32
        %get3A_949 = arith.index_cast %get3A_947 : i32 to index
        %get3A_950 = arith.index_cast %get3A_948 : i32 to index
        %get3A_951 = arith.index_cast %mul3A_946 : i32 to index
        %get3A_952 = tpu.vector_load %arg6[%get3A_949, %get3A_950, %get3A_951] {strides = array<i32>} : memref<4x20x1024xf32, #tpu.memory_space<vmem>>, vector<1x1x16xf32>,
        %get3A_953 = vector.shape_cast %get3A_952 : vector<1x1x16xf32> to vector<16xf32>
        %mul3A_954 = arith.constant 16 : i32
        %mul3A_955 = arith.muli %scan3A_917, %mul3A_954 : i32
        %get3A_956 = arith.constant 2 : i32
        %get3A_957 = arith.constant 4 : i32
        %get3A_958 = arith.index_cast %get3A_956 : i32 to index
        %get3A_959 = arith.index_cast %get3A_957 : i32 to index
        %get3A_960 = arith.index_cast %mul3A_955 : i32 to index
        %get3A_961 = tpu.vector_load %arg6[%get3A_958, %get3A_959, %get3A_960] {strides = array<i32>} : memref<4x20x1024xf32, #tpu.memory_space<vmem>>, vector<1x1x16xf32>,
        %get3A_962 = vector.shape_cast %get3A_961 : vector<1x1x16xf32> to vector<16xf32>
        %mul3A_963 = arith.constant 16 : i32
        %mul3A_964 = arith.muli %scan3A_917, %mul3A_963 : i32
        %get3A_965 = arith.constant 2 : i32
        %get3A_966 = arith.constant 5 : i32
        %get3A_967 = arith.index_cast %get3A_965 : i32 to index
        %get3A_968 = arith.index_cast %get3A_966 : i32 to index
        %get3A_969 = arith.index_cast %mul3A_964 : i32 to index
        %get3A_970 = tpu.vector_load %arg6[%get3A_967, %get3A_968, %get3A_969] {strides = array<i32>} : memref<4x20x1024xf32, #tpu.memory_space<vmem>>, vector<1x1x16xf32>,
        %get3A_971 = vector.shape_cast %get3A_970 : vector<1x1x16xf32> to vector<16xf32>
        %mul3A_972 = arith.constant 16 : i32
        %mul3A_973 = arith.muli %scan3A_917, %mul3A_972 : i32
        %get3A_974 = arith.constant 2 : i32
        %get3A_975 = arith.constant 6 : i32
        %get3A_976 = arith.index_cast %get3A_974 : i32 to index
        %get3A_977 = arith.index_cast %get3A_975 : i32 to index
        %get3A_978 = arith.index_cast %mul3A_973 : i32 to index
        %get3A_979 = tpu.vector_load %arg6[%get3A_976, %get3A_977, %get3A_978] {strides = array<i32>} : memref<4x20x1024xf32, #tpu.memory_space<vmem>>, vector<1x1x16xf32>,
        %get3A_980 = vector.shape_cast %get3A_979 : vector<1x1x16xf32> to vector<16xf32>
        %mul3A_981 = arith.constant 16 : i32
        %mul3A_982 = arith.muli %scan3A_917, %mul3A_981 : i32
        %get3A_983 = arith.constant 2 : i32
        %get3A_984 = arith.constant 7 : i32
        %get3A_985 = arith.index_cast %get3A_983 : i32 to index
        %get3A_986 = arith.index_cast %get3A_984 : i32 to index
        %get3A_987 = arith.index_cast %mul3A_982 : i32 to index
        %get3A_988 = tpu.vector_load %arg6[%get3A_985, %get3A_986, %get3A_987] {strides = array<i32>} : memref<4x20x1024xf32, #tpu.memory_space<vmem>>, vector<1x1x16xf32>,
        %get3A_989 = vector.shape_cast %get3A_988 : vector<1x1x16xf32> to vector<16xf32>
        %mul3A_990 = arith.constant 16 : i32
        %mul3A_991 = arith.muli %scan3A_917, %mul3A_990 : i32
        %get3A_992 = arith.constant 2 : i32
        %get3A_993 = arith.constant 8 : i32
        %get3A_994 = arith.index_cast %get3A_992 : i32 to index
        %get3A_995 = arith.index_cast %get3A_993 : i32 to index
        %get3A_996 = arith.index_cast %mul3A_991 : i32 to index
        %get3A_997 = tpu.vector_load %arg6[%get3A_994, %get3A_995, %get3A_996] {strides = array<i32>} : memref<4x20x1024xf32, #tpu.memory_space<vmem>>, vector<1x1x16xf32>,
        %get3A_998 = vector.shape_cast %get3A_997 : vector<1x1x16xf32> to vector<16xf32>
        %mul3A_999 = arith.constant 16 : i32
        %mul3A_1000 = arith.muli %scan3A_917, %mul3A_999 : i32
        %get3A_1001 = arith.constant 2 : i32
        %get3A_1002 = arith.constant 9 : i32
        %get3A_1003 = arith.index_cast %get3A_1001 : i32 to index
        %get3A_1004 = arith.index_cast %get3A_1002 : i32 to index
        %get3A_1005 = arith.index_cast %mul3A_1000 : i32 to index
        %get3A_1006 = tpu.vector_load %arg6[%get3A_1003, %get3A_1004, %get3A_1005] {strides = array<i32>} : memref<4x20x1024xf32, #tpu.memory_space<vmem>>, vector<1x1x16xf32>,
        %get3A_1007 = vector.shape_cast %get3A_1006 : vector<1x1x16xf32> to vector<16xf32>
        %mul3A_1008 = arith.constant 16 : i32
        %mul3A_1009 = arith.muli %scan3A_917, %mul3A_1008 : i32
        %get3A_1010 = arith.constant 2 : i32
        %get3A_1011 = arith.constant 10 : i32
        %get3A_1012 = arith.index_cast %get3A_1010 : i32 to index
        %get3A_1013 = arith.index_cast %get3A_1011 : i32 to index
        %get3A_1014 = arith.index_cast %mul3A_1009 : i32 to index
        %get3A_1015 = tpu.vector_load %arg6[%get3A_1012, %get3A_1013, %get3A_1014] {strides = array<i32>} : memref<4x20x1024xf32, #tpu.memory_space<vmem>>, vector<1x1x16xf32>,
        %get3A_1016 = vector.shape_cast %get3A_1015 : vector<1x1x16xf32> to vector<16xf32>
        %mul3A_1017 = arith.constant 16 : i32
        %mul3A_1018 = arith.muli %scan3A_917, %mul3A_1017 : i32
        %get3A_1019 = arith.constant 2 : i32
        %get3A_1020 = arith.constant 11 : i32
        %get3A_1021 = arith.index_cast %get3A_1019 : i32 to index
        %get3A_1022 = arith.index_cast %get3A_1020 : i32 to index
        %get3A_1023 = arith.index_cast %mul3A_1018 : i32 to index
        %get3A_1024 = tpu.vector_load %arg6[%get3A_1021, %get3A_1022, %get3A_1023] {strides = array<i32>} : memref<4x20x1024xf32, #tpu.memory_space<vmem>>, vector<1x1x16xf32>,
        %get3A_1025 = vector.shape_cast %get3A_1024 : vector<1x1x16xf32> to vector<16xf32>
        %mul3A_1026 = arith.constant 16 : i32
        %mul3A_1027 = arith.muli %scan3A_917, %mul3A_1026 : i32
        %get3A_1028 = arith.constant 2 : i32
        %get3A_1029 = arith.constant 12 : i32
        %get3A_1030 = arith.index_cast %get3A_1028 : i32 to index
        %get3A_1031 = arith.index_cast %get3A_1029 : i32 to index
        %get3A_1032 = arith.index_cast %mul3A_1027 : i32 to index
        %get3A_1033 = tpu.vector_load %arg6[%get3A_1030, %get3A_1031, %get3A_1032] {strides = array<i32>} : memref<4x20x1024xf32, #tpu.memory_space<vmem>>, vector<1x1x16xf32>,
        %get3A_1034 = vector.shape_cast %get3A_1033 : vector<1x1x16xf32> to vector<16xf32>
        %mul3A_1035 = arith.constant 16 : i32
        %mul3A_1036 = arith.muli %scan3A_917, %mul3A_1035 : i32
        %get3A_1037 = arith.constant 2 : i32
        %get3A_1038 = arith.constant 13 : i32
        %get3A_1039 = arith.index_cast %get3A_1037 : i32 to index
        %get3A_1040 = arith.index_cast %get3A_1038 : i32 to index
        %get3A_1041 = arith.index_cast %mul3A_1036 : i32 to index
        %get3A_1042 = tpu.vector_load %arg6[%get3A_1039, %get3A_1040, %get3A_1041] {strides = array<i32>} : memref<4x20x1024xf32, #tpu.memory_space<vmem>>, vector<1x1x16xf32>,
        %get3A_1043 = vector.shape_cast %get3A_1042 : vector<1x1x16xf32> to vector<16xf32>
        %mul3A_1044 = arith.constant 16 : i32
        %mul3A_1045 = arith.muli %scan3A_917, %mul3A_1044 : i32
        %get3A_1046 = arith.constant 2 : i32
        %get3A_1047 = arith.constant 14 : i32
        %get3A_1048 = arith.index_cast %get3A_1046 : i32 to index
        %get3A_1049 = arith.index_cast %get3A_1047 : i32 to index
        %get3A_1050 = arith.index_cast %mul3A_1045 : i32 to index
        %get3A_1051 = tpu.vector_load %arg6[%get3A_1048, %get3A_1049, %get3A_1050] {strides = array<i32>} : memref<4x20x1024xf32, #tpu.memory_space<vmem>>, vector<1x1x16xf32>,
        %get3A_1052 = vector.shape_cast %get3A_1051 : vector<1x1x16xf32> to vector<16xf32>
        %mul3A_1053 = arith.constant 16 : i32
        %mul3A_1054 = arith.muli %scan3A_917, %mul3A_1053 : i32
        %get3A_1055 = arith.constant 2 : i32
        %get3A_1056 = arith.constant 15 : i32
        %get3A_1057 = arith.index_cast %get3A_1055 : i32 to index
        %get3A_1058 = arith.index_cast %get3A_1056 : i32 to index
        %get3A_1059 = arith.index_cast %mul3A_1054 : i32 to index
        %get3A_1060 = tpu.vector_load %arg6[%get3A_1057, %get3A_1058, %get3A_1059] {strides = array<i32>} : memref<4x20x1024xf32, #tpu.memory_space<vmem>>, vector<1x1x16xf32>,
        %get3A_1061 = vector.shape_cast %get3A_1060 : vector<1x1x16xf32> to vector<16xf32>
        %mul3A_1062 = arith.constant 16 : i32
        %mul3A_1063 = arith.muli %scan3A_917, %mul3A_1062 : i32
        %get3A_1064 = arith.constant 2 : i32
        %get3A_1065 = arith.constant 16 : i32
        %get3A_1066 = arith.index_cast %get3A_1064 : i32 to index
        %get3A_1067 = arith.index_cast %get3A_1065 : i32 to index
        %get3A_1068 = arith.index_cast %mul3A_1063 : i32 to index
        %get3A_1069 = tpu.vector_load %arg6[%get3A_1066, %get3A_1067, %get3A_1068] {strides = array<i32>} : memref<4x20x1024xf32, #tpu.memory_space<vmem>>, vector<1x1x16xf32>,
        %get3A_1070 = vector.shape_cast %get3A_1069 : vector<1x1x16xf32> to vector<16xf32>
        %mul3A_1071 = arith.constant 16 : i32
        %mul3A_1072 = arith.muli %scan3A_917, %mul3A_1071 : i32
        %get3A_1073 = arith.constant 2 : i32
        %get3A_1074 = arith.constant 17 : i32
        %get3A_1075 = arith.index_cast %get3A_1073 : i32 to index
        %get3A_1076 = arith.index_cast %get3A_1074 : i32 to index
        %get3A_1077 = arith.index_cast %mul3A_1072 : i32 to index
        %get3A_1078 = tpu.vector_load %arg6[%get3A_1075, %get3A_1076, %get3A_1077] {strides = array<i32>} : memref<4x20x1024xf32, #tpu.memory_space<vmem>>, vector<1x1x16xf32>,
        %get3A_1079 = vector.shape_cast %get3A_1078 : vector<1x1x16xf32> to vector<16xf32>
        %mul3A_1080 = arith.constant 16 : i32
        %mul3A_1081 = arith.muli %scan3A_917, %mul3A_1080 : i32
        %get3A_1082 = arith.constant 2 : i32
        %get3A_1083 = arith.constant 18 : i32
        %get3A_1084 = arith.index_cast %get3A_1082 : i32 to index
        %get3A_1085 = arith.index_cast %get3A_1083 : i32 to index
        %get3A_1086 = arith.index_cast %mul3A_1081 : i32 to index
        %get3A_1087 = tpu.vector_load %arg6[%get3A_1084, %get3A_1085, %get3A_1086] {strides = array<i32>} : memref<4x20x1024xf32, #tpu.memory_space<vmem>>, vector<1x1x16xf32>,
        %get3A_1088 = vector.shape_cast %get3A_1087 : vector<1x1x16xf32> to vector<16xf32>
        %mul3A_1089 = arith.constant 16 : i32
        %mul3A_1090 = arith.muli %scan3A_917, %mul3A_1089 : i32
        %get3A_1091 = arith.constant 2 : i32
        %get3A_1092 = arith.constant 19 : i32
        %get3A_1093 = arith.index_cast %get3A_1091 : i32 to index
        %get3A_1094 = arith.index_cast %get3A_1092 : i32 to index
        %get3A_1095 = arith.index_cast %mul3A_1090 : i32 to index
        %get3A_1096 = tpu.vector_load %arg6[%get3A_1093, %get3A_1094, %get3A_1095] {strides = array<i32>} : memref<4x20x1024xf32, #tpu.memory_space<vmem>>, vector<1x1x16xf32>,
        %get3A_1097 = vector.shape_cast %get3A_1096 : vector<1x1x16xf32> to vector<16xf32>
        %add3A_1098 = arith.addf %get3A_926, %get3A_935 : vector<16xf32>
        %add3A_1099 = arith.addf %get3A_944, %get3A_953 : vector<16xf32>
        %add3A_1100 = arith.addf %get3A_962, %get3A_971 : vector<16xf32>
        %add3A_1101 = arith.addf %get3A_980, %get3A_989 : vector<16xf32>
        %add3A_1102 = arith.addf %get3A_998, %get3A_1007 : vector<16xf32>
        %add3A_1103 = arith.addf %get3A_1016, %get3A_1025 : vector<16xf32>
        %add3A_1104 = arith.addf %get3A_1034, %get3A_1043 : vector<16xf32>
        %add3A_1105 = arith.addf %get3A_1052, %get3A_1061 : vector<16xf32>
        %add3A_1106 = arith.addf %get3A_1070, %get3A_1079 : vector<16xf32>
        %add3A_1107 = arith.addf %get3A_1088, %get3A_1097 : vector<16xf32>
        %add3A_1108 = arith.addf %add3A_1098, %add3A_1099 : vector<16xf32>
        %add3A_1109 = arith.addf %add3A_1100, %add3A_1101 : vector<16xf32>
        %add3A_1110 = arith.addf %add3A_1102, %add3A_1103 : vector<16xf32>
        %add3A_1111 = arith.addf %add3A_1104, %add3A_1105 : vector<16xf32>
        %add3A_1112 = arith.addf %add3A_1106, %add3A_1107 : vector<16xf32>
        %add3A_1113 = arith.addf %add3A_1108, %add3A_1109 : vector<16xf32>
        %add3A_1114 = arith.addf %add3A_1110, %add3A_1111 : vector<16xf32>
        %add3A_1115 = arith.addf %add3A_1114, %add3A_1112 : vector<16xf32>
        %add3A_1116 = arith.addf %add3A_1113, %add3A_1115 : vector<16xf32>
        %mul3A_1117 = arith.constant 16 : i32
        %mul3A_1118 = arith.muli %scan3A_917, %mul3A_1117 : i32
        %swap3A_1119 = arith.constant 2 : i32
        %swap3A_1120 = arith.index_cast %swap3A_1119 : i32 to index
        %swap3A_1121 = arith.index_cast %mul3A_1118 : i32 to index
        %swap3A_1122 = tpu.vector_load %arg7[%swap3A_1120, %swap3A_1121] {strides = array<i32>} : memref<4x1024xf32, #tpu.memory_space<vmem>>, vector<1x16xf32>,
        %swap3A_1123 = vector.shape_cast %swap3A_1122 : vector<1x16xf32> to vector<16xf32>
        %swap3A_1124 = vector.shape_cast %add3A_1116 : vector<16xf32> to vector<1x16xf32>
        tpu.vector_store %arg7[%swap3A_1120, %swap3A_1121], %swap3A_1124 {strides = array<i32>} : memref<4x1024xf32, #tpu.memory_space<vmem>>, vector<1x16xf32>,
        %add3A_1125 = arith.addf %add3A_913, %add3A_1116 : vector<16xf32>
        %mul3A_1126 = arith.mulf %add3A_1116, %add3A_1116 : vector<16xf32>
        %add3A_1127 = arith.addf %add3A_915, %mul3A_1126 : vector<16xf32>
        scf.yield %add3A_1125, %add3A_1127 : vector<16xf32>, vector<16xf32>
      }
      %scan3A_433 = arith.constant 64 : i32
      %iota3A_434 = tpu.iota {dimensions = array<i32: 0>} : vector<16xi32>
      %xor3A_435 = arith.constant 1 : i32
      %xor3A_436 = vector.broadcast %xor3A_435 : i32 to vector<16xi32>
      %xor3A_437 = arith.xori %iota3A_434, %xor3A_436 : vector<16xi32>
      %broadcast_in_dim3A_438 = vector.shape_cast %xor3A_437 : vector<16xi32> to vector<16x1xi32>
      %gather3A_439 = vector.shape_cast %broadcast_in_dim3A_438 : vector<16x1xi32> to vector<16xi32>
      %gather3A_440 = tpu.dynamic_gather %scan3A_432#0[%gather3A_439] in [0] : vector<16xf32>, vector<16xi32> -> vector<16xf32>
      %add3A_441 = arith.addf %scan3A_432#0, %gather3A_440 : vector<16xf32>
      %xor3A_442 = arith.constant 2 : i32
      %xor3A_443 = vector.broadcast %xor3A_442 : i32 to vector<16xi32>
      %xor3A_444 = arith.xori %iota3A_434, %xor3A_443 : vector<16xi32>
      %broadcast_in_dim3A_445 = vector.shape_cast %xor3A_444 : vector<16xi32> to vector<16x1xi32>
      %gather3A_446 = vector.shape_cast %broadcast_in_dim3A_445 : vector<16x1xi32> to vector<16xi32>
      %gather3A_447 = tpu.dynamic_gather %add3A_441[%gather3A_446] in [0] : vector<16xf32>, vector<16xi32> -> vector<16xf32>
      %add3A_448 = arith.addf %add3A_441, %gather3A_447 : vector<16xf32>
      %xor3A_449 = arith.constant 4 : i32
      %xor3A_450 = vector.broadcast %xor3A_449 : i32 to vector<16xi32>
      %xor3A_451 = arith.xori %iota3A_434, %xor3A_450 : vector<16xi32>
      %broadcast_in_dim3A_452 = vector.shape_cast %xor3A_451 : vector<16xi32> to vector<16x1xi32>
      %gather3A_453 = vector.shape_cast %broadcast_in_dim3A_452 : vector<16x1xi32> to vector<16xi32>
      %gather3A_454 = tpu.dynamic_gather %add3A_448[%gather3A_453] in [0] : vector<16xf32>, vector<16xi32> -> vector<16xf32>
      %add3A_455 = arith.addf %add3A_448, %gather3A_454 : vector<16xf32>
      %xor3A_456 = arith.constant 8 : i32
      %xor3A_457 = vector.broadcast %xor3A_456 : i32 to vector<16xi32>
      %xor3A_458 = arith.xori %iota3A_434, %xor3A_457 : vector<16xi32>
      %broadcast_in_dim3A_459 = vector.shape_cast %xor3A_458 : vector<16xi32> to vector<16x1xi32>
      %gather3A_460 = vector.shape_cast %broadcast_in_dim3A_459 : vector<16x1xi32> to vector<16xi32>
      %gather3A_461 = tpu.dynamic_gather %add3A_455[%gather3A_460] in [0] : vector<16xf32>, vector<16xi32> -> vector<16xf32>
      %add3A_462 = arith.addf %add3A_455, %gather3A_461 : vector<16xf32>
      %mul3A_463 = arith.constant 9.765625E-4 : f32
      %mul3A_464 = vector.broadcast %mul3A_463 : f32 to vector<16xf32>
      %mul3A_465 = arith.mulf %add3A_462, %mul3A_464 : vector<16xf32>
      %iota3A_466 = tpu.iota {dimensions = array<i32: 0>} : vector<16xi32>
      %xor3A_467 = arith.constant 1 : i32
      %xor3A_468 = vector.broadcast %xor3A_467 : i32 to vector<16xi32>
      %xor3A_469 = arith.xori %iota3A_466, %xor3A_468 : vector<16xi32>
      %broadcast_in_dim3A_470 = vector.shape_cast %xor3A_469 : vector<16xi32> to vector<16x1xi32>
      %gather3A_471 = vector.shape_cast %broadcast_in_dim3A_470 : vector<16x1xi32> to vector<16xi32>
      %gather3A_472 = tpu.dynamic_gather %scan3A_432#1[%gather3A_471] in [0] : vector<16xf32>, vector<16xi32> -> vector<16xf32>
      %add3A_473 = arith.addf %scan3A_432#1, %gather3A_472 : vector<16xf32>
      %xor3A_474 = arith.constant 2 : i32
      %xor3A_475 = vector.broadcast %xor3A_474 : i32 to vector<16xi32>
      %xor3A_476 = arith.xori %iota3A_466, %xor3A_475 : vector<16xi32>
      %broadcast_in_dim3A_477 = vector.shape_cast %xor3A_476 : vector<16xi32> to vector<16x1xi32>
      %gather3A_478 = vector.shape_cast %broadcast_in_dim3A_477 : vector<16x1xi32> to vector<16xi32>
      %gather3A_479 = tpu.dynamic_gather %add3A_473[%gather3A_478] in [0] : vector<16xf32>, vector<16xi32> -> vector<16xf32>
      %add3A_480 = arith.addf %add3A_473, %gather3A_479 : vector<16xf32>
      %xor3A_481 = arith.constant 4 : i32
      %xor3A_482 = vector.broadcast %xor3A_481 : i32 to vector<16xi32>
      %xor3A_483 = arith.xori %iota3A_466, %xor3A_482 : vector<16xi32>
      %broadcast_in_dim3A_484 = vector.shape_cast %xor3A_483 : vector<16xi32> to vector<16x1xi32>
      %gather3A_485 = vector.shape_cast %broadcast_in_dim3A_484 : vector<16x1xi32> to vector<16xi32>
      %gather3A_486 = tpu.dynamic_gather %add3A_480[%gather3A_485] in [0] : vector<16xf32>, vector<16xi32> -> vector<16xf32>
      %add3A_487 = arith.addf %add3A_480, %gather3A_486 : vector<16xf32>
      %xor3A_488 = arith.constant 8 : i32
      %xor3A_489 = vector.broadcast %xor3A_488 : i32 to vector<16xi32>
      %xor3A_490 = arith.xori %iota3A_466, %xor3A_489 : vector<16xi32>
      %broadcast_in_dim3A_491 = vector.shape_cast %xor3A_490 : vector<16xi32> to vector<16x1xi32>
      %gather3A_492 = vector.shape_cast %broadcast_in_dim3A_491 : vector<16x1xi32> to vector<16xi32>
      %gather3A_493 = tpu.dynamic_gather %add3A_487[%gather3A_492] in [0] : vector<16xf32>, vector<16xi32> -> vector<16xf32>
      %add3A_494 = arith.addf %add3A_487, %gather3A_493 : vector<16xf32>
      %mul3A_495 = arith.constant 9.765625E-4 : f32
      %mul3A_496 = vector.broadcast %mul3A_495 : f32 to vector<16xf32>
      %mul3A_497 = arith.mulf %add3A_494, %mul3A_496 : vector<16xf32>
      %mul3A_498 = arith.mulf %mul3A_465, %mul3A_465 : vector<16xf32>
      %sub3A_499 = arith.subf %mul3A_497, %mul3A_498 : vector<16xf32>
      %add3A_500 = arith.constant 9.99999974E-6 : f32
      %add3A_501 = vector.broadcast %add3A_500 : f32 to vector<16xf32>
      %add3A_502 = arith.addf %sub3A_499, %add3A_501 : vector<16xf32>
      %bitcast_convert_type3A_503 = tpu.bitcast %add3A_502 : vector<16xf32> -> vector<16xi32>
      %shift_right_arithmetic3A_504 = arith.constant 1 : i32
      %shift_right_arithmetic3A_505 = vector.broadcast %shift_right_arithmetic3A_504 : i32 to vector<16xi32>
      %shift_right_arithmetic3A_506 = arith.shrsi %bitcast_convert_type3A_503, %shift_right_arithmetic3A_505 : vector<16xi32>
      %sub3A_507 = arith.constant 1597463007 : i32
      %sub3A_508 = vector.broadcast %sub3A_507 : i32 to vector<16xi32>
      %sub3A_509 = arith.subi %sub3A_508, %shift_right_arithmetic3A_506 : vector<16xi32>
      %bitcast_convert_type3A_510 = tpu.bitcast %sub3A_509 : vector<16xi32> -> vector<16xf32>
      %mul3A_511 = arith.constant 5.000000e-01 : f32
      %mul3A_512 = vector.broadcast %mul3A_511 : f32 to vector<16xf32>
      %mul3A_513 = arith.mulf %add3A_502, %mul3A_512 : vector<16xf32>
      %mul3A_514 = arith.mulf %mul3A_513, %bitcast_convert_type3A_510 : vector<16xf32>
      %mul3A_515 = arith.mulf %mul3A_514, %bitcast_convert_type3A_510 : vector<16xf32>
      %sub3A_516 = arith.constant 1.500000e+00 : f32
      %sub3A_517 = vector.broadcast %sub3A_516 : f32 to vector<16xf32>
      %sub3A_518 = arith.subf %sub3A_517, %mul3A_515 : vector<16xf32>
      %mul3A_519 = arith.mulf %bitcast_convert_type3A_510, %sub3A_518 : vector<16xf32>
      %mul3A_520 = arith.mulf %mul3A_513, %mul3A_519 : vector<16xf32>
      %mul3A_521 = arith.mulf %mul3A_520, %mul3A_519 : vector<16xf32>
      %sub3A_522 = arith.constant 1.500000e+00 : f32
      %sub3A_523 = vector.broadcast %sub3A_522 : f32 to vector<16xf32>
      %sub3A_524 = arith.subf %sub3A_523, %mul3A_521 : vector<16xf32>
      %mul3A_525 = arith.mulf %mul3A_519, %sub3A_524 : vector<16xf32>
      %mul3A_526 = arith.mulf %mul3A_513, %mul3A_525 : vector<16xf32>
      %mul3A_527 = arith.mulf %mul3A_526, %mul3A_525 : vector<16xf32>
      %sub3A_528 = arith.constant 1.500000e+00 : f32
      %sub3A_529 = vector.broadcast %sub3A_528 : f32 to vector<16xf32>
      %sub3A_530 = arith.subf %sub3A_529, %mul3A_527 : vector<16xf32>
      %mul3A_531 = arith.mulf %mul3A_525, %sub3A_530 : vector<16xf32>
      %scan3A_532 = arith.constant 0 : i32
      %scan3A_533 = arith.constant 0 : i32
      %scan3A_534 = arith.constant 64 : i32
      %scan3A_535 = arith.addi %scan3A_533, %scan3A_534 : i32
      %scan3A_536 = arith.constant 1 : i32
      %scan3A_537 = scf.for %scan3A_705 = %scan3A_533 to %scan3A_535 step %scan3A_536 iter_args(%scan3A_706 = %scan3A_532) -> (i32)  : i32 {
        %mul3A_707 = arith.constant 16 : i32
        %mul3A_708 = arith.muli %scan3A_705, %mul3A_707 : i32
        %get3A = arith.constant 2 : i32
        %get3A_709 = arith.index_cast %get3A : i32 to index
        %get3A_710 = arith.index_cast %mul3A_708 : i32 to index
        %get3A_711 = tpu.vector_load %arg7[%get3A_709, %get3A_710] {strides = array<i32>} : memref<4x1024xf32, #tpu.memory_space<vmem>>, vector<1x16xf32>,
        %get3A_712 = vector.shape_cast %get3A_711 : vector<1x16xf32> to vector<16xf32>
        %sub3A_713 = arith.subf %get3A_712, %mul3A_465 : vector<16xf32>
        %mul3A_714 = arith.mulf %sub3A_713, %mul3A_531 : vector<16xf32>
        %mul3A_715 = arith.constant 16 : i32
        %mul3A_716 = arith.muli %scan3A_705, %mul3A_715 : i32
        %swap3A = arith.constant 2 : i32
        %swap3A_717 = arith.index_cast %swap3A : i32 to index
        %swap3A_718 = arith.index_cast %mul3A_716 : i32 to index
        %swap3A_719 = tpu.vector_load %arg7[%swap3A_717, %swap3A_718] {strides = array<i32>} : memref<4x1024xf32, #tpu.memory_space<vmem>>, vector<1x16xf32>,
        %swap3A_720 = vector.shape_cast %swap3A_719 : vector<1x16xf32> to vector<16xf32>
        %swap3A_721 = vector.shape_cast %mul3A_714 : vector<16xf32> to vector<1x16xf32>
        tpu.vector_store %arg7[%swap3A_717, %swap3A_718], %swap3A_721 {strides = array<i32>} : memref<4x1024xf32, #tpu.memory_space<vmem>>, vector<1x16xf32>,
        %scan3A_722 = arith.constant 0 : i32
        scf.yield %scan3A_722 : i32
      }
      %scan3A_538 = arith.constant 64 : i32
      %add3A_539 = arith.addi %mul3A_2, %add3A_402 : i32
      %dma_start3A_540 = arith.constant 2 : i32
      %dma_start3A_541 = arith.constant 0 : i32
      %dma_start3A_542 = tpu.memref_slice %arg7[%dma_start3A_540, %dma_start3A_541] : memref<4x1024xf32, #tpu.memory_space<vmem>> -> memref<1x1024xf32, #tpu.memory_space<vmem>>
      %dma_start3A_543 = tpu.memref_squeeze %dma_start3A_542 : memref<1x1024xf32, #tpu.memory_space<vmem>> -> memref<1024xf32, #tpu.memory_space<vmem>>
      %dma_start3A_544 = arith.constant 0 : i32
      %dma_start3A_545 = tpu.memref_slice %arg4[%add3A_539, %dma_start3A_544] : memref<26624x1024xf32, #tpu.memory_space<hbm>> -> memref<1x1024xf32, #tpu.memory_space<hbm>>
      %dma_start3A_546 = tpu.memref_squeeze %dma_start3A_545 : memref<1x1024xf32, #tpu.memory_space<hbm>> -> memref<1024xf32, #tpu.memory_space<hbm>>
      %dma_start3A_547 = arith.constant 0 : i32
      %dma_start3A_548 = tpu.memref_slice %arg4[%add3A_539, %dma_start3A_547] : memref<26624x1024xf32, #tpu.memory_space<hbm>> -> memref<1x1024xf32, #tpu.memory_space<hbm>>
      %dma_start3A_549 = tpu.memref_squeeze %dma_start3A_548 : memref<1x1024xf32, #tpu.memory_space<hbm>> -> memref<1024xf32, #tpu.memory_space<hbm>>
      %dma_start3A_550 = arith.constant 0 : i32
      %dma_start3A_551 = tpu.memref_slice %arg7[%dma_start3A_540, %dma_start3A_550] : memref<4x1024xf32, #tpu.memory_space<vmem>> -> memref<1x1024xf32, #tpu.memory_space<vmem>>
      %dma_start3A_552 = tpu.memref_squeeze %dma_start3A_551 : memref<1x1024xf32, #tpu.memory_space<vmem>> -> memref<1024xf32, #tpu.memory_space<vmem>>
      tpu.enqueue_dma source(%dma_start3A_552 : memref<1024xf32, #tpu.memory_space<vmem>>) target(%dma_start3A_549 : memref<1024xf32, #tpu.memory_space<hbm>>) target_semaphore(%arg14 : memref<!tpu.dma_semaphore, #tpu.memory_space<semaphore_mem>>)
      %add3A_553 = arith.constant 3 : i32
      %add3A_554 = arith.addi %add3A_106, %add3A_553 : i32
      %dma_wait3A_555 = arith.constant 3 : i32
      %dma_wait3A_556 = arith.constant 0 : i32
      %dma_wait3A_557 = arith.constant 0 : i32
      %dma_wait3A_558 = tpu.memref_slice %arg6[%dma_wait3A_555, %dma_wait3A_556, %dma_wait3A_557] : memref<4x20x1024xf32, #tpu.memory_space<vmem>> -> memref<1x20x1024xf32, #tpu.memory_space<vmem>>
      %dma_wait3A_559 = tpu.memref_squeeze %dma_wait3A_558 : memref<1x20x1024xf32, #tpu.memory_space<vmem>> -> memref<20x1024xf32, #tpu.memory_space<vmem>>
      %dma_wait3A_560 = arith.constant 0 : i32
      %dma_wait3A_561 = tpu.memref_slice %arg5[%add3A_554, %dma_wait3A_560] : memref<832x20xi32, #tpu.memory_space<vmem>> -> memref<1x20xi32, #tpu.memory_space<vmem>>
      %dma_wait3A_562 = tpu.memref_squeeze %dma_wait3A_561 : memref<1x20xi32, #tpu.memory_space<vmem>> -> memref<20xi32, #tpu.memory_space<vmem>>
      %dma_wait3A_563 = arith.constant 0 : i32
      %dma_wait3A_564 = arith.constant 0 : i32
      %dma_wait3A_565 = tpu.memref_slice %arg3[%dma_wait3A_563, %dma_wait3A_564] : memref<100000x1024xf32, #tpu.memory_space<hbm>> -> memref<100000x1024xf32, #tpu.memory_space<hbm>>
      tpu.wait_indirect_dma semaphore(%arg11 : memref<!tpu.dma_semaphore, #tpu.memory_space<semaphore_mem>>) src(%dma_wait3A_565 : memref<100000x1024xf32, #tpu.memory_space<hbm>>) dst(%dma_wait3A_559 : memref<20x1024xf32, #tpu.memory_space<vmem>>)
      %ge3A_566 = arith.constant 4 : i32
      %ge3A_567 = arith.cmpi sge, %add3A_554, %ge3A_566 : i32
      %convert_element_type3A_568 = arith.extui %ge3A_567 : i1 to i32
      %cond3A_569 = arith.constant 0 : i32
      %cond3A_570 = arith.cmpi ne, %convert_element_type3A_568, %cond3A_569 : i32
      scf.if %cond3A_570 {
        %add3A_705 = arith.addi %mul3A_2, %add3A_554 : i32
        %sub3A_706 = arith.constant 4 : i32
        %sub3A_707 = arith.subi %add3A_705, %sub3A_706 : i32
        %dma_wait3A_708 = arith.constant 3 : i32
        %dma_wait3A_709 = arith.constant 0 : i32
        %dma_wait3A_710 = tpu.memref_slice %arg7[%dma_wait3A_708, %dma_wait3A_709] : memref<4x1024xf32, #tpu.memory_space<vmem>> -> memref<1x1024xf32, #tpu.memory_space<vmem>>
        %dma_wait3A_711 = tpu.memref_squeeze %dma_wait3A_710 : memref<1x1024xf32, #tpu.memory_space<vmem>> -> memref<1024xf32, #tpu.memory_space<vmem>>
        %dma_wait3A_712 = arith.constant 0 : i32
        %dma_wait3A_713 = tpu.memref_slice %arg4[%sub3A_707, %dma_wait3A_712] : memref<26624x1024xf32, #tpu.memory_space<hbm>> -> memref<1x1024xf32, #tpu.memory_space<hbm>>
        %dma_wait3A_714 = tpu.memref_squeeze %dma_wait3A_713 : memref<1x1024xf32, #tpu.memory_space<hbm>> -> memref<1024xf32, #tpu.memory_space<hbm>>
        %dma_wait3A_715 = arith.constant 0 : i32
        %dma_wait3A_716 = tpu.memref_slice %arg4[%sub3A_707, %dma_wait3A_715] : memref<26624x1024xf32, #tpu.memory_space<hbm>> -> memref<1x1024xf32, #tpu.memory_space<hbm>>
        %dma_wait3A_717 = tpu.memref_squeeze %dma_wait3A_716 : memref<1x1024xf32, #tpu.memory_space<hbm>> -> memref<1024xf32, #tpu.memory_space<hbm>>
        %dma_wait3A_718 = arith.constant 0 : i32
        %dma_wait3A_719 = tpu.memref_slice %arg7[%dma_wait3A_708, %dma_wait3A_718] : memref<4x1024xf32, #tpu.memory_space<vmem>> -> memref<1x1024xf32, #tpu.memory_space<vmem>>
        %dma_wait3A_720 = tpu.memref_squeeze %dma_wait3A_719 : memref<1x1024xf32, #tpu.memory_space<vmem>> -> memref<1024xf32, #tpu.memory_space<vmem>>
        tpu.wait_dma2 semaphore(%arg15 : memref<!tpu.dma_semaphore, #tpu.memory_space<semaphore_mem>>) src(%dma_wait3A_720 : memref<1024xf32, #tpu.memory_space<vmem>>) dst(%dma_wait3A_717 : memref<1024xf32, #tpu.memory_space<hbm>>)
      } else {
      }
      %add3A_571 = arith.constant 4 : i32
      %add3A_572 = arith.addi %add3A_554, %add3A_571 : i32
      %sub3A_573 = arith.constant 1 : i32
      %sub3A_574 = arith.subi %add3A_572, %sub3A_573 : i32
      %lt3A_575 = arith.constant 832 : i32
      %lt3A_576 = arith.cmpi slt, %sub3A_574, %lt3A_575 : i32
      %convert_element_type3A_577 = arith.extui %lt3A_576 : i1 to i32
      %cond3A_578 = arith.constant 0 : i32
      %cond3A_579 = arith.cmpi ne, %convert_element_type3A_577, %cond3A_578 : i32
      scf.if %cond3A_579 {
        %add3A_705 = arith.constant 4 : i32
        %add3A_706 = arith.addi %add3A_554, %add3A_705 : i32
        %sub3A_707 = arith.constant 1 : i32
        %sub3A_708 = arith.subi %add3A_706, %sub3A_707 : i32
        %dma_start3A_709 = arith.constant 2 : i32
        %dma_start3A_710 = arith.constant 0 : i32
        %dma_start3A_711 = arith.constant 0 : i32
        %dma_start3A_712 = tpu.memref_slice %arg6[%dma_start3A_709, %dma_start3A_710, %dma_start3A_711] : memref<4x20x1024xf32, #tpu.memory_space<vmem>> -> memref<1x20x1024xf32, #tpu.memory_space<vmem>>
        %dma_start3A_713 = tpu.memref_squeeze %dma_start3A_712 : memref<1x20x1024xf32, #tpu.memory_space<vmem>> -> memref<20x1024xf32, #tpu.memory_space<vmem>>
        %dma_start3A_714 = arith.constant 0 : i32
        %dma_start3A_715 = tpu.memref_slice %arg5[%sub3A_708, %dma_start3A_714] : memref<832x20xi32, #tpu.memory_space<vmem>> -> memref<1x20xi32, #tpu.memory_space<vmem>>
        %dma_start3A_716 = tpu.memref_squeeze %dma_start3A_715 : memref<1x20xi32, #tpu.memory_space<vmem>> -> memref<20xi32, #tpu.memory_space<vmem>>
        %dma_start3A_717 = arith.constant 0 : i32
        %dma_start3A_718 = arith.constant 0 : i32
        %dma_start3A_719 = tpu.memref_slice %arg3[%dma_start3A_717, %dma_start3A_718] : memref<100000x1024xf32, #tpu.memory_space<hbm>> -> memref<100000x1024xf32, #tpu.memory_space<hbm>>
        tpu.enqueue_indirect_dma source(%dma_start3A_719 : memref<100000x1024xf32, #tpu.memory_space<hbm>>) target(%dma_start3A_713 : memref<20x1024xf32, #tpu.memory_space<vmem>>) offsets(%dma_start3A_716 : memref<20xi32, #tpu.memory_space<vmem>>) semaphore(%arg10 : memref<!tpu.dma_semaphore, #tpu.memory_space<semaphore_mem>>)
      } else {
      }
      %scan3A_580 = arith.constant 0 : i32
      %scan3A_581 = arith.constant 64 : i32
      %scan3A_582 = arith.addi %scan3A_580, %scan3A_581 : i32
      %scan3A_583 = arith.constant 2 : i32
      %scan3A_584:2 = scf.for %scan3A_705 = %scan3A_580 to %scan3A_582 step %scan3A_583 iter_args(%scan3A_706 = %broadcast_in_dim3A_3, %scan3A_707 = %broadcast_in_dim3A_3) -> (vector<16xf32>, vector<16xf32>)  : i32 {
        %mul3A_708 = arith.constant 16 : i32
        %mul3A_709 = arith.muli %scan3A_705, %mul3A_708 : i32
        %get3A = arith.constant 3 : i32
        %get3A_710 = arith.constant 0 : i32
        %get3A_711 = arith.index_cast %get3A : i32 to index
        %get3A_712 = arith.index_cast %get3A_710 : i32 to index
        %get3A_713 = arith.index_cast %mul3A_709 : i32 to index
        %get3A_714 = tpu.vector_load %arg6[%get3A_711, %get3A_712, %get3A_713] {strides = array<i32>} : memref<4x20x1024xf32, #tpu.memory_space<vmem>>, vector<1x1x16xf32>,
        %get3A_715 = vector.shape_cast %get3A_714 : vector<1x1x16xf32> to vector<16xf32>
        %mul3A_716 = arith.constant 16 : i32
        %mul3A_717 = arith.muli %scan3A_705, %mul3A_716 : i32
        %get3A_718 = arith.constant 3 : i32
        %get3A_719 = arith.constant 1 : i32
        %get3A_720 = arith.index_cast %get3A_718 : i32 to index
        %get3A_721 = arith.index_cast %get3A_719 : i32 to index
        %get3A_722 = arith.index_cast %mul3A_717 : i32 to index
        %get3A_723 = tpu.vector_load %arg6[%get3A_720, %get3A_721, %get3A_722] {strides = array<i32>} : memref<4x20x1024xf32, #tpu.memory_space<vmem>>, vector<1x1x16xf32>,
        %get3A_724 = vector.shape_cast %get3A_723 : vector<1x1x16xf32> to vector<16xf32>
        %mul3A_725 = arith.constant 16 : i32
        %mul3A_726 = arith.muli %scan3A_705, %mul3A_725 : i32
        %get3A_727 = arith.constant 3 : i32
        %get3A_728 = arith.constant 2 : i32
        %get3A_729 = arith.index_cast %get3A_727 : i32 to index
        %get3A_730 = arith.index_cast %get3A_728 : i32 to index
        %get3A_731 = arith.index_cast %mul3A_726 : i32 to index
        %get3A_732 = tpu.vector_load %arg6[%get3A_729, %get3A_730, %get3A_731] {strides = array<i32>} : memref<4x20x1024xf32, #tpu.memory_space<vmem>>, vector<1x1x16xf32>,
        %get3A_733 = vector.shape_cast %get3A_732 : vector<1x1x16xf32> to vector<16xf32>
        %mul3A_734 = arith.constant 16 : i32
        %mul3A_735 = arith.muli %scan3A_705, %mul3A_734 : i32
        %get3A_736 = arith.constant 3 : i32
        %get3A_737 = arith.constant 3 : i32
        %get3A_738 = arith.index_cast %get3A_736 : i32 to index
        %get3A_739 = arith.index_cast %get3A_737 : i32 to index
        %get3A_740 = arith.index_cast %mul3A_735 : i32 to index
        %get3A_741 = tpu.vector_load %arg6[%get3A_738, %get3A_739, %get3A_740] {strides = array<i32>} : memref<4x20x1024xf32, #tpu.memory_space<vmem>>, vector<1x1x16xf32>,
        %get3A_742 = vector.shape_cast %get3A_741 : vector<1x1x16xf32> to vector<16xf32>
        %mul3A_743 = arith.constant 16 : i32
        %mul3A_744 = arith.muli %scan3A_705, %mul3A_743 : i32
        %get3A_745 = arith.constant 3 : i32
        %get3A_746 = arith.constant 4 : i32
        %get3A_747 = arith.index_cast %get3A_745 : i32 to index
        %get3A_748 = arith.index_cast %get3A_746 : i32 to index
        %get3A_749 = arith.index_cast %mul3A_744 : i32 to index
        %get3A_750 = tpu.vector_load %arg6[%get3A_747, %get3A_748, %get3A_749] {strides = array<i32>} : memref<4x20x1024xf32, #tpu.memory_space<vmem>>, vector<1x1x16xf32>,
        %get3A_751 = vector.shape_cast %get3A_750 : vector<1x1x16xf32> to vector<16xf32>
        %mul3A_752 = arith.constant 16 : i32
        %mul3A_753 = arith.muli %scan3A_705, %mul3A_752 : i32
        %get3A_754 = arith.constant 3 : i32
        %get3A_755 = arith.constant 5 : i32
        %get3A_756 = arith.index_cast %get3A_754 : i32 to index
        %get3A_757 = arith.index_cast %get3A_755 : i32 to index
        %get3A_758 = arith.index_cast %mul3A_753 : i32 to index
        %get3A_759 = tpu.vector_load %arg6[%get3A_756, %get3A_757, %get3A_758] {strides = array<i32>} : memref<4x20x1024xf32, #tpu.memory_space<vmem>>, vector<1x1x16xf32>,
        %get3A_760 = vector.shape_cast %get3A_759 : vector<1x1x16xf32> to vector<16xf32>
        %mul3A_761 = arith.constant 16 : i32
        %mul3A_762 = arith.muli %scan3A_705, %mul3A_761 : i32
        %get3A_763 = arith.constant 3 : i32
        %get3A_764 = arith.constant 6 : i32
        %get3A_765 = arith.index_cast %get3A_763 : i32 to index
        %get3A_766 = arith.index_cast %get3A_764 : i32 to index
        %get3A_767 = arith.index_cast %mul3A_762 : i32 to index
        %get3A_768 = tpu.vector_load %arg6[%get3A_765, %get3A_766, %get3A_767] {strides = array<i32>} : memref<4x20x1024xf32, #tpu.memory_space<vmem>>, vector<1x1x16xf32>,
        %get3A_769 = vector.shape_cast %get3A_768 : vector<1x1x16xf32> to vector<16xf32>
        %mul3A_770 = arith.constant 16 : i32
        %mul3A_771 = arith.muli %scan3A_705, %mul3A_770 : i32
        %get3A_772 = arith.constant 3 : i32
        %get3A_773 = arith.constant 7 : i32
        %get3A_774 = arith.index_cast %get3A_772 : i32 to index
        %get3A_775 = arith.index_cast %get3A_773 : i32 to index
        %get3A_776 = arith.index_cast %mul3A_771 : i32 to index
        %get3A_777 = tpu.vector_load %arg6[%get3A_774, %get3A_775, %get3A_776] {strides = array<i32>} : memref<4x20x1024xf32, #tpu.memory_space<vmem>>, vector<1x1x16xf32>,
        %get3A_778 = vector.shape_cast %get3A_777 : vector<1x1x16xf32> to vector<16xf32>
        %mul3A_779 = arith.constant 16 : i32
        %mul3A_780 = arith.muli %scan3A_705, %mul3A_779 : i32
        %get3A_781 = arith.constant 3 : i32
        %get3A_782 = arith.constant 8 : i32
        %get3A_783 = arith.index_cast %get3A_781 : i32 to index
        %get3A_784 = arith.index_cast %get3A_782 : i32 to index
        %get3A_785 = arith.index_cast %mul3A_780 : i32 to index
        %get3A_786 = tpu.vector_load %arg6[%get3A_783, %get3A_784, %get3A_785] {strides = array<i32>} : memref<4x20x1024xf32, #tpu.memory_space<vmem>>, vector<1x1x16xf32>,
        %get3A_787 = vector.shape_cast %get3A_786 : vector<1x1x16xf32> to vector<16xf32>
        %mul3A_788 = arith.constant 16 : i32
        %mul3A_789 = arith.muli %scan3A_705, %mul3A_788 : i32
        %get3A_790 = arith.constant 3 : i32
        %get3A_791 = arith.constant 9 : i32
        %get3A_792 = arith.index_cast %get3A_790 : i32 to index
        %get3A_793 = arith.index_cast %get3A_791 : i32 to index
        %get3A_794 = arith.index_cast %mul3A_789 : i32 to index
        %get3A_795 = tpu.vector_load %arg6[%get3A_792, %get3A_793, %get3A_794] {strides = array<i32>} : memref<4x20x1024xf32, #tpu.memory_space<vmem>>, vector<1x1x16xf32>,
        %get3A_796 = vector.shape_cast %get3A_795 : vector<1x1x16xf32> to vector<16xf32>
        %mul3A_797 = arith.constant 16 : i32
        %mul3A_798 = arith.muli %scan3A_705, %mul3A_797 : i32
        %get3A_799 = arith.constant 3 : i32
        %get3A_800 = arith.constant 10 : i32
        %get3A_801 = arith.index_cast %get3A_799 : i32 to index
        %get3A_802 = arith.index_cast %get3A_800 : i32 to index
        %get3A_803 = arith.index_cast %mul3A_798 : i32 to index
        %get3A_804 = tpu.vector_load %arg6[%get3A_801, %get3A_802, %get3A_803] {strides = array<i32>} : memref<4x20x1024xf32, #tpu.memory_space<vmem>>, vector<1x1x16xf32>,
        %get3A_805 = vector.shape_cast %get3A_804 : vector<1x1x16xf32> to vector<16xf32>
        %mul3A_806 = arith.constant 16 : i32
        %mul3A_807 = arith.muli %scan3A_705, %mul3A_806 : i32
        %get3A_808 = arith.constant 3 : i32
        %get3A_809 = arith.constant 11 : i32
        %get3A_810 = arith.index_cast %get3A_808 : i32 to index
        %get3A_811 = arith.index_cast %get3A_809 : i32 to index
        %get3A_812 = arith.index_cast %mul3A_807 : i32 to index
        %get3A_813 = tpu.vector_load %arg6[%get3A_810, %get3A_811, %get3A_812] {strides = array<i32>} : memref<4x20x1024xf32, #tpu.memory_space<vmem>>, vector<1x1x16xf32>,
        %get3A_814 = vector.shape_cast %get3A_813 : vector<1x1x16xf32> to vector<16xf32>
        %mul3A_815 = arith.constant 16 : i32
        %mul3A_816 = arith.muli %scan3A_705, %mul3A_815 : i32
        %get3A_817 = arith.constant 3 : i32
        %get3A_818 = arith.constant 12 : i32
        %get3A_819 = arith.index_cast %get3A_817 : i32 to index
        %get3A_820 = arith.index_cast %get3A_818 : i32 to index
        %get3A_821 = arith.index_cast %mul3A_816 : i32 to index
        %get3A_822 = tpu.vector_load %arg6[%get3A_819, %get3A_820, %get3A_821] {strides = array<i32>} : memref<4x20x1024xf32, #tpu.memory_space<vmem>>, vector<1x1x16xf32>,
        %get3A_823 = vector.shape_cast %get3A_822 : vector<1x1x16xf32> to vector<16xf32>
        %mul3A_824 = arith.constant 16 : i32
        %mul3A_825 = arith.muli %scan3A_705, %mul3A_824 : i32
        %get3A_826 = arith.constant 3 : i32
        %get3A_827 = arith.constant 13 : i32
        %get3A_828 = arith.index_cast %get3A_826 : i32 to index
        %get3A_829 = arith.index_cast %get3A_827 : i32 to index
        %get3A_830 = arith.index_cast %mul3A_825 : i32 to index
        %get3A_831 = tpu.vector_load %arg6[%get3A_828, %get3A_829, %get3A_830] {strides = array<i32>} : memref<4x20x1024xf32, #tpu.memory_space<vmem>>, vector<1x1x16xf32>,
        %get3A_832 = vector.shape_cast %get3A_831 : vector<1x1x16xf32> to vector<16xf32>
        %mul3A_833 = arith.constant 16 : i32
        %mul3A_834 = arith.muli %scan3A_705, %mul3A_833 : i32
        %get3A_835 = arith.constant 3 : i32
        %get3A_836 = arith.constant 14 : i32
        %get3A_837 = arith.index_cast %get3A_835 : i32 to index
        %get3A_838 = arith.index_cast %get3A_836 : i32 to index
        %get3A_839 = arith.index_cast %mul3A_834 : i32 to index
        %get3A_840 = tpu.vector_load %arg6[%get3A_837, %get3A_838, %get3A_839] {strides = array<i32>} : memref<4x20x1024xf32, #tpu.memory_space<vmem>>, vector<1x1x16xf32>,
        %get3A_841 = vector.shape_cast %get3A_840 : vector<1x1x16xf32> to vector<16xf32>
        %mul3A_842 = arith.constant 16 : i32
        %mul3A_843 = arith.muli %scan3A_705, %mul3A_842 : i32
        %get3A_844 = arith.constant 3 : i32
        %get3A_845 = arith.constant 15 : i32
        %get3A_846 = arith.index_cast %get3A_844 : i32 to index
        %get3A_847 = arith.index_cast %get3A_845 : i32 to index
        %get3A_848 = arith.index_cast %mul3A_843 : i32 to index
        %get3A_849 = tpu.vector_load %arg6[%get3A_846, %get3A_847, %get3A_848] {strides = array<i32>} : memref<4x20x1024xf32, #tpu.memory_space<vmem>>, vector<1x1x16xf32>,
        %get3A_850 = vector.shape_cast %get3A_849 : vector<1x1x16xf32> to vector<16xf32>
        %mul3A_851 = arith.constant 16 : i32
        %mul3A_852 = arith.muli %scan3A_705, %mul3A_851 : i32
        %get3A_853 = arith.constant 3 : i32
        %get3A_854 = arith.constant 16 : i32
        %get3A_855 = arith.index_cast %get3A_853 : i32 to index
        %get3A_856 = arith.index_cast %get3A_854 : i32 to index
        %get3A_857 = arith.index_cast %mul3A_852 : i32 to index
        %get3A_858 = tpu.vector_load %arg6[%get3A_855, %get3A_856, %get3A_857] {strides = array<i32>} : memref<4x20x1024xf32, #tpu.memory_space<vmem>>, vector<1x1x16xf32>,
        %get3A_859 = vector.shape_cast %get3A_858 : vector<1x1x16xf32> to vector<16xf32>
        %mul3A_860 = arith.constant 16 : i32
        %mul3A_861 = arith.muli %scan3A_705, %mul3A_860 : i32
        %get3A_862 = arith.constant 3 : i32
        %get3A_863 = arith.constant 17 : i32
        %get3A_864 = arith.index_cast %get3A_862 : i32 to index
        %get3A_865 = arith.index_cast %get3A_863 : i32 to index
        %get3A_866 = arith.index_cast %mul3A_861 : i32 to index
        %get3A_867 = tpu.vector_load %arg6[%get3A_864, %get3A_865, %get3A_866] {strides = array<i32>} : memref<4x20x1024xf32, #tpu.memory_space<vmem>>, vector<1x1x16xf32>,
        %get3A_868 = vector.shape_cast %get3A_867 : vector<1x1x16xf32> to vector<16xf32>
        %mul3A_869 = arith.constant 16 : i32
        %mul3A_870 = arith.muli %scan3A_705, %mul3A_869 : i32
        %get3A_871 = arith.constant 3 : i32
        %get3A_872 = arith.constant 18 : i32
        %get3A_873 = arith.index_cast %get3A_871 : i32 to index
        %get3A_874 = arith.index_cast %get3A_872 : i32 to index
        %get3A_875 = arith.index_cast %mul3A_870 : i32 to index
        %get3A_876 = tpu.vector_load %arg6[%get3A_873, %get3A_874, %get3A_875] {strides = array<i32>} : memref<4x20x1024xf32, #tpu.memory_space<vmem>>, vector<1x1x16xf32>,
        %get3A_877 = vector.shape_cast %get3A_876 : vector<1x1x16xf32> to vector<16xf32>
        %mul3A_878 = arith.constant 16 : i32
        %mul3A_879 = arith.muli %scan3A_705, %mul3A_878 : i32
        %get3A_880 = arith.constant 3 : i32
        %get3A_881 = arith.constant 19 : i32
        %get3A_882 = arith.index_cast %get3A_880 : i32 to index
        %get3A_883 = arith.index_cast %get3A_881 : i32 to index
        %get3A_884 = arith.index_cast %mul3A_879 : i32 to index
        %get3A_885 = tpu.vector_load %arg6[%get3A_882, %get3A_883, %get3A_884] {strides = array<i32>} : memref<4x20x1024xf32, #tpu.memory_space<vmem>>, vector<1x1x16xf32>,
        %get3A_886 = vector.shape_cast %get3A_885 : vector<1x1x16xf32> to vector<16xf32>
        %add3A_887 = arith.addf %get3A_715, %get3A_724 : vector<16xf32>
        %add3A_888 = arith.addf %get3A_733, %get3A_742 : vector<16xf32>
        %add3A_889 = arith.addf %get3A_751, %get3A_760 : vector<16xf32>
        %add3A_890 = arith.addf %get3A_769, %get3A_778 : vector<16xf32>
        %add3A_891 = arith.addf %get3A_787, %get3A_796 : vector<16xf32>
        %add3A_892 = arith.addf %get3A_805, %get3A_814 : vector<16xf32>
        %add3A_893 = arith.addf %get3A_823, %get3A_832 : vector<16xf32>
        %add3A_894 = arith.addf %get3A_841, %get3A_850 : vector<16xf32>
        %add3A_895 = arith.addf %get3A_859, %get3A_868 : vector<16xf32>
        %add3A_896 = arith.addf %get3A_877, %get3A_886 : vector<16xf32>
        %add3A_897 = arith.addf %add3A_887, %add3A_888 : vector<16xf32>
        %add3A_898 = arith.addf %add3A_889, %add3A_890 : vector<16xf32>
        %add3A_899 = arith.addf %add3A_891, %add3A_892 : vector<16xf32>
        %add3A_900 = arith.addf %add3A_893, %add3A_894 : vector<16xf32>
        %add3A_901 = arith.addf %add3A_895, %add3A_896 : vector<16xf32>
        %add3A_902 = arith.addf %add3A_897, %add3A_898 : vector<16xf32>
        %add3A_903 = arith.addf %add3A_899, %add3A_900 : vector<16xf32>
        %add3A_904 = arith.addf %add3A_903, %add3A_901 : vector<16xf32>
        %add3A_905 = arith.addf %add3A_902, %add3A_904 : vector<16xf32>
        %mul3A_906 = arith.constant 16 : i32
        %mul3A_907 = arith.muli %scan3A_705, %mul3A_906 : i32
        %swap3A = arith.constant 3 : i32
        %swap3A_908 = arith.index_cast %swap3A : i32 to index
        %swap3A_909 = arith.index_cast %mul3A_907 : i32 to index
        %swap3A_910 = tpu.vector_load %arg7[%swap3A_908, %swap3A_909] {strides = array<i32>} : memref<4x1024xf32, #tpu.memory_space<vmem>>, vector<1x16xf32>,
        %swap3A_911 = vector.shape_cast %swap3A_910 : vector<1x16xf32> to vector<16xf32>
        %swap3A_912 = vector.shape_cast %add3A_905 : vector<16xf32> to vector<1x16xf32>
        tpu.vector_store %arg7[%swap3A_908, %swap3A_909], %swap3A_912 {strides = array<i32>} : memref<4x1024xf32, #tpu.memory_space<vmem>>, vector<1x16xf32>,
        %add3A_913 = arith.addf %scan3A_706, %add3A_905 : vector<16xf32>
        %mul3A_914 = arith.mulf %add3A_905, %add3A_905 : vector<16xf32>
        %add3A_915 = arith.addf %scan3A_707, %mul3A_914 : vector<16xf32>
        %scan3A_916 = arith.constant 1 : i32
        %scan3A_917 = arith.addi %scan3A_705, %scan3A_916 : i32
        %mul3A_918 = arith.constant 16 : i32
        %mul3A_919 = arith.muli %scan3A_917, %mul3A_918 : i32
        %get3A_920 = arith.constant 3 : i32
        %get3A_921 = arith.constant 0 : i32
        %get3A_922 = arith.index_cast %get3A_920 : i32 to index
        %get3A_923 = arith.index_cast %get3A_921 : i32 to index
        %get3A_924 = arith.index_cast %mul3A_919 : i32 to index
        %get3A_925 = tpu.vector_load %arg6[%get3A_922, %get3A_923, %get3A_924] {strides = array<i32>} : memref<4x20x1024xf32, #tpu.memory_space<vmem>>, vector<1x1x16xf32>,
        %get3A_926 = vector.shape_cast %get3A_925 : vector<1x1x16xf32> to vector<16xf32>
        %mul3A_927 = arith.constant 16 : i32
        %mul3A_928 = arith.muli %scan3A_917, %mul3A_927 : i32
        %get3A_929 = arith.constant 3 : i32
        %get3A_930 = arith.constant 1 : i32
        %get3A_931 = arith.index_cast %get3A_929 : i32 to index
        %get3A_932 = arith.index_cast %get3A_930 : i32 to index
        %get3A_933 = arith.index_cast %mul3A_928 : i32 to index
        %get3A_934 = tpu.vector_load %arg6[%get3A_931, %get3A_932, %get3A_933] {strides = array<i32>} : memref<4x20x1024xf32, #tpu.memory_space<vmem>>, vector<1x1x16xf32>,
        %get3A_935 = vector.shape_cast %get3A_934 : vector<1x1x16xf32> to vector<16xf32>
        %mul3A_936 = arith.constant 16 : i32
        %mul3A_937 = arith.muli %scan3A_917, %mul3A_936 : i32
        %get3A_938 = arith.constant 3 : i32
        %get3A_939 = arith.constant 2 : i32
        %get3A_940 = arith.index_cast %get3A_938 : i32 to index
        %get3A_941 = arith.index_cast %get3A_939 : i32 to index
        %get3A_942 = arith.index_cast %mul3A_937 : i32 to index
        %get3A_943 = tpu.vector_load %arg6[%get3A_940, %get3A_941, %get3A_942] {strides = array<i32>} : memref<4x20x1024xf32, #tpu.memory_space<vmem>>, vector<1x1x16xf32>,
        %get3A_944 = vector.shape_cast %get3A_943 : vector<1x1x16xf32> to vector<16xf32>
        %mul3A_945 = arith.constant 16 : i32
        %mul3A_946 = arith.muli %scan3A_917, %mul3A_945 : i32
        %get3A_947 = arith.constant 3 : i32
        %get3A_948 = arith.constant 3 : i32
        %get3A_949 = arith.index_cast %get3A_947 : i32 to index
        %get3A_950 = arith.index_cast %get3A_948 : i32 to index
        %get3A_951 = arith.index_cast %mul3A_946 : i32 to index
        %get3A_952 = tpu.vector_load %arg6[%get3A_949, %get3A_950, %get3A_951] {strides = array<i32>} : memref<4x20x1024xf32, #tpu.memory_space<vmem>>, vector<1x1x16xf32>,
        %get3A_953 = vector.shape_cast %get3A_952 : vector<1x1x16xf32> to vector<16xf32>
        %mul3A_954 = arith.constant 16 : i32
        %mul3A_955 = arith.muli %scan3A_917, %mul3A_954 : i32
        %get3A_956 = arith.constant 3 : i32
        %get3A_957 = arith.constant 4 : i32
        %get3A_958 = arith.index_cast %get3A_956 : i32 to index
        %get3A_959 = arith.index_cast %get3A_957 : i32 to index
        %get3A_960 = arith.index_cast %mul3A_955 : i32 to index
        %get3A_961 = tpu.vector_load %arg6[%get3A_958, %get3A_959, %get3A_960] {strides = array<i32>} : memref<4x20x1024xf32, #tpu.memory_space<vmem>>, vector<1x1x16xf32>,
        %get3A_962 = vector.shape_cast %get3A_961 : vector<1x1x16xf32> to vector<16xf32>
        %mul3A_963 = arith.constant 16 : i32
        %mul3A_964 = arith.muli %scan3A_917, %mul3A_963 : i32
        %get3A_965 = arith.constant 3 : i32
        %get3A_966 = arith.constant 5 : i32
        %get3A_967 = arith.index_cast %get3A_965 : i32 to index
        %get3A_968 = arith.index_cast %get3A_966 : i32 to index
        %get3A_969 = arith.index_cast %mul3A_964 : i32 to index
        %get3A_970 = tpu.vector_load %arg6[%get3A_967, %get3A_968, %get3A_969] {strides = array<i32>} : memref<4x20x1024xf32, #tpu.memory_space<vmem>>, vector<1x1x16xf32>,
        %get3A_971 = vector.shape_cast %get3A_970 : vector<1x1x16xf32> to vector<16xf32>
        %mul3A_972 = arith.constant 16 : i32
        %mul3A_973 = arith.muli %scan3A_917, %mul3A_972 : i32
        %get3A_974 = arith.constant 3 : i32
        %get3A_975 = arith.constant 6 : i32
        %get3A_976 = arith.index_cast %get3A_974 : i32 to index
        %get3A_977 = arith.index_cast %get3A_975 : i32 to index
        %get3A_978 = arith.index_cast %mul3A_973 : i32 to index
        %get3A_979 = tpu.vector_load %arg6[%get3A_976, %get3A_977, %get3A_978] {strides = array<i32>} : memref<4x20x1024xf32, #tpu.memory_space<vmem>>, vector<1x1x16xf32>,
        %get3A_980 = vector.shape_cast %get3A_979 : vector<1x1x16xf32> to vector<16xf32>
        %mul3A_981 = arith.constant 16 : i32
        %mul3A_982 = arith.muli %scan3A_917, %mul3A_981 : i32
        %get3A_983 = arith.constant 3 : i32
        %get3A_984 = arith.constant 7 : i32
        %get3A_985 = arith.index_cast %get3A_983 : i32 to index
        %get3A_986 = arith.index_cast %get3A_984 : i32 to index
        %get3A_987 = arith.index_cast %mul3A_982 : i32 to index
        %get3A_988 = tpu.vector_load %arg6[%get3A_985, %get3A_986, %get3A_987] {strides = array<i32>} : memref<4x20x1024xf32, #tpu.memory_space<vmem>>, vector<1x1x16xf32>,
        %get3A_989 = vector.shape_cast %get3A_988 : vector<1x1x16xf32> to vector<16xf32>
        %mul3A_990 = arith.constant 16 : i32
        %mul3A_991 = arith.muli %scan3A_917, %mul3A_990 : i32
        %get3A_992 = arith.constant 3 : i32
        %get3A_993 = arith.constant 8 : i32
        %get3A_994 = arith.index_cast %get3A_992 : i32 to index
        %get3A_995 = arith.index_cast %get3A_993 : i32 to index
        %get3A_996 = arith.index_cast %mul3A_991 : i32 to index
        %get3A_997 = tpu.vector_load %arg6[%get3A_994, %get3A_995, %get3A_996] {strides = array<i32>} : memref<4x20x1024xf32, #tpu.memory_space<vmem>>, vector<1x1x16xf32>,
        %get3A_998 = vector.shape_cast %get3A_997 : vector<1x1x16xf32> to vector<16xf32>
        %mul3A_999 = arith.constant 16 : i32
        %mul3A_1000 = arith.muli %scan3A_917, %mul3A_999 : i32
        %get3A_1001 = arith.constant 3 : i32
        %get3A_1002 = arith.constant 9 : i32
        %get3A_1003 = arith.index_cast %get3A_1001 : i32 to index
        %get3A_1004 = arith.index_cast %get3A_1002 : i32 to index
        %get3A_1005 = arith.index_cast %mul3A_1000 : i32 to index
        %get3A_1006 = tpu.vector_load %arg6[%get3A_1003, %get3A_1004, %get3A_1005] {strides = array<i32>} : memref<4x20x1024xf32, #tpu.memory_space<vmem>>, vector<1x1x16xf32>,
        %get3A_1007 = vector.shape_cast %get3A_1006 : vector<1x1x16xf32> to vector<16xf32>
        %mul3A_1008 = arith.constant 16 : i32
        %mul3A_1009 = arith.muli %scan3A_917, %mul3A_1008 : i32
        %get3A_1010 = arith.constant 3 : i32
        %get3A_1011 = arith.constant 10 : i32
        %get3A_1012 = arith.index_cast %get3A_1010 : i32 to index
        %get3A_1013 = arith.index_cast %get3A_1011 : i32 to index
        %get3A_1014 = arith.index_cast %mul3A_1009 : i32 to index
        %get3A_1015 = tpu.vector_load %arg6[%get3A_1012, %get3A_1013, %get3A_1014] {strides = array<i32>} : memref<4x20x1024xf32, #tpu.memory_space<vmem>>, vector<1x1x16xf32>,
        %get3A_1016 = vector.shape_cast %get3A_1015 : vector<1x1x16xf32> to vector<16xf32>
        %mul3A_1017 = arith.constant 16 : i32
        %mul3A_1018 = arith.muli %scan3A_917, %mul3A_1017 : i32
        %get3A_1019 = arith.constant 3 : i32
        %get3A_1020 = arith.constant 11 : i32
        %get3A_1021 = arith.index_cast %get3A_1019 : i32 to index
        %get3A_1022 = arith.index_cast %get3A_1020 : i32 to index
        %get3A_1023 = arith.index_cast %mul3A_1018 : i32 to index
        %get3A_1024 = tpu.vector_load %arg6[%get3A_1021, %get3A_1022, %get3A_1023] {strides = array<i32>} : memref<4x20x1024xf32, #tpu.memory_space<vmem>>, vector<1x1x16xf32>,
        %get3A_1025 = vector.shape_cast %get3A_1024 : vector<1x1x16xf32> to vector<16xf32>
        %mul3A_1026 = arith.constant 16 : i32
        %mul3A_1027 = arith.muli %scan3A_917, %mul3A_1026 : i32
        %get3A_1028 = arith.constant 3 : i32
        %get3A_1029 = arith.constant 12 : i32
        %get3A_1030 = arith.index_cast %get3A_1028 : i32 to index
        %get3A_1031 = arith.index_cast %get3A_1029 : i32 to index
        %get3A_1032 = arith.index_cast %mul3A_1027 : i32 to index
        %get3A_1033 = tpu.vector_load %arg6[%get3A_1030, %get3A_1031, %get3A_1032] {strides = array<i32>} : memref<4x20x1024xf32, #tpu.memory_space<vmem>>, vector<1x1x16xf32>,
        %get3A_1034 = vector.shape_cast %get3A_1033 : vector<1x1x16xf32> to vector<16xf32>
        %mul3A_1035 = arith.constant 16 : i32
        %mul3A_1036 = arith.muli %scan3A_917, %mul3A_1035 : i32
        %get3A_1037 = arith.constant 3 : i32
        %get3A_1038 = arith.constant 13 : i32
        %get3A_1039 = arith.index_cast %get3A_1037 : i32 to index
        %get3A_1040 = arith.index_cast %get3A_1038 : i32 to index
        %get3A_1041 = arith.index_cast %mul3A_1036 : i32 to index
        %get3A_1042 = tpu.vector_load %arg6[%get3A_1039, %get3A_1040, %get3A_1041] {strides = array<i32>} : memref<4x20x1024xf32, #tpu.memory_space<vmem>>, vector<1x1x16xf32>,
        %get3A_1043 = vector.shape_cast %get3A_1042 : vector<1x1x16xf32> to vector<16xf32>
        %mul3A_1044 = arith.constant 16 : i32
        %mul3A_1045 = arith.muli %scan3A_917, %mul3A_1044 : i32
        %get3A_1046 = arith.constant 3 : i32
        %get3A_1047 = arith.constant 14 : i32
        %get3A_1048 = arith.index_cast %get3A_1046 : i32 to index
        %get3A_1049 = arith.index_cast %get3A_1047 : i32 to index
        %get3A_1050 = arith.index_cast %mul3A_1045 : i32 to index
        %get3A_1051 = tpu.vector_load %arg6[%get3A_1048, %get3A_1049, %get3A_1050] {strides = array<i32>} : memref<4x20x1024xf32, #tpu.memory_space<vmem>>, vector<1x1x16xf32>,
        %get3A_1052 = vector.shape_cast %get3A_1051 : vector<1x1x16xf32> to vector<16xf32>
        %mul3A_1053 = arith.constant 16 : i32
        %mul3A_1054 = arith.muli %scan3A_917, %mul3A_1053 : i32
        %get3A_1055 = arith.constant 3 : i32
        %get3A_1056 = arith.constant 15 : i32
        %get3A_1057 = arith.index_cast %get3A_1055 : i32 to index
        %get3A_1058 = arith.index_cast %get3A_1056 : i32 to index
        %get3A_1059 = arith.index_cast %mul3A_1054 : i32 to index
        %get3A_1060 = tpu.vector_load %arg6[%get3A_1057, %get3A_1058, %get3A_1059] {strides = array<i32>} : memref<4x20x1024xf32, #tpu.memory_space<vmem>>, vector<1x1x16xf32>,
        %get3A_1061 = vector.shape_cast %get3A_1060 : vector<1x1x16xf32> to vector<16xf32>
        %mul3A_1062 = arith.constant 16 : i32
        %mul3A_1063 = arith.muli %scan3A_917, %mul3A_1062 : i32
        %get3A_1064 = arith.constant 3 : i32
        %get3A_1065 = arith.constant 16 : i32
        %get3A_1066 = arith.index_cast %get3A_1064 : i32 to index
        %get3A_1067 = arith.index_cast %get3A_1065 : i32 to index
        %get3A_1068 = arith.index_cast %mul3A_1063 : i32 to index
        %get3A_1069 = tpu.vector_load %arg6[%get3A_1066, %get3A_1067, %get3A_1068] {strides = array<i32>} : memref<4x20x1024xf32, #tpu.memory_space<vmem>>, vector<1x1x16xf32>,
        %get3A_1070 = vector.shape_cast %get3A_1069 : vector<1x1x16xf32> to vector<16xf32>
        %mul3A_1071 = arith.constant 16 : i32
        %mul3A_1072 = arith.muli %scan3A_917, %mul3A_1071 : i32
        %get3A_1073 = arith.constant 3 : i32
        %get3A_1074 = arith.constant 17 : i32
        %get3A_1075 = arith.index_cast %get3A_1073 : i32 to index
        %get3A_1076 = arith.index_cast %get3A_1074 : i32 to index
        %get3A_1077 = arith.index_cast %mul3A_1072 : i32 to index
        %get3A_1078 = tpu.vector_load %arg6[%get3A_1075, %get3A_1076, %get3A_1077] {strides = array<i32>} : memref<4x20x1024xf32, #tpu.memory_space<vmem>>, vector<1x1x16xf32>,
        %get3A_1079 = vector.shape_cast %get3A_1078 : vector<1x1x16xf32> to vector<16xf32>
        %mul3A_1080 = arith.constant 16 : i32
        %mul3A_1081 = arith.muli %scan3A_917, %mul3A_1080 : i32
        %get3A_1082 = arith.constant 3 : i32
        %get3A_1083 = arith.constant 18 : i32
        %get3A_1084 = arith.index_cast %get3A_1082 : i32 to index
        %get3A_1085 = arith.index_cast %get3A_1083 : i32 to index
        %get3A_1086 = arith.index_cast %mul3A_1081 : i32 to index
        %get3A_1087 = tpu.vector_load %arg6[%get3A_1084, %get3A_1085, %get3A_1086] {strides = array<i32>} : memref<4x20x1024xf32, #tpu.memory_space<vmem>>, vector<1x1x16xf32>,
        %get3A_1088 = vector.shape_cast %get3A_1087 : vector<1x1x16xf32> to vector<16xf32>
        %mul3A_1089 = arith.constant 16 : i32
        %mul3A_1090 = arith.muli %scan3A_917, %mul3A_1089 : i32
        %get3A_1091 = arith.constant 3 : i32
        %get3A_1092 = arith.constant 19 : i32
        %get3A_1093 = arith.index_cast %get3A_1091 : i32 to index
        %get3A_1094 = arith.index_cast %get3A_1092 : i32 to index
        %get3A_1095 = arith.index_cast %mul3A_1090 : i32 to index
        %get3A_1096 = tpu.vector_load %arg6[%get3A_1093, %get3A_1094, %get3A_1095] {strides = array<i32>} : memref<4x20x1024xf32, #tpu.memory_space<vmem>>, vector<1x1x16xf32>,
        %get3A_1097 = vector.shape_cast %get3A_1096 : vector<1x1x16xf32> to vector<16xf32>
        %add3A_1098 = arith.addf %get3A_926, %get3A_935 : vector<16xf32>
        %add3A_1099 = arith.addf %get3A_944, %get3A_953 : vector<16xf32>
        %add3A_1100 = arith.addf %get3A_962, %get3A_971 : vector<16xf32>
        %add3A_1101 = arith.addf %get3A_980, %get3A_989 : vector<16xf32>
        %add3A_1102 = arith.addf %get3A_998, %get3A_1007 : vector<16xf32>
        %add3A_1103 = arith.addf %get3A_1016, %get3A_1025 : vector<16xf32>
        %add3A_1104 = arith.addf %get3A_1034, %get3A_1043 : vector<16xf32>
        %add3A_1105 = arith.addf %get3A_1052, %get3A_1061 : vector<16xf32>
        %add3A_1106 = arith.addf %get3A_1070, %get3A_1079 : vector<16xf32>
        %add3A_1107 = arith.addf %get3A_1088, %get3A_1097 : vector<16xf32>
        %add3A_1108 = arith.addf %add3A_1098, %add3A_1099 : vector<16xf32>
        %add3A_1109 = arith.addf %add3A_1100, %add3A_1101 : vector<16xf32>
        %add3A_1110 = arith.addf %add3A_1102, %add3A_1103 : vector<16xf32>
        %add3A_1111 = arith.addf %add3A_1104, %add3A_1105 : vector<16xf32>
        %add3A_1112 = arith.addf %add3A_1106, %add3A_1107 : vector<16xf32>
        %add3A_1113 = arith.addf %add3A_1108, %add3A_1109 : vector<16xf32>
        %add3A_1114 = arith.addf %add3A_1110, %add3A_1111 : vector<16xf32>
        %add3A_1115 = arith.addf %add3A_1114, %add3A_1112 : vector<16xf32>
        %add3A_1116 = arith.addf %add3A_1113, %add3A_1115 : vector<16xf32>
        %mul3A_1117 = arith.constant 16 : i32
        %mul3A_1118 = arith.muli %scan3A_917, %mul3A_1117 : i32
        %swap3A_1119 = arith.constant 3 : i32
        %swap3A_1120 = arith.index_cast %swap3A_1119 : i32 to index
        %swap3A_1121 = arith.index_cast %mul3A_1118 : i32 to index
        %swap3A_1122 = tpu.vector_load %arg7[%swap3A_1120, %swap3A_1121] {strides = array<i32>} : memref<4x1024xf32, #tpu.memory_space<vmem>>, vector<1x16xf32>,
        %swap3A_1123 = vector.shape_cast %swap3A_1122 : vector<1x16xf32> to vector<16xf32>
        %swap3A_1124 = vector.shape_cast %add3A_1116 : vector<16xf32> to vector<1x16xf32>
        tpu.vector_store %arg7[%swap3A_1120, %swap3A_1121], %swap3A_1124 {strides = array<i32>} : memref<4x1024xf32, #tpu.memory_space<vmem>>, vector<1x16xf32>,
        %add3A_1125 = arith.addf %add3A_913, %add3A_1116 : vector<16xf32>
        %mul3A_1126 = arith.mulf %add3A_1116, %add3A_1116 : vector<16xf32>
        %add3A_1127 = arith.addf %add3A_915, %mul3A_1126 : vector<16xf32>
        scf.yield %add3A_1125, %add3A_1127 : vector<16xf32>, vector<16xf32>
      }
      %scan3A_585 = arith.constant 64 : i32
      %iota3A_586 = tpu.iota {dimensions = array<i32: 0>} : vector<16xi32>
      %xor3A_587 = arith.constant 1 : i32
      %xor3A_588 = vector.broadcast %xor3A_587 : i32 to vector<16xi32>
      %xor3A_589 = arith.xori %iota3A_586, %xor3A_588 : vector<16xi32>
      %broadcast_in_dim3A_590 = vector.shape_cast %xor3A_589 : vector<16xi32> to vector<16x1xi32>
      %gather3A_591 = vector.shape_cast %broadcast_in_dim3A_590 : vector<16x1xi32> to vector<16xi32>
      %gather3A_592 = tpu.dynamic_gather %scan3A_584#0[%gather3A_591] in [0] : vector<16xf32>, vector<16xi32> -> vector<16xf32>
      %add3A_593 = arith.addf %scan3A_584#0, %gather3A_592 : vector<16xf32>
      %xor3A_594 = arith.constant 2 : i32
      %xor3A_595 = vector.broadcast %xor3A_594 : i32 to vector<16xi32>
      %xor3A_596 = arith.xori %iota3A_586, %xor3A_595 : vector<16xi32>
      %broadcast_in_dim3A_597 = vector.shape_cast %xor3A_596 : vector<16xi32> to vector<16x1xi32>
      %gather3A_598 = vector.shape_cast %broadcast_in_dim3A_597 : vector<16x1xi32> to vector<16xi32>
      %gather3A_599 = tpu.dynamic_gather %add3A_593[%gather3A_598] in [0] : vector<16xf32>, vector<16xi32> -> vector<16xf32>
      %add3A_600 = arith.addf %add3A_593, %gather3A_599 : vector<16xf32>
      %xor3A_601 = arith.constant 4 : i32
      %xor3A_602 = vector.broadcast %xor3A_601 : i32 to vector<16xi32>
      %xor3A_603 = arith.xori %iota3A_586, %xor3A_602 : vector<16xi32>
      %broadcast_in_dim3A_604 = vector.shape_cast %xor3A_603 : vector<16xi32> to vector<16x1xi32>
      %gather3A_605 = vector.shape_cast %broadcast_in_dim3A_604 : vector<16x1xi32> to vector<16xi32>
      %gather3A_606 = tpu.dynamic_gather %add3A_600[%gather3A_605] in [0] : vector<16xf32>, vector<16xi32> -> vector<16xf32>
      %add3A_607 = arith.addf %add3A_600, %gather3A_606 : vector<16xf32>
      %xor3A_608 = arith.constant 8 : i32
      %xor3A_609 = vector.broadcast %xor3A_608 : i32 to vector<16xi32>
      %xor3A_610 = arith.xori %iota3A_586, %xor3A_609 : vector<16xi32>
      %broadcast_in_dim3A_611 = vector.shape_cast %xor3A_610 : vector<16xi32> to vector<16x1xi32>
      %gather3A_612 = vector.shape_cast %broadcast_in_dim3A_611 : vector<16x1xi32> to vector<16xi32>
      %gather3A_613 = tpu.dynamic_gather %add3A_607[%gather3A_612] in [0] : vector<16xf32>, vector<16xi32> -> vector<16xf32>
      %add3A_614 = arith.addf %add3A_607, %gather3A_613 : vector<16xf32>
      %mul3A_615 = arith.constant 9.765625E-4 : f32
      %mul3A_616 = vector.broadcast %mul3A_615 : f32 to vector<16xf32>
      %mul3A_617 = arith.mulf %add3A_614, %mul3A_616 : vector<16xf32>
      %iota3A_618 = tpu.iota {dimensions = array<i32: 0>} : vector<16xi32>
      %xor3A_619 = arith.constant 1 : i32
      %xor3A_620 = vector.broadcast %xor3A_619 : i32 to vector<16xi32>
      %xor3A_621 = arith.xori %iota3A_618, %xor3A_620 : vector<16xi32>
      %broadcast_in_dim3A_622 = vector.shape_cast %xor3A_621 : vector<16xi32> to vector<16x1xi32>
      %gather3A_623 = vector.shape_cast %broadcast_in_dim3A_622 : vector<16x1xi32> to vector<16xi32>
      %gather3A_624 = tpu.dynamic_gather %scan3A_584#1[%gather3A_623] in [0] : vector<16xf32>, vector<16xi32> -> vector<16xf32>
      %add3A_625 = arith.addf %scan3A_584#1, %gather3A_624 : vector<16xf32>
      %xor3A_626 = arith.constant 2 : i32
      %xor3A_627 = vector.broadcast %xor3A_626 : i32 to vector<16xi32>
      %xor3A_628 = arith.xori %iota3A_618, %xor3A_627 : vector<16xi32>
      %broadcast_in_dim3A_629 = vector.shape_cast %xor3A_628 : vector<16xi32> to vector<16x1xi32>
      %gather3A_630 = vector.shape_cast %broadcast_in_dim3A_629 : vector<16x1xi32> to vector<16xi32>
      %gather3A_631 = tpu.dynamic_gather %add3A_625[%gather3A_630] in [0] : vector<16xf32>, vector<16xi32> -> vector<16xf32>
      %add3A_632 = arith.addf %add3A_625, %gather3A_631 : vector<16xf32>
      %xor3A_633 = arith.constant 4 : i32
      %xor3A_634 = vector.broadcast %xor3A_633 : i32 to vector<16xi32>
      %xor3A_635 = arith.xori %iota3A_618, %xor3A_634 : vector<16xi32>
      %broadcast_in_dim3A_636 = vector.shape_cast %xor3A_635 : vector<16xi32> to vector<16x1xi32>
      %gather3A_637 = vector.shape_cast %broadcast_in_dim3A_636 : vector<16x1xi32> to vector<16xi32>
      %gather3A_638 = tpu.dynamic_gather %add3A_632[%gather3A_637] in [0] : vector<16xf32>, vector<16xi32> -> vector<16xf32>
      %add3A_639 = arith.addf %add3A_632, %gather3A_638 : vector<16xf32>
      %xor3A_640 = arith.constant 8 : i32
      %xor3A_641 = vector.broadcast %xor3A_640 : i32 to vector<16xi32>
      %xor3A_642 = arith.xori %iota3A_618, %xor3A_641 : vector<16xi32>
      %broadcast_in_dim3A_643 = vector.shape_cast %xor3A_642 : vector<16xi32> to vector<16x1xi32>
      %gather3A_644 = vector.shape_cast %broadcast_in_dim3A_643 : vector<16x1xi32> to vector<16xi32>
      %gather3A_645 = tpu.dynamic_gather %add3A_639[%gather3A_644] in [0] : vector<16xf32>, vector<16xi32> -> vector<16xf32>
      %add3A_646 = arith.addf %add3A_639, %gather3A_645 : vector<16xf32>
      %mul3A_647 = arith.constant 9.765625E-4 : f32
      %mul3A_648 = vector.broadcast %mul3A_647 : f32 to vector<16xf32>
      %mul3A_649 = arith.mulf %add3A_646, %mul3A_648 : vector<16xf32>
      %mul3A_650 = arith.mulf %mul3A_617, %mul3A_617 : vector<16xf32>
      %sub3A_651 = arith.subf %mul3A_649, %mul3A_650 : vector<16xf32>
      %add3A_652 = arith.constant 9.99999974E-6 : f32
      %add3A_653 = vector.broadcast %add3A_652 : f32 to vector<16xf32>
      %add3A_654 = arith.addf %sub3A_651, %add3A_653 : vector<16xf32>
      %bitcast_convert_type3A_655 = tpu.bitcast %add3A_654 : vector<16xf32> -> vector<16xi32>
      %shift_right_arithmetic3A_656 = arith.constant 1 : i32
      %shift_right_arithmetic3A_657 = vector.broadcast %shift_right_arithmetic3A_656 : i32 to vector<16xi32>
      %shift_right_arithmetic3A_658 = arith.shrsi %bitcast_convert_type3A_655, %shift_right_arithmetic3A_657 : vector<16xi32>
      %sub3A_659 = arith.constant 1597463007 : i32
      %sub3A_660 = vector.broadcast %sub3A_659 : i32 to vector<16xi32>
      %sub3A_661 = arith.subi %sub3A_660, %shift_right_arithmetic3A_658 : vector<16xi32>
      %bitcast_convert_type3A_662 = tpu.bitcast %sub3A_661 : vector<16xi32> -> vector<16xf32>
      %mul3A_663 = arith.constant 5.000000e-01 : f32
      %mul3A_664 = vector.broadcast %mul3A_663 : f32 to vector<16xf32>
      %mul3A_665 = arith.mulf %add3A_654, %mul3A_664 : vector<16xf32>
      %mul3A_666 = arith.mulf %mul3A_665, %bitcast_convert_type3A_662 : vector<16xf32>
      %mul3A_667 = arith.mulf %mul3A_666, %bitcast_convert_type3A_662 : vector<16xf32>
      %sub3A_668 = arith.constant 1.500000e+00 : f32
      %sub3A_669 = vector.broadcast %sub3A_668 : f32 to vector<16xf32>
      %sub3A_670 = arith.subf %sub3A_669, %mul3A_667 : vector<16xf32>
      %mul3A_671 = arith.mulf %bitcast_convert_type3A_662, %sub3A_670 : vector<16xf32>
      %mul3A_672 = arith.mulf %mul3A_665, %mul3A_671 : vector<16xf32>
      %mul3A_673 = arith.mulf %mul3A_672, %mul3A_671 : vector<16xf32>
      %sub3A_674 = arith.constant 1.500000e+00 : f32
      %sub3A_675 = vector.broadcast %sub3A_674 : f32 to vector<16xf32>
      %sub3A_676 = arith.subf %sub3A_675, %mul3A_673 : vector<16xf32>
      %mul3A_677 = arith.mulf %mul3A_671, %sub3A_676 : vector<16xf32>
      %mul3A_678 = arith.mulf %mul3A_665, %mul3A_677 : vector<16xf32>
      %mul3A_679 = arith.mulf %mul3A_678, %mul3A_677 : vector<16xf32>
      %sub3A_680 = arith.constant 1.500000e+00 : f32
      %sub3A_681 = vector.broadcast %sub3A_680 : f32 to vector<16xf32>
      %sub3A_682 = arith.subf %sub3A_681, %mul3A_679 : vector<16xf32>
      %mul3A_683 = arith.mulf %mul3A_677, %sub3A_682 : vector<16xf32>
      %scan3A_684 = arith.constant 0 : i32
      %scan3A_685 = arith.constant 0 : i32
      %scan3A_686 = arith.constant 64 : i32
      %scan3A_687 = arith.addi %scan3A_685, %scan3A_686 : i32
      %scan3A_688 = arith.constant 1 : i32
      %scan3A_689 = scf.for %scan3A_705 = %scan3A_685 to %scan3A_687 step %scan3A_688 iter_args(%scan3A_706 = %scan3A_684) -> (i32)  : i32 {
        %mul3A_707 = arith.constant 16 : i32
        %mul3A_708 = arith.muli %scan3A_705, %mul3A_707 : i32
        %get3A = arith.constant 3 : i32
        %get3A_709 = arith.index_cast %get3A : i32 to index
        %get3A_710 = arith.index_cast %mul3A_708 : i32 to index
        %get3A_711 = tpu.vector_load %arg7[%get3A_709, %get3A_710] {strides = array<i32>} : memref<4x1024xf32, #tpu.memory_space<vmem>>, vector<1x16xf32>,
        %get3A_712 = vector.shape_cast %get3A_711 : vector<1x16xf32> to vector<16xf32>
        %sub3A_713 = arith.subf %get3A_712, %mul3A_617 : vector<16xf32>
        %mul3A_714 = arith.mulf %sub3A_713, %mul3A_683 : vector<16xf32>
        %mul3A_715 = arith.constant 16 : i32
        %mul3A_716 = arith.muli %scan3A_705, %mul3A_715 : i32
        %swap3A = arith.constant 3 : i32
        %swap3A_717 = arith.index_cast %swap3A : i32 to index
        %swap3A_718 = arith.index_cast %mul3A_716 : i32 to index
        %swap3A_719 = tpu.vector_load %arg7[%swap3A_717, %swap3A_718] {strides = array<i32>} : memref<4x1024xf32, #tpu.memory_space<vmem>>, vector<1x16xf32>,
        %swap3A_720 = vector.shape_cast %swap3A_719 : vector<1x16xf32> to vector<16xf32>
        %swap3A_721 = vector.shape_cast %mul3A_714 : vector<16xf32> to vector<1x16xf32>
        tpu.vector_store %arg7[%swap3A_717, %swap3A_718], %swap3A_721 {strides = array<i32>} : memref<4x1024xf32, #tpu.memory_space<vmem>>, vector<1x16xf32>,
        %scan3A_722 = arith.constant 0 : i32
        scf.yield %scan3A_722 : i32
      }
      %scan3A_690 = arith.constant 64 : i32
      %add3A_691 = arith.addi %mul3A_2, %add3A_554 : i32
      %dma_start3A_692 = arith.constant 3 : i32
      %dma_start3A_693 = arith.constant 0 : i32
      %dma_start3A_694 = tpu.memref_slice %arg7[%dma_start3A_692, %dma_start3A_693] : memref<4x1024xf32, #tpu.memory_space<vmem>> -> memref<1x1024xf32, #tpu.memory_space<vmem>>
      %dma_start3A_695 = tpu.memref_squeeze %dma_start3A_694 : memref<1x1024xf32, #tpu.memory_space<vmem>> -> memref<1024xf32, #tpu.memory_space<vmem>>
      %dma_start3A_696 = arith.constant 0 : i32
      %dma_start3A_697 = tpu.memref_slice %arg4[%add3A_691, %dma_start3A_696] : memref<26624x1024xf32, #tpu.memory_space<hbm>> -> memref<1x1024xf32, #tpu.memory_space<hbm>>
      %dma_start3A_698 = tpu.memref_squeeze %dma_start3A_697 : memref<1x1024xf32, #tpu.memory_space<hbm>> -> memref<1024xf32, #tpu.memory_space<hbm>>
      %dma_start3A_699 = arith.constant 0 : i32
      %dma_start3A_700 = tpu.memref_slice %arg4[%add3A_691, %dma_start3A_699] : memref<26624x1024xf32, #tpu.memory_space<hbm>> -> memref<1x1024xf32, #tpu.memory_space<hbm>>
      %dma_start3A_701 = tpu.memref_squeeze %dma_start3A_700 : memref<1x1024xf32, #tpu.memory_space<hbm>> -> memref<1024xf32, #tpu.memory_space<hbm>>
      %dma_start3A_702 = arith.constant 0 : i32
      %dma_start3A_703 = tpu.memref_slice %arg7[%dma_start3A_692, %dma_start3A_702] : memref<4x1024xf32, #tpu.memory_space<vmem>> -> memref<1x1024xf32, #tpu.memory_space<vmem>>
      %dma_start3A_704 = tpu.memref_squeeze %dma_start3A_703 : memref<1x1024xf32, #tpu.memory_space<vmem>> -> memref<1024xf32, #tpu.memory_space<vmem>>
      tpu.enqueue_dma source(%dma_start3A_704 : memref<1024xf32, #tpu.memory_space<vmem>>) target(%dma_start3A_701 : memref<1024xf32, #tpu.memory_space<hbm>>) target_semaphore(%arg15 : memref<!tpu.dma_semaphore, #tpu.memory_space<semaphore_mem>>)
    }
    %scan3A_42 = arith.constant 208 : i32
    %add3A_43 = arith.constant 828 : i32
    %add3A_44 = arith.addi %mul3A_2, %add3A_43 : i32
    %dma_wait3A = arith.constant 0 : i32
    %dma_wait3A_45 = arith.constant 0 : i32
    %dma_wait3A_46 = tpu.memref_slice %arg7[%dma_wait3A, %dma_wait3A_45] : memref<4x1024xf32, #tpu.memory_space<vmem>> -> memref<1x1024xf32, #tpu.memory_space<vmem>>
    %dma_wait3A_47 = tpu.memref_squeeze %dma_wait3A_46 : memref<1x1024xf32, #tpu.memory_space<vmem>> -> memref<1024xf32, #tpu.memory_space<vmem>>
    %dma_wait3A_48 = arith.constant 0 : i32
    %dma_wait3A_49 = tpu.memref_slice %arg4[%add3A_44, %dma_wait3A_48] : memref<26624x1024xf32, #tpu.memory_space<hbm>> -> memref<1x1024xf32, #tpu.memory_space<hbm>>
    %dma_wait3A_50 = tpu.memref_squeeze %dma_wait3A_49 : memref<1x1024xf32, #tpu.memory_space<hbm>> -> memref<1024xf32, #tpu.memory_space<hbm>>
    %dma_wait3A_51 = arith.constant 0 : i32
    %dma_wait3A_52 = tpu.memref_slice %arg4[%add3A_44, %dma_wait3A_51] : memref<26624x1024xf32, #tpu.memory_space<hbm>> -> memref<1x1024xf32, #tpu.memory_space<hbm>>
    %dma_wait3A_53 = tpu.memref_squeeze %dma_wait3A_52 : memref<1x1024xf32, #tpu.memory_space<hbm>> -> memref<1024xf32, #tpu.memory_space<hbm>>
    %dma_wait3A_54 = arith.constant 0 : i32
    %dma_wait3A_55 = tpu.memref_slice %arg7[%dma_wait3A, %dma_wait3A_54] : memref<4x1024xf32, #tpu.memory_space<vmem>> -> memref<1x1024xf32, #tpu.memory_space<vmem>>
    %dma_wait3A_56 = tpu.memref_squeeze %dma_wait3A_55 : memref<1x1024xf32, #tpu.memory_space<vmem>> -> memref<1024xf32, #tpu.memory_space<vmem>>
    tpu.wait_dma2 semaphore(%arg12 : memref<!tpu.dma_semaphore, #tpu.memory_space<semaphore_mem>>) src(%dma_wait3A_56 : memref<1024xf32, #tpu.memory_space<vmem>>) dst(%dma_wait3A_53 : memref<1024xf32, #tpu.memory_space<hbm>>)
    %add3A_57 = arith.constant 829 : i32
    %add3A_58 = arith.addi %mul3A_2, %add3A_57 : i32
    %dma_wait3A_59 = arith.constant 1 : i32
    %dma_wait3A_60 = arith.constant 0 : i32
    %dma_wait3A_61 = tpu.memref_slice %arg7[%dma_wait3A_59, %dma_wait3A_60] : memref<4x1024xf32, #tpu.memory_space<vmem>> -> memref<1x1024xf32, #tpu.memory_space<vmem>>
    %dma_wait3A_62 = tpu.memref_squeeze %dma_wait3A_61 : memref<1x1024xf32, #tpu.memory_space<vmem>> -> memref<1024xf32, #tpu.memory_space<vmem>>
    %dma_wait3A_63 = arith.constant 0 : i32
    %dma_wait3A_64 = tpu.memref_slice %arg4[%add3A_58, %dma_wait3A_63] : memref<26624x1024xf32, #tpu.memory_space<hbm>> -> memref<1x1024xf32, #tpu.memory_space<hbm>>
    %dma_wait3A_65 = tpu.memref_squeeze %dma_wait3A_64 : memref<1x1024xf32, #tpu.memory_space<hbm>> -> memref<1024xf32, #tpu.memory_space<hbm>>
    %dma_wait3A_66 = arith.constant 0 : i32
    %dma_wait3A_67 = tpu.memref_slice %arg4[%add3A_58, %dma_wait3A_66] : memref<26624x1024xf32, #tpu.memory_space<hbm>> -> memref<1x1024xf32, #tpu.memory_space<hbm>>
    %dma_wait3A_68 = tpu.memref_squeeze %dma_wait3A_67 : memref<1x1024xf32, #tpu.memory_space<hbm>> -> memref<1024xf32, #tpu.memory_space<hbm>>
    %dma_wait3A_69 = arith.constant 0 : i32
    %dma_wait3A_70 = tpu.memref_slice %arg7[%dma_wait3A_59, %dma_wait3A_69] : memref<4x1024xf32, #tpu.memory_space<vmem>> -> memref<1x1024xf32, #tpu.memory_space<vmem>>
    %dma_wait3A_71 = tpu.memref_squeeze %dma_wait3A_70 : memref<1x1024xf32, #tpu.memory_space<vmem>> -> memref<1024xf32, #tpu.memory_space<vmem>>
    tpu.wait_dma2 semaphore(%arg13 : memref<!tpu.dma_semaphore, #tpu.memory_space<semaphore_mem>>) src(%dma_wait3A_71 : memref<1024xf32, #tpu.memory_space<vmem>>) dst(%dma_wait3A_68 : memref<1024xf32, #tpu.memory_space<hbm>>)
    %add3A_72 = arith.constant 830 : i32
    %add3A_73 = arith.addi %mul3A_2, %add3A_72 : i32
    %dma_wait3A_74 = arith.constant 2 : i32
    %dma_wait3A_75 = arith.constant 0 : i32
    %dma_wait3A_76 = tpu.memref_slice %arg7[%dma_wait3A_74, %dma_wait3A_75] : memref<4x1024xf32, #tpu.memory_space<vmem>> -> memref<1x1024xf32, #tpu.memory_space<vmem>>
    %dma_wait3A_77 = tpu.memref_squeeze %dma_wait3A_76 : memref<1x1024xf32, #tpu.memory_space<vmem>> -> memref<1024xf32, #tpu.memory_space<vmem>>
    %dma_wait3A_78 = arith.constant 0 : i32
    %dma_wait3A_79 = tpu.memref_slice %arg4[%add3A_73, %dma_wait3A_78] : memref<26624x1024xf32, #tpu.memory_space<hbm>> -> memref<1x1024xf32, #tpu.memory_space<hbm>>
    %dma_wait3A_80 = tpu.memref_squeeze %dma_wait3A_79 : memref<1x1024xf32, #tpu.memory_space<hbm>> -> memref<1024xf32, #tpu.memory_space<hbm>>
    %dma_wait3A_81 = arith.constant 0 : i32
    %dma_wait3A_82 = tpu.memref_slice %arg4[%add3A_73, %dma_wait3A_81] : memref<26624x1024xf32, #tpu.memory_space<hbm>> -> memref<1x1024xf32, #tpu.memory_space<hbm>>
    %dma_wait3A_83 = tpu.memref_squeeze %dma_wait3A_82 : memref<1x1024xf32, #tpu.memory_space<hbm>> -> memref<1024xf32, #tpu.memory_space<hbm>>
    %dma_wait3A_84 = arith.constant 0 : i32
    %dma_wait3A_85 = tpu.memref_slice %arg7[%dma_wait3A_74, %dma_wait3A_84] : memref<4x1024xf32, #tpu.memory_space<vmem>> -> memref<1x1024xf32, #tpu.memory_space<vmem>>
    %dma_wait3A_86 = tpu.memref_squeeze %dma_wait3A_85 : memref<1x1024xf32, #tpu.memory_space<vmem>> -> memref<1024xf32, #tpu.memory_space<vmem>>
    tpu.wait_dma2 semaphore(%arg14 : memref<!tpu.dma_semaphore, #tpu.memory_space<semaphore_mem>>) src(%dma_wait3A_86 : memref<1024xf32, #tpu.memory_space<vmem>>) dst(%dma_wait3A_83 : memref<1024xf32, #tpu.memory_space<hbm>>)
    %add3A_87 = arith.constant 831 : i32
    %add3A_88 = arith.addi %mul3A_2, %add3A_87 : i32
    %dma_wait3A_89 = arith.constant 3 : i32
    %dma_wait3A_90 = arith.constant 0 : i32
    %dma_wait3A_91 = tpu.memref_slice %arg7[%dma_wait3A_89, %dma_wait3A_90] : memref<4x1024xf32, #tpu.memory_space<vmem>> -> memref<1x1024xf32, #tpu.memory_space<vmem>>
    %dma_wait3A_92 = tpu.memref_squeeze %dma_wait3A_91 : memref<1x1024xf32, #tpu.memory_space<vmem>> -> memref<1024xf32, #tpu.memory_space<vmem>>
    %dma_wait3A_93 = arith.constant 0 : i32
    %dma_wait3A_94 = tpu.memref_slice %arg4[%add3A_88, %dma_wait3A_93] : memref<26624x1024xf32, #tpu.memory_space<hbm>> -> memref<1x1024xf32, #tpu.memory_space<hbm>>
    %dma_wait3A_95 = tpu.memref_squeeze %dma_wait3A_94 : memref<1x1024xf32, #tpu.memory_space<hbm>> -> memref<1024xf32, #tpu.memory_space<hbm>>
    %dma_wait3A_96 = arith.constant 0 : i32
    %dma_wait3A_97 = tpu.memref_slice %arg4[%add3A_88, %dma_wait3A_96] : memref<26624x1024xf32, #tpu.memory_space<hbm>> -> memref<1x1024xf32, #tpu.memory_space<hbm>>
    %dma_wait3A_98 = tpu.memref_squeeze %dma_wait3A_97 : memref<1x1024xf32, #tpu.memory_space<hbm>> -> memref<1024xf32, #tpu.memory_space<hbm>>
    %dma_wait3A_99 = arith.constant 0 : i32
    %dma_wait3A_100 = tpu.memref_slice %arg7[%dma_wait3A_89, %dma_wait3A_99] : memref<4x1024xf32, #tpu.memory_space<vmem>> -> memref<1x1024xf32, #tpu.memory_space<vmem>>
    %dma_wait3A_101 = tpu.memref_squeeze %dma_wait3A_100 : memref<1x1024xf32, #tpu.memory_space<vmem>> -> memref<1024xf32, #tpu.memory_space<vmem>>
    tpu.wait_dma2 semaphore(%arg15 : memref<!tpu.dma_semaphore, #tpu.memory_space<semaphore_mem>>) src(%dma_wait3A_101 : memref<1024xf32, #tpu.memory_space<vmem>>) dst(%dma_wait3A_98 : memref<1024xf32, #tpu.memory_space<hbm>>)
    return
  }
}

</mosaic_0001>

<sc_bundles>
// kernel: kernel.3.cloned.1.call-start
scs
__scs_entry_jumppad:
0x0: {  	(pc) =	sbr.rel $0x88, $3  }
0x1: {  	(tag) =	ssettag $0x0;
	lr =	simm.s32 $0x1  }
0x2: {  	[smem:$0x3F9F] =	sst lr;
	_ =	strace $0xD0000000  }
0x3: {  	_ = 	snop  }
0x4: {  	_ = 	snop  }
0x5: {  	_ = 	snop  }
0x6: {  	_ = 	snop  }
0x7: {  	_ = 	snop  }
__scs_overlays_trampoline_lowered:
0x8: {  	[smem:$0x3FAE] =	sst s0  }
0x9: {  	[smem:$0x3FAF] =	sst s1  }
0xa: {  	[smem:$0x3FB0] =	sst s2  }
0xb: {  	[smem:$0x3FB1] =	sst s3  }
0xc: {  	[smem:$0x3FB2] =	sst s4  }
0xd: {  	[smem:$0x3FB3] =	sst s5  }
0xe: {  	[smem:$0x3FB4] =	sst s6  }
0xf: {  	[smem:$0x3FB5] =	sst s7  }
0x10: {  	[smem:$0x3FB6] =	sst s8  }
0x11: {  	[smem:$0x3FB7] =	sst s9;
	s0 =	simm.s32 @!p0 $0x0  }
0x12: {  	s1 =	sld [smem:$0x3F9D];
	s0 =	simm.s32 @p0 $0x1  }
0x13: {  	[smem:$0x3FB8] =	sst s0;
	s0 =	simm.s32 @!p1 $0x0  }
0x14: {  	s2 =	sld [smem:$0x3F9C];
	s0 =	simm.s32 @p1 $0x1  }
0x15: {  	[smem:$0x3FB9] =	sst s0;
	s0 =	simm.s32 @!p2 $0x0  }
0x16: {  	s3 =	sld [smem:$0x3FDB];
	s0 =	simm.s32 @p2 $0x1  }
0x17: {  	s4 =	simm.s32 $0x1BF5;
	[smem:$0x3FBB] =	sst s0  }
0x18: {  	s0 =	sld [smem:$0x3F9E];
	_ =	swait.ge [sflag:s4], $0x0  }
0x19: {  	s7 =	sld [smem:$0x3F9F]  }
0x1a: {  	s8 =	sadd.s32 $0xFFFFE003, lr  }
0x1b: {  	s9 =	sadd.s32 $0xFFFFFEF7, lr;
	s5 =	simm.s32 $0xFFFFFFFF;
	p2 =	slt.u32 s8, $0xFFFFF086  }
0x1c: {  	p1 =	slt.u32 s9, $0xF7A;
	s5 =	simm.s32 @!p2 $0x0  }
0x1d: {  	s5 =	simm.s32 @p1 $0x1;
	p0 =	seq.s32 s7, s2  }
0x1e: {  	s7 =	smul.u32 @!p0 $0xF7A, s2;
	p2 =	seq.s32 @!p0 s5, $0x0  }
0x1f: {  	s9 =	smul.u32 $0xF7A, s1;
	s8 =	simm.s32 @!p0 $0x1BF5;
	p2 =	por !p2, p0  }
0x20: {  	[sflag:s8] =	ssyncset.s32 @!p0 $0xFFFFF086;
	s6 =	sadd.s32 @!p0 s3, s7;
	s7 =	simm.s32 @!p0 $0x108  }
0x21: {  	s3 =	sadd.s32 s3, s9;
	s6 =	sadd.s32 @!p0 $0x88, s6;
	s7 =	simm.s32 @p2 $0x1082  }
0x22: {  	[simem:s7], [sflag:s8] =	dma.local @!p0 [hbm:s6], $0xF7A  }
0x23: {  	s9 =	sor.u32 $0xD0000000, s2;
	s6 =	simm.s32 $0x108;
	_ =	swait.ge @!p0 [sflag:s8], $0x0  }
0x24: {  	s3 =	sadd.s32 $0x88, s3;
	s6 =	simm.s32 @!p1 $0x1082;
	[sflag:s4] =	ssyncset.s32 $0xFFFFF086  }
0x25: {  	[simem:s6], [sflag:s4] =	dma.local [hbm:s3], $0xF7A  }
0x26: {  	[smem:$0x3F9F] =	sst s1;
	(tag) =	ssettag s2;
	_ =	strace s9  }
0x27: {  	s1 =	sld [smem:$0x3FAF]  }
0x28: {  	s2 =	sld [smem:$0x3FB0]  }
0x29: {  	s4 =	sld [smem:$0x3FB2]  }
0x2a: {  	p0 =	seq.s32 s5, $0x0;
	s5 =	sld [smem:$0x3FB3]  }
0x2b: {  	s6 =	sld [smem:$0x3FB4]  }
0x2c: {  	s7 =	sld [smem:$0x3FB5]  }
0x2d: {  	s3 =	simm.s32 $0x108;
	s8 =	sld [smem:$0x3FB6]  }
0x2e: {  	s3 =	simm.s32 @!p0 $0x1082;
	s9 =	sld [smem:$0x3FB7]  }
0x2f: {  	lr =	sadd.s32 s0, s3;
	s0 =	sld [smem:$0x3FAE]  }
0x30: {  	s3 =	sld [smem:$0x3FB1]  }
0x31: {  	[smem:$0x3FBA] =	sst s10  }
0x32: {  	s10 =	sld [smem:$0x3FB8];
	_ =	sdelay $0x3  }
0x33: {  	p0 =	seq.s32 s10, $0x1;
	s10 =	sld [smem:$0x3FBA];
	_ =	sdelay $0x3  }
0x34: {  	[smem:$0x3FBA] =	sst s10  }
0x35: {  	s10 =	sld [smem:$0x3FB9];
	_ =	sdelay $0x3  }
0x36: {  	p1 =	seq.s32 s10, $0x1;
	s10 =	sld [smem:$0x3FBA];
	_ =	sdelay $0x3  }
0x37: {  	[smem:$0x3FBA] =	sst s10  }
0x38: {  	s10 =	sld [smem:$0x3FBB]  }
0x39: {  	_ = 	snop;
	(pc) =	sbr.ind lr, $3  }
0x3a: {  	_ = 	snop  }
0x3b: {  	_ = 	snop  }
0x3c: {  	p2 =	seq.s32 s10, $0x1;
	s10 =	sld [smem:$0x3FBA]  }
0x3d: {  	_ =	shalt  }
0x3e: {  	_ =	shalt  }
0x3f: {  	_ =	shalt  }
0x40: {  	_ =	shalt  }
0x41: {  	_ =	shalt  }
0x42: {  	_ =	shalt  }
0x43: {  	_ =	shalt  }
0x44: {  	_ =	shalt  }
0x45: {  	_ =	shalt  }
0x46: {  	_ =	shalt  }
0x47: {  	_ =	shalt  }
0x48: {  	_ =	shalt  }
0x49: {  	_ =	shalt  }
0x4a: {  	_ =	shalt  }
0x4b: {  	_ =	shalt  }
0x4c: {  	_ =	shalt  }
0x4d: {  	_ =	shalt  }
0x4e: {  	_ =	shalt  }
0x4f: {  	_ =	shalt  }
0x50: {  	_ =	shalt  }
0x51: {  	_ =	shalt  }
0x52: {  	_ =	shalt  }
0x53: {  	_ =	shalt  }
0x54: {  	_ =	shalt  }
0x55: {  	_ =	shalt  }
0x56: {  	_ =	shalt  }
0x57: {  	_ =	shalt  }
0x58: {  	_ =	shalt  }
0x59: {  	_ =	shalt  }
0x5a: {  	_ =	shalt  }
0x5b: {  	_ =	shalt  }
0x5c: {  	_ =	shalt  }
0x5d: {  	_ =	shalt  }
0x5e: {  	_ =	shalt  }
0x5f: {  	_ =	shalt  }
0x60: {  	_ =	shalt  }
0x61: {  	_ =	shalt  }
0x62: {  	_ =	shalt  }
0x63: {  	_ =	shalt  }
0x64: {  	_ =	shalt  }
0x65: {  	_ =	shalt  }
0x66: {  	_ =	shalt  }
0x67: {  	_ =	shalt  }
0x68: {  	_ =	shalt  }
0x69: {  	_ =	shalt  }
0x6a: {  	_ =	shalt  }
0x6b: {  	_ =	shalt  }
0x6c: {  	_ =	shalt  }
0x6d: {  	_ =	shalt  }
0x6e: {  	_ =	shalt  }
0x6f: {  	_ =	shalt  }
0x70: {  	_ =	shalt  }
0x71: {  	_ =	shalt  }
0x72: {  	_ =	shalt  }
0x73: {  	_ =	shalt  }
0x74: {  	_ =	shalt  }
0x75: {  	_ =	shalt  }
0x76: {  	_ =	shalt  }
0x77: {  	_ =	shalt  }
0x78: {  	_ =	shalt  }
0x79: {  	_ =	shalt  }
0x7a: {  	_ =	shalt  }
0x7b: {  	_ =	shalt  }
0x7c: {  	_ =	shalt  }
0x7d: {  	_ =	shalt  }
0x7e: {  	_ =	shalt  }
0x7f: {  	_ =	shalt  }
0x80: {  	_ =	shalt  }
0x81: {  	_ =	shalt  }
0x82: {  	_ =	shalt  }
0x83: {  	_ =	shalt  }
0x84: {  	_ =	shalt  }
0x85: {  	_ =	shalt  }
0x86: {  	_ =	shalt  }
0x87: {  	_ =	shalt  }
.Lfunc_end0:
.L_simem_size_0:
called_computation.2_lowered:
.L_overlay_start_0:
0x88: {  	s2 =	sld [smem:$0x3FD9]  }
0x89: {  	s3 =	sld [smem:$0x3FFE];
	_ =	sdelay $0x1  }
0x8a: {  	s1 =	srdreg.scid  }
0x8b: {  	s0 =	sand.u32 $0x1, s1  }
0x8c: {  	s17 =	sshll.u32 s0, $0xA;
	s2 =	sadd.s32 s3, s2  }
0x8d: {  	s2 =	sadd.s32 s2, s17  }
0x8e: {  	[smem:$0x3FC6] =	sst s2  }
0x8f: {  	_ = 	snop  }
0x90: {  	s2 =	sld [smem:$0x3FD0];
	(tm) =	ssettm $0x1  }
0x91: {  	s18 =	sld [smem:$0x3FFB];
	_ =	sdelay $0x3  }
0x92: {  	_ =	strace s18  }
0x93: {  	s3 =	sld [smem:$0x3FFC];
	_ =	sdelay $0x3  }
0x94: {  	_ =	strace s3  }
0x95: {  	s3 =	sld [smem:$0x3FFD];
	_ =	sdelay $0x3  }
0x96: {  	_ =	strace s3  }
0x97: {  	_ =	strace $0x8FFFFFFF  }
0x98: {  	s19 =	sld [smem:$0x3FDB];
	_ =	sdelay $0x1  }
0x99: {  	s4 =	simm.s32 $_scs_section_size  }
0x9a: {  	s5 =	simm.s32 $_size__tile_overlayer_lowered;
	s6 =	simm.s32 $_tile_overlayer_lowered  }
0x9b: {  	s22 =	simm.s32 $0x1BFF;
	s21 =	sshll.u32 s6, $0x1;
	s3 =	sadd.s32 s4, s19  }
0x9c: {  	s7 =	simm.s32 $0x0;
	s20 =	sshll.u32 s5, $0x1;
	s5 =	sadd.s32 s21, s3  }
0x9d: {  	[timem:s7], [sflag:s22] =	dma.local [hbm:s5], s20  }
0x9e: {  	_ =	swait.ge [sflag:s22], s20  }
0x9f: {  	s4 =	ssub.s32 $0x0, s20;
	[sflag:s22] =	ssyncset.done $0x0  }
0xa0: {  	[sflag:s22] =	ssyncadd.s32 s4;
	_ =	sdelay $0x1  }
0xa1: {  	s23 =	simm.s32 $0x1B8B  }
0xa2: {  	_ =	swait.ge [sflag:s23], $0x1  }
0xa3: {  	[sflag:s23] =	ssyncset.done $0x0  }
0xa4: {  	s25 =	simm.s32 $0x1B8E;
	s24 =	sld [smem:$0x3FFE];
	[sflag:s23] =	ssyncadd.s32 $0xFFFFFFFF  }
0xa5: {  	s26 =	simm.s32 $execute0_lowered;
	[smem:$0x3FD2] =	sst s25  }
0xa6: {  	s5 =	sshll.u32 s26, $0x1;
	_ =	strace $0x80000049;
	[dreg:$0x1] =	wrdreg $0xFFFFFFFF  }
0xa7: {  	s28 =	simm.s32 $_size_execute0_lowered;
	s3 =	sadd.s32 s3, s5;
	[dreg:$0x0] =	wrdreg $0x0  }
0xa8: {  	s5 =	sshll.u32 s28, $0x1;
	[dreg:$0x2] =	wrdreg s3  }
0xa9: {  	[dreg:$0x3] =	wrdreg s5  }
0xaa: {  	[dreg:$0x4] =	wrdreg $0xC0  }
0xab: {  	_ =	task [dreg:s7], $0x5FFFF  }
0xac: {  	[dreg:$0x1] =	wrdreg $0xFFFFFFFF  }
0xad: {  	[dreg:$0x0] =	wrdreg $0x60  }
0xae: {  	[dreg:$0x2] =	wrdreg s24  }
0xaf: {  	[dreg:$0x3] =	wrdreg s2  }
0xb0: {  	[dreg:$0x4] =	wrdreg $0x9  }
0xb1: {  	_ =	task.clear_ibuf [dreg:s7], $0x5FFFF;
	_ =	strace $0x90000049  }
0xb2: {  	s29 =	simm.s32 $0x9;
	_ =	strace $0x8000004B  }
0xb3: {  	_ =	swait.ge [sflag:s29], $0x1  }
0xb4: {  	[sflag:s29] =	ssyncadd.s32 $0xFFFFFFFF  }
0xb5: {  	_ =	strace $0x9000004B  }
0xb6: {  	_ =	sfence  }
0xb7: {  	s30 =	sld [smem:$0x0];
	_ =	sdelay $0x2  }
0xb8: {  	s31 =	sshll.u32 s1, $0xD;
	s1 =	sshrl.u32 s1, $0x2  }
0xb9: {  	s3 =	sand.u32 $0x4000, s31;
	s1 =	sadd.s32 s1, s30  }
0xba: {  	s0 =	sor.u32 s3, s0;
	s1 =	sshll.u32 s1, $0x11  }
0xbb: {  	s0 =	sor.u32 s1, s0  }
0xbc: {  	s0 =	sadd.s32 $0x8F2B, s0  }
0xbd: {  	[sflag:s0] =	ssyncadd.remote.s32 $0x1  }
0xbe: {  	_ =	sfence.sel $0xFFFF  }
0xbf: {  	[dreg:$0x0] =	wrdreg $0xFFFFFFFF;
	(pc) =	sbr.abs _section_cstart, $3  }
0xc0: {  	[dreg:$0x1] =	wrdreg $0xFFFFFFFF  }
0xc1: {  	_ =	task.clear_ibuf [dreg:s7], $0x2FFFF;
	_ =	strace $0x9FFFFFFF  }
0xc2: {  	(tm) =	ssettm $0x7FFFFFFF  }
0xc3: {  	_ =	shalt  }
tec
execute0_lowered:
.L_overlay_start_1:
0x0: {  	(tag) =	ssettag $0x1  }
0x1: {  	s0 =	rddreg [dreg:$0x0];
	s1 =	srdreg.scid  }
0x2: {  	s3 =	stileid.u32;
	s2 =	rddreg [dreg:$0x1];
	v0 =	vimm.s32 $0xEFCDAB89;
	v1 =	vimm.s32 $0x67452301;
	s11 =	simm.s32 $0x14  }
0x3: {  	v2 =	vimm.s32 $0xDCFE98BA;
	s12 =	simm.s32 $0x4E00;
	s14 =	simm.s32 $0x9E00;
	s16 =	simm.s32 $0xEE00  }
0x4: {  	v3 =	vimm.s32 $0x54761032;
	v4 =	vimm.s32 $0xBA98FEDC;
	s17 =	simm.s32 $0x1;
	s18 =	simm.s32 $0x13E00;
	s19 =	simm.s32 $0x18E00  }
0x5: {  	v5 =	vimm.s32 $0x32107654;
	v6 =	vimm.s32 $0xFEDCBA98;
	s20 =	simm.s32 $0x2;
	s21 =	simm.s32 $0x19200;
	s22 =	simm.s32 $0x3  }
0x6: {  	v7 =	vimm.s32 $0x76543210;
	s23 =	simm.s32 $0x19600;
	s24 =	simm.s32 $0x4;
	s28 =	simm.s32 $0x6;
	v0 =	vunpack.c.l.s4.s8 v0;
	v1 =	vunpack.c.l.s4.s8 v1  }
0x7: {  	s29 =	simm.s32 $0x7;
	s1 =	sand.u32 $0x1, s1;
	s4 =	sshll.u32 s3, $0x1;
	v2 =	vunpack.c.l.s4.s8 v2;
	v3 =	vunpack.c.l.s4.s8 v3;
	v4 =	vunpack.c.l.s4.s8 v4  }
0x8: {  	s30 =	simm.s32 $0x8;
	s31 =	simm.s32 $0x0;
	v5 =	vunpack.c.l.s4.s8 v5;
	v6 =	vunpack.c.l.s4.s8 v6;
	v7 =	vunpack.c.l.s4.s8 v7;
	s4 =	sor.u32 s1, s4  }
0x9: {  	s3 =	simm.s32 $0x0;
	s1 =	ssub.s32 $0x2, s1;
	s5 =	smul.u32 $0x9C0, s4;
	v0 =	vunpack.c.0.s8.s32 v0;
	v1 =	vunpack.c.0.s8.s32 v1;
	v2 =	vunpack.c.0.s8.s32 v2  }
0xa: {  	[smem:$0x7FF] =	sst s3;
	s7 =	sshrl.u32 s1, $0x1;
	s4 =	smul.u32 $0x340, s4;
	v3 =	vunpack.c.0.s8.s32 v3;
	v4 =	vunpack.c.0.s8.s32 v4;
	v5 =	vunpack.c.0.s8.s32 v5  }
0xb: {  	_ =	strace $0x8000004A;
	s25 =	ssub.s32 s1, s7;
	s6 =	sadd.s32 s5, s0;
	v0 =	vcombine.low v1, v0;
	v1 =	vunpack.c.0.s8.s32 v6  }
0xc: {  	s5 =	sadd.s32 $0xE00, s0;
	s7 =	sor.u32 $0x1, s4;
	s0 =	smax.u32 s25, $0x1;
	v2 =	vcombine.low v3, v2;
	v3 =	vcombine.low v5, v4;
	v4 =	vunpack.c.0.s8.s32 v7  }
0xd: {  	s8 =	sor.u32 $0x2, s4;
	s26 =	sadd.s32 $0xC35E00, s6;
	[dreg:$0x4] =	wrdreg s0;
	v0 =	vand.u32 $0xF, v0;
	v5 =	vand.u32 $0xF, v1  }
0xe: {  	s25 =	simm.s32 $0x19A00;
	[dreg:$0x3] =	wrdreg s26;
	s26 =	simm.s32 $0x5;
	v1 =	vand.u32 $0xF, v2;
	v2 =	vand.u32 $0xF, v3;
	v3 =	vcombine.low v5, v4  }
.LBB2_1:
0xf: {  	s0 =	rddreg [dreg:$0x3];
	s10 =	simm.s32 $0x9  }
0x10: {  	[tilespmem:s3], [sflag:$0x9] =	stream.linear.gather [hbm4b:s0+s3], $0x4E00, $0x38;
	[tilespmem:$0x19E00] =	vst v63  }
0x11: {  	_ =	swait.ge [sflag:s10], $0x4E00  }
0x12: {  	[sflag:s10] =	ssyncset.done $0x0  }
0x13: {  	[sflag:s10] =	ssyncadd.s32 $0xFFFFB200  }
0x14: {  	[tilespmem:s12], [sflag:$0x1] =	stream.indirect.gather [hbm4b:s5+s11], $0x400, s3, s11, $0xb8;
	[tilespmem:$0x19E00] =	vst v63  }
0x15: {  	s13 =	simm.s32 $0x18  }
0x16: {  	[tilespmem:s14], [sflag:$0x2] =	stream.indirect.gather [hbm4b:s5+s11], $0x400, s13, s11, $0xb8;
	[tilespmem:$0x19E00] =	vst v63  }
0x17: {  	s15 =	simm.s32 $0x30;
	s1 =	simm.s32 $0x0  }
0x18: {  	[tilespmem:s16], [sflag:$0x3] =	stream.indirect.gather [hbm4b:s5+s11], $0x400, s15, s11, $0xb8;
	[tilespmem:$0x19E00] =	vst v63  }
.LBB2_2:
0x19: {  	_ =	swait.ge [sflag:s17], $0x5000  }
0x1a: {  	s13 =	sshll.u32 s1, $0x2;
	p0 =	seq.s32 s1, $0x0;
	[sflag:s17] =	ssyncset.done $0x0  }
0x1b: {  	s6 =	simm.s32 @!p0 $0x5;
	s0 =	sor.u32 $0x3, s13;
	[sflag:s17] =	ssyncadd.s32 $0xFFFFB000  }
0x1c: {  	s9 =	smul.u32 $0x60, s0;
	_ =	swait.ge @!p0 [sflag:s6], $0x400  }
0x1d: {  	[sflag:s6] =	ssyncset.done @!p0 $0x0  }
0x1e: {  	s15 =	sshra.s32 s9, $0x2;
	[sflag:s6] =	ssyncadd.s32 @!p0 $0xFFFFFC00  }
0x1f: {  	[tilespmem:s18], [sflag:$0x4] =	stream.indirect.gather [hbm4b:s5+s11], $0x400, s15, s11, $0xb8;
	[tilespmem:$0x19E00] =	vst v63  }
0x20: {  	s15 =	simm.s32 $0x0  }
0x21: {  	v6 =	vld [tilespmem:s15+$0x9A10]  }
0x22: {  	v8 =	vld [tilespmem:s15+$0x9610]  }
0x23: {  	v4 =	vld [tilespmem:s15+$0x9210]  }
0x24: {  	v17 =	vld [tilespmem:s15+$0x4E10]  }
0x25: {  	v5 =	vld [tilespmem:s15+$0x6610]  }
0x26: {  	v9 =	vld [tilespmem:s15+$0x8A10]  }
0x27: {  	v14 =	vld [tilespmem:s15+$0x6210]  }
0x28: {  	v12 =	vld [tilespmem:s15+$0x8610]  }
0x29: {  	v28 =	vld [tilespmem:s15+$0x8210]  }
0x2a: {  	v15 =	vld [tilespmem:s15+$0x5E10]  }
0x2b: {  	v18 =	vld [tilespmem:s15+$0x5210]  }
0x2c: {  	v29 =	vld [tilespmem:s15+$0x7E10]  }
0x2d: {  	v16 =	vld [tilespmem:s15+$0x5610]  }
0x2e: {  	v19 =	vld [tilespmem:s15+$0x5A10]  }
0x2f: {  	v7 =	vld [tilespmem:s15+$0x7610]  }
0x30: {  	v21 =	vld [tilespmem:s15+$0x7210]  }
0x31: {  	v22 =	vld [tilespmem:s15+$0x6E10]  }
0x32: {  	v11 =	vld [tilespmem:s15+$0x9200]  }
0x33: {  	v24 =	vld [tilespmem:s15+$0x9A00]  }
0x34: {  	v25 =	vld [tilespmem:s15+$0x9600]  }
0x35: {  	v13 =	vld [tilespmem:s15+$0x6600]  }
0x36: {  	v26 =	vld [tilespmem:s15+$0x6200]  }
0x37: {  	v27 =	vld [tilespmem:s15+$0x5E00]  }
0x38: {  	v30 =	vld [tilespmem:s15+$0x5A00]  }
0x39: {  	v31 =	vld [tilespmem:s15+$0x5600]  }
0x3a: {  	v32 =	vld [tilespmem:s15+$0x5200]  }
0x3b: {  	v33 =	vld [tilespmem:s15+$0x4E00]  }
0x3c: {  	v34 =	vld [tilespmem:s15+$0x8A00]  }
0x3d: {  	v35 =	vld [tilespmem:s15+$0x8600]  }
0x3e: {  	v36 =	vld [tilespmem:s15+$0x8200]  }
0x3f: {  	v37 =	vld [tilespmem:s15+$0x7E00]  }
0x40: {  	v20 =	vld [tilespmem:s15+$0x7A00];
	v10 =	vadd.f32 v6, v8;
	v12 =	vadd.f32 v9, v12  }
0x41: {  	v23 =	vld [tilespmem:s15+$0x7600];
	v9 =	vadd.f32 v14, v15;
	v8 =	vadd.f32 v19, v16  }
0x42: {  	v14 =	vadd.f32 v21, v22;
	v15 =	vadd.f32 v24, v25;
	v22 =	vld [tilespmem:s15+$0x7200]  }
0x43: {  	v21 =	vadd.f32 v30, v31;
	v30 =	vadd.f32 v32, v33;
	v19 =	vld [tilespmem:s15+$0x7A10]  }
0x44: {  	v31 =	vadd.f32 v34, v35;
	v63 =	vadd.f32 v36, v37;
	v24 =	vld [tilespmem:s15+$0x6E00]  }
0x45: {  	v16 =	vadd.f32 v26, v27;
	v18 =	vadd.f32 v18, v17;
	v25 =	vld [tilespmem:s15+$0x8E10]  }
0x46: {  	v6 =	vimm.f32 $0.0e+00;
	v26 =	vld [tilespmem:s15+$0x8E00];
	v28 =	vadd.f32 v28, v29;
	v17 =	vadd.f32 v21, v30  }
0x47: {  	s9 =	simm.s32 $0x80;
	s6 =	simm.s32 $0x0;
	v27 =	vld [tilespmem:s15+$0x6A00];
	v21 =	vadd.f32 v31, v63;
	v18 =	vadd.f32 v8, v18;
	v8 =	vimm.f32 $0.0e+00  }
.LBB2_3:
0x48: {  	s10 =	sshra.s32 s9, $0x2;
	s6 =	sadd.s32 $0x2, s6;
	v20 =	vadd.f32 v20, v23;
	v23 =	vld [tilespmem:s15+$0x6A10]  }
0x49: {  	v29 =	vld [tilespmem:s10+$0x9A10];
	p1 =	slt.u32 s6, $0x3E;
	v22 =	vadd.f32 v22, v24;
	v12 =	vadd.f32 v12, v28  }
0x4a: {  	v24 =	vld [tilespmem:s10+$0x9610];
	v25 =	vadd.f32 v4, v25  }
0x4b: {  	v4 =	vld [tilespmem:s10+$0x9210];
	v11 =	vadd.f32 v11, v26;
	v20 =	vadd.f32 v20, v22  }
0x4c: {  	v26 =	vld [tilespmem:s10+$0x4E10];
	v13 =	vadd.f32 v27, v13;
	v22 =	vadd.f32 v10, v25  }
0x4d: {  	v7 =	vadd.f32 v19, v7;
	v25 =	vld [tilespmem:s10+$0x6610];
	v10 =	vadd.f32 v15, v11  }
0x4e: {  	v15 =	vadd.f32 v21, v20;
	v5 =	vadd.f32 v23, v5;
	v11 =	vld [tilespmem:s10+$0x8A10]  }
0x4f: {  	v7 =	vadd.f32 v7, v14;
	v13 =	vadd.f32 v13, v16;
	v19 =	vld [tilespmem:s10+$0x6210]  }
0x50: {  	v15 =	vadd.f32 v10, v15;
	v9 =	vadd.f32 v5, v9;
	v14 =	vld [tilespmem:s10+$0x8610]  }
0x51: {  	v7 =	vadd.f32 v12, v7;
	v13 =	vadd.f32 v13, v17;
	v28 =	vld [tilespmem:s10+$0x8210]  }
0x52: {  	v10 =	vadd.f32 v29, v24;
	v16 =	vld [tilespmem:s10+$0x5E10];
	v5 =	vmov v25  }
0x53: {  	v9 =	vadd.f32 v9, v18;
	v13 =	vadd.f32 v15, v13;
	v21 =	vld [tilespmem:s10+$0x5210]  }
0x54: {  	v7 =	vadd.f32 v22, v7;
	v29 =	vld [tilespmem:s10+$0x7E10]  }
0x55: {  	v15 =	vld [tilespmem:s10+$0x5610];
	v12 =	vadd.f32 v11, v14;
	[tilespmem:s15+$0x18E00] =	vst v13;
	v11 =	vmul.f32 v13, v13  }
0x56: {  	v6 =	vadd.f32 v13, v6;
	v13 =	vadd.f32 v7, v9;
	v14 =	vld [tilespmem:s10+$0x5A10]  }
0x57: {  	v7 =	vld [tilespmem:s10+$0x7610];
	v9 =	vadd.f32 v19, v16  }
0x58: {  	v8 =	vadd.f32 v11, v8;
	v6 =	vadd.f32 v13, v6;
	v16 =	vld [tilespmem:s10+$0x7210];
	[tilespmem:s15+$0x18E10] =	vst v13;
	v13 =	vmul.f32 v13, v13;
	s15 =	smov.u32 s10  }
0x59: {  	v17 =	vld [tilespmem:s15+$0x6E10]  }
0x5a: {  	v11 =	vld [tilespmem:s15+$0x9200];
	v8 =	vadd.f32 v13, v8  }
0x5b: {  	v18 =	vld [tilespmem:s15+$0x9A00];
	v27 =	vadd.f32 v14, v15  }
0x5c: {  	v15 =	vld [tilespmem:s15+$0x9600]  }
0x5d: {  	v13 =	vld [tilespmem:s15+$0x6600]  }
0x5e: {  	v19 =	vld [tilespmem:s15+$0x6200];
	v14 =	vadd.f32 v16, v17  }
0x5f: {  	v16 =	vld [tilespmem:s15+$0x5E00]  }
0x60: {  	v17 =	vld [tilespmem:s15+$0x5A00]  }
0x61: {  	v20 =	vld [tilespmem:s15+$0x5600];
	v15 =	vadd.f32 v18, v15  }
0x62: {  	v18 =	vld [tilespmem:s15+$0x5200]  }
0x63: {  	v22 =	vld [tilespmem:s15+$0x4E00]  }
0x64: {  	v24 =	vld [tilespmem:s15+$0x8A00];
	v16 =	vadd.f32 v19, v16  }
0x65: {  	v19 =	vld [tilespmem:s15+$0x8600]  }
0x66: {  	v25 =	vld [tilespmem:s15+$0x8200];
	v17 =	vadd.f32 v17, v20  }
0x67: {  	v30 =	vld [tilespmem:s15+$0x7E00]  }
0x68: {  	v20 =	vld [tilespmem:s15+$0x7A00];
	v18 =	vadd.f32 v18, v22  }
0x69: {  	v23 =	vld [tilespmem:s15+$0x7600]  }
0x6a: {  	v22 =	vld [tilespmem:s15+$0x7200];
	v31 =	vadd.f32 v24, v19;
	v17 =	vadd.f32 v17, v18  }
.Ltmp0:
0x6b: {  	v19 =	vld [tilespmem:s15+$0x7A10];
	(pc) =	sbr.rel @p1 .LBB2_3-.Ltmp0, $4  }
0x6c: {  	v24 =	vld [tilespmem:s15+$0x6E00];
	v18 =	vadd.f32 v25, v30;
	v30 =	vadd.f32 v21, v26  }
0x6d: {  	v25 =	vld [tilespmem:s15+$0x8E10]  }
0x6e: {  	v26 =	vld [tilespmem:s15+$0x8E00];
	v21 =	vadd.f32 v31, v18;
	v18 =	vadd.f32 v27, v30  }
0x6f: {  	s9 =	sadd.s32 $0x80, s9;
	v28 =	vadd.f32 v28, v29;
	v27 =	vld [tilespmem:s15+$0x6A00]  }
0x70: {  	v20 =	vadd.f32 v20, v23;
	v7 =	vadd.f32 v19, v7  }
0x71: {  	v57 =	vld [tilespmem:s15+$0x6A10];
	v22 =	vadd.f32 v22, v24;
	v12 =	vadd.f32 v12, v28  }
0x72: {  	v4 =	vadd.f32 v4, v25;
	v7 =	vadd.f32 v7, v14  }
0x73: {  	v11 =	vadd.f32 v11, v26;
	v20 =	vadd.f32 v20, v22  }
0x74: {  	v13 =	vadd.f32 v27, v13;
	v4 =	vadd.f32 v10, v4  }
0x75: {  	v58 =	vadd.f32 v15, v11;
	v59 =	vadd.f32 v21, v20  }
0x76: {  	v5 =	vadd.f32 v57, v5;
	v13 =	vadd.f32 v13, v16  }
0x77: {  	v7 =	vadd.f32 v12, v7;
	v10 =	vadd.f32 v58, v59  }
0x78: {  	v5 =	vadd.f32 v5, v9;
	v60 =	vadd.f32 v13, v17  }
0x79: {  	v4 =	vadd.f32 v4, v7  }
0x7a: {  	v5 =	vadd.f32 v5, v18;
	v61 =	vadd.f32 v10, v60;
	_ =	sdelay $0x1  }
0x7b: {  	v5 =	vadd.f32 v4, v5;
	v7 =	vmul.f32 v61, v61;
	v6 =	vadd.f32 v61, v6;
	_ =	sdelay $0x1  }
0x7c: {  	v4 =	vadd.f32 v7, v8;
	v6 =	vadd.f32 v5, v6;
	v7 =	vmul.f32 v5, v5;
	_ =	sdelay $0x1  }
0x7d: {  	v4 =	vadd.f32 v7, v4;
	v7 =	vperm.xlane v6, v0;
	_ =	sdelay $0x1  }
0x7e: {  	v6 =	vadd.f32 v7, v6;
	v7 =	vperm.xlane v4, v0;
	_ =	sdelay $0x1  }
0x7f: {  	v62 =	vperm.xlane v6, v1;
	v4 =	vadd.f32 v7, v4;
	_ =	sdelay $0x1  }
0x80: {  	v6 =	vadd.f32 v62, v6;
	v7 =	vperm.xlane v4, v1;
	_ =	sdelay $0x1  }
0x81: {  	v8 =	vperm.xlane v6, v2;
	v4 =	vadd.f32 v7, v4;
	_ =	sdelay $0x1  }
0x82: {  	v6 =	vadd.f32 v8, v6;
	v7 =	vperm.xlane v4, v2;
	_ =	sdelay $0x1  }
0x83: {  	v8 =	vperm.xlane v6, v3;
	v7 =	vadd.f32 v7, v4;
	_ =	sdelay $0x1  }
0x84: {  	v4 =	vadd.f32 v8, v6;
	v6 =	vperm.xlane v7, v3;
	_ =	sdelay $0x1  }
0x85: {  	v4 =	vmul.f32 $9.765625000e-04, v4;
	v6 =	vadd.f32 v6, v7;
	_ =	sdelay $0x1  }
0x86: {  	v6 =	vmul.f32 $9.765625000e-04, v6;
	v7 =	vmul.f32 v4, v4;
	_ =	sdelay $0x1  }
0x87: {  	v6 =	vsub.f32 v6, v7;
	_ =	sdelay $0x1  }
0x88: {  	v6 =	vadd.f32 $9.999999740e-06, v6;
	_ =	sdelay $0x1  }
0x89: {  	v7 =	vshra.s32 v6, $0x1;
	v6 =	vmul.f32 $5.000000000e-01, v6  }
0x8a: {  	v7 =	vsub.s32 $0x5F3759DF, v7  }
0x8b: {  	v63 =	vmul.f32 v7, v6;
	_ =	sdelay $0x1  }
0x8c: {  	v8 =	vmul.f32 v7, v63;
	_ =	sdelay $0x1  }
0x8d: {  	v8 =	vsub.f32 $1.500000000e+00, v8;
	_ =	sdelay $0x1  }
0x8e: {  	v7 =	vmul.f32 v7, v8;
	_ =	sdelay $0x1  }
0x8f: {  	v8 =	vmul.f32 v7, v6;
	_ =	sdelay $0x1  }
0x90: {  	v8 =	vmul.f32 v8, v7;
	_ =	sdelay $0x1  }
0x91: {  	v8 =	vsub.f32 $1.500000000e+00, v8;
	_ =	sdelay $0x1  }
0x92: {  	v7 =	vmul.f32 v8, v7;
	_ =	sdelay $0x1  }
0x93: {  	v6 =	vmul.f32 v7, v6;
	_ =	sdelay $0x1  }
0x94: {  	v6 =	vmul.f32 v6, v7;
	_ =	sdelay $0x1  }
0x95: {  	v6 =	vsub.f32 $1.500000000e+00, v6  }
0x96: {  	[tilespmem:s15+$0x18E00] =	vst v61  }
0x97: {  	s6 =	simm.s32 $0x0;
	s9 =	simm.s32 $0x40;
	[tilespmem:s15+$0x18E10] =	vst v5;
	v5 =	vmul.f32 v6, v7  }
.LBB2_5:
0x98: {  	p1 =	sne.s32 s9, $0xFC0;
	v6 =	vld [tilespmem:s6+$0x18E00];
	_ =	sdelay $0x4  }
.Ltmp1:
0x99: {  	v6 =	vsub.f32 v6, v4;
	(pc) =	sbr.rel @p1 .LBB2_5-.Ltmp1, $3  }
0x9a: {  	_ = 	snop  }
0x9b: {  	v6 =	vmul.f32 v6, v5;
	_ =	sdelay $0x1  }
0x9c: {  	[tilespmem:s6+$0x18E00] =	vst v6;
	s6 =	sshra.s32 s9, $0x2;
	s9 =	sadd.s32 $0x40, s9  }
0x9d: {  	v6 =	vld [tilespmem:s6+$0x18E00];
	_ =	sdelay $0x4  }
0x9e: {  	v4 =	vsub.f32 v6, v4;
	_ =	sdelay $0x1  }
0x9f: {  	s9 =	sadd.s32 s4, s13;
	v4 =	vmul.f32 v4, v5  }
0xa0: {  	s9 =	sshll.u32 s9, $0x7  }
0xa1: {  	s15 =	sadd.s32 s2, s9;
	[tilespmem:s6+$0x18E00] =	vst v4  }
0xa2: {  	[hbm4b:s15+s3] =	stream.linear.scatter [tilespmem:s19], [sflag:$0x5], $0x400, $0x38;
	[tilespmem:$0x19E00] =	vst v63  }
0xa3: {  	_ =	swait.ge [sflag:s20], $0x5000  }
0xa4: {  	[sflag:s20] =	ssyncset.done $0x0  }
0xa5: {  	s6 =	simm.s32 @!p0 $0x6;
	[sflag:s20] =	ssyncadd.s32 $0xFFFFB000  }
0xa6: {  	p1 =	seq.s32 @!p0 s1, $0xCF;
	_ =	swait.ge @!p0 [sflag:s6], $0x400  }
0xa7: {  	p1 =	por p0, !p1;
	[sflag:s6] =	ssyncset.done @!p0 $0x0  }
0xa8: {  	[sflag:s6] =	ssyncadd.s32 @!p0 $0xFFFFFC00;
	s6 =	smul.u32 @p1 $0x180, s1;
	_ =	sdelay $0x1  }
0xa9: {  	s6 =	sshra.s32 @p1 s6, $0x2  }
0xaa: {  	s15 =	simm.s32 $0x0;
	s6 =	sadd.s32 @p1 $0x60, s6  }
0xab: {  	[tilespmem:s12], [sflag:$0x1] =	stream.indirect.gather @p1 [hbm4b:s5+s11], $0x400, s6, s11, $0xb8;
	[tilespmem:$0x19E00] =	vst v63  }
0xac: {  	v6 =	vld [tilespmem:s15+$0xEA10]  }
0xad: {  	v8 =	vld [tilespmem:s15+$0xE610]  }
0xae: {  	v4 =	vld [tilespmem:s15+$0xE210]  }
0xaf: {  	v17 =	vld [tilespmem:s15+$0x9E10]  }
0xb0: {  	v5 =	vld [tilespmem:s15+$0xB610]  }
0xb1: {  	v9 =	vld [tilespmem:s15+$0xDA10]  }
0xb2: {  	v14 =	vld [tilespmem:s15+$0xB210]  }
0xb3: {  	v12 =	vld [tilespmem:s15+$0xD610]  }
0xb4: {  	v28 =	vld [tilespmem:s15+$0xD210]  }
0xb5: {  	v15 =	vld [tilespmem:s15+$0xAE10]  }
0xb6: {  	v18 =	vld [tilespmem:s15+$0xA210]  }
0xb7: {  	v29 =	vld [tilespmem:s15+$0xCE10]  }
0xb8: {  	v16 =	vld [tilespmem:s15+$0xA610]  }
0xb9: {  	v19 =	vld [tilespmem:s15+$0xAA10]  }
0xba: {  	v7 =	vld [tilespmem:s15+$0xC610]  }
0xbb: {  	v21 =	vld [tilespmem:s15+$0xC210]  }
0xbc: {  	v22 =	vld [tilespmem:s15+$0xBE10]  }
0xbd: {  	v11 =	vld [tilespmem:s15+$0xE200]  }
0xbe: {  	v24 =	vld [tilespmem:s15+$0xEA00]  }
0xbf: {  	v25 =	vld [tilespmem:s15+$0xE600]  }
0xc0: {  	v13 =	vld [tilespmem:s15+$0xB600]  }
0xc1: {  	v26 =	vld [tilespmem:s15+$0xB200]  }
0xc2: {  	v27 =	vld [tilespmem:s15+$0xAE00]  }
0xc3: {  	v30 =	vld [tilespmem:s15+$0xAA00]  }
0xc4: {  	v31 =	vld [tilespmem:s15+$0xA600]  }
0xc5: {  	v32 =	vld [tilespmem:s15+$0xA200]  }
0xc6: {  	v33 =	vld [tilespmem:s15+$0x9E00]  }
0xc7: {  	v34 =	vld [tilespmem:s15+$0xDA00]  }
0xc8: {  	v35 =	vld [tilespmem:s15+$0xD600]  }
0xc9: {  	v36 =	vld [tilespmem:s15+$0xD200]  }
0xca: {  	v37 =	vld [tilespmem:s15+$0xCE00]  }
0xcb: {  	v20 =	vld [tilespmem:s15+$0xCA00];
	v10 =	vadd.f32 v6, v8;
	v12 =	vadd.f32 v9, v12  }
0xcc: {  	v23 =	vld [tilespmem:s15+$0xC600];
	v9 =	vadd.f32 v14, v15;
	v8 =	vadd.f32 v19, v16  }
0xcd: {  	v14 =	vadd.f32 v21, v22;
	v15 =	vadd.f32 v24, v25;
	v22 =	vld [tilespmem:s15+$0xC200]  }
0xce: {  	v21 =	vadd.f32 v30, v31;
	v30 =	vadd.f32 v32, v33;
	v19 =	vld [tilespmem:s15+$0xCA10]  }
0xcf: {  	v31 =	vadd.f32 v34, v35;
	v63 =	vadd.f32 v36, v37;
	v24 =	vld [tilespmem:s15+$0xBE00]  }
0xd0: {  	v16 =	vadd.f32 v26, v27;
	v18 =	vadd.f32 v18, v17;
	v25 =	vld [tilespmem:s15+$0xDE10]  }
0xd1: {  	v6 =	vimm.f32 $0.0e+00;
	v26 =	vld [tilespmem:s15+$0xDE00];
	v28 =	vadd.f32 v28, v29;
	v17 =	vadd.f32 v21, v30  }
0xd2: {  	s9 =	simm.s32 $0x80;
	s6 =	simm.s32 $0x0;
	v27 =	vld [tilespmem:s15+$0xBA00];
	v21 =	vadd.f32 v31, v63;
	v18 =	vadd.f32 v8, v18;
	v8 =	vimm.f32 $0.0e+00  }
.LBB2_7:
0xd3: {  	s10 =	sshra.s32 s9, $0x2;
	s6 =	sadd.s32 $0x2, s6;
	v20 =	vadd.f32 v20, v23;
	v23 =	vld [tilespmem:s15+$0xBA10]  }
0xd4: {  	v29 =	vld [tilespmem:s10+$0xEA10];
	p2 =	slt.u32 s6, $0x3E;
	v22 =	vadd.f32 v22, v24;
	v12 =	vadd.f32 v12, v28  }
0xd5: {  	v24 =	vld [tilespmem:s10+$0xE610];
	v25 =	vadd.f32 v4, v25  }
0xd6: {  	v4 =	vld [tilespmem:s10+$0xE210];
	v11 =	vadd.f32 v11, v26;
	v20 =	vadd.f32 v20, v22  }
0xd7: {  	v26 =	vld [tilespmem:s10+$0x9E10];
	v13 =	vadd.f32 v27, v13;
	v22 =	vadd.f32 v10, v25  }
0xd8: {  	v7 =	vadd.f32 v19, v7;
	v25 =	vld [tilespmem:s10+$0xB610];
	v10 =	vadd.f32 v15, v11  }
0xd9: {  	v15 =	vadd.f32 v21, v20;
	v5 =	vadd.f32 v23, v5;
	v11 =	vld [tilespmem:s10+$0xDA10]  }
0xda: {  	v7 =	vadd.f32 v7, v14;
	v13 =	vadd.f32 v13, v16;
	v19 =	vld [tilespmem:s10+$0xB210]  }
0xdb: {  	v15 =	vadd.f32 v10, v15;
	v9 =	vadd.f32 v5, v9;
	v14 =	vld [tilespmem:s10+$0xD610]  }
0xdc: {  	v7 =	vadd.f32 v12, v7;
	v13 =	vadd.f32 v13, v17;
	v28 =	vld [tilespmem:s10+$0xD210]  }
0xdd: {  	v10 =	vadd.f32 v29, v24;
	v16 =	vld [tilespmem:s10+$0xAE10];
	v5 =	vmov v25  }
0xde: {  	v9 =	vadd.f32 v9, v18;
	v13 =	vadd.f32 v15, v13;
	v21 =	vld [tilespmem:s10+$0xA210]  }
0xdf: {  	v7 =	vadd.f32 v22, v7;
	v29 =	vld [tilespmem:s10+$0xCE10]  }
0xe0: {  	v15 =	vld [tilespmem:s10+$0xA610];
	v12 =	vadd.f32 v11, v14;
	[tilespmem:s15+$0x19200] =	vst v13;
	v11 =	vmul.f32 v13, v13  }
0xe1: {  	v6 =	vadd.f32 v13, v6;
	v13 =	vadd.f32 v7, v9;
	v14 =	vld [tilespmem:s10+$0xAA10]  }
0xe2: {  	v7 =	vld [tilespmem:s10+$0xC610];
	v9 =	vadd.f32 v19, v16  }
0xe3: {  	v8 =	vadd.f32 v11, v8;
	v6 =	vadd.f32 v13, v6;
	v16 =	vld [tilespmem:s10+$0xC210];
	[tilespmem:s15+$0x19210] =	vst v13;
	v13 =	vmul.f32 v13, v13;
	s15 =	smov.u32 s10  }
0xe4: {  	v17 =	vld [tilespmem:s15+$0xBE10]  }
0xe5: {  	v11 =	vld [tilespmem:s15+$0xE200];
	v8 =	vadd.f32 v13, v8  }
0xe6: {  	v18 =	vld [tilespmem:s15+$0xEA00];
	v27 =	vadd.f32 v14, v15  }
0xe7: {  	v15 =	vld [tilespmem:s15+$0xE600]  }
0xe8: {  	v13 =	vld [tilespmem:s15+$0xB600]  }
0xe9: {  	v19 =	vld [tilespmem:s15+$0xB200];
	v14 =	vadd.f32 v16, v17  }
0xea: {  	v16 =	vld [tilespmem:s15+$0xAE00]  }
0xeb: {  	v17 =	vld [tilespmem:s15+$0xAA00]  }
0xec: {  	v20 =	vld [tilespmem:s15+$0xA600];
	v15 =	vadd.f32 v18, v15  }
0xed: {  	v18 =	vld [tilespmem:s15+$0xA200]  }
0xee: {  	v22 =	vld [tilespmem:s15+$0x9E00]  }
0xef: {  	v24 =	vld [tilespmem:s15+$0xDA00];
	v16 =	vadd.f32 v19, v16  }
0xf0: {  	v19 =	vld [tilespmem:s15+$0xD600]  }
0xf1: {  	v25 =	vld [tilespmem:s15+$0xD200];
	v17 =	vadd.f32 v17, v20  }
0xf2: {  	v30 =	vld [tilespmem:s15+$0xCE00]  }
0xf3: {  	v20 =	vld [tilespmem:s15+$0xCA00];
	v18 =	vadd.f32 v18, v22  }
0xf4: {  	v23 =	vld [tilespmem:s15+$0xC600]  }
0xf5: {  	v22 =	vld [tilespmem:s15+$0xC200];
	v31 =	vadd.f32 v24, v19;
	v17 =	vadd.f32 v17, v18  }
.Ltmp2:
0xf6: {  	v19 =	vld [tilespmem:s15+$0xCA10];
	(pc) =	sbr.rel @p2 .LBB2_7-.Ltmp2, $4  }
0xf7: {  	v24 =	vld [tilespmem:s15+$0xBE00];
	v18 =	vadd.f32 v25, v30;
	v30 =	vadd.f32 v21, v26  }
0xf8: {  	v25 =	vld [tilespmem:s15+$0xDE10]  }
0xf9: {  	v26 =	vld [tilespmem:s15+$0xDE00];
	v21 =	vadd.f32 v31, v18;
	v18 =	vadd.f32 v27, v30  }
0xfa: {  	s9 =	sadd.s32 $0x80, s9;
	v28 =	vadd.f32 v28, v29;
	v27 =	vld [tilespmem:s15+$0xBA00]  }
0xfb: {  	v20 =	vadd.f32 v20, v23;
	v7 =	vadd.f32 v19, v7  }
0xfc: {  	v57 =	vld [tilespmem:s15+$0xBA10];
	v22 =	vadd.f32 v22, v24;
	v12 =	vadd.f32 v12, v28  }
0xfd: {  	v4 =	vadd.f32 v4, v25;
	v7 =	vadd.f32 v7, v14  }
0xfe: {  	v11 =	vadd.f32 v11, v26;
	v20 =	vadd.f32 v20, v22  }
0xff: {  	v13 =	vadd.f32 v27, v13;
	v4 =	vadd.f32 v10, v4  }
0x100: {  	v58 =	vadd.f32 v15, v11;
	v59 =	vadd.f32 v21, v20  }
0x101: {  	v5 =	vadd.f32 v57, v5;
	v13 =	vadd.f32 v13, v16  }
0x102: {  	v7 =	vadd.f32 v12, v7;
	v10 =	vadd.f32 v58, v59  }
0x103: {  	v5 =	vadd.f32 v5, v9;
	v60 =	vadd.f32 v13, v17  }
0x104: {  	v4 =	vadd.f32 v4, v7  }
0x105: {  	v5 =	vadd.f32 v5, v18;
	v61 =	vadd.f32 v10, v60;
	_ =	sdelay $0x1  }
0x106: {  	v5 =	vadd.f32 v4, v5;
	v7 =	vmul.f32 v61, v61;
	v6 =	vadd.f32 v61, v6;
	_ =	sdelay $0x1  }
0x107: {  	v4 =	vadd.f32 v7, v8;
	v6 =	vadd.f32 v5, v6;
	v7 =	vmul.f32 v5, v5;
	_ =	sdelay $0x1  }
0x108: {  	v4 =	vadd.f32 v7, v4;
	v7 =	vperm.xlane v6, v0;
	_ =	sdelay $0x1  }
0x109: {  	v6 =	vadd.f32 v7, v6;
	v7 =	vperm.xlane v4, v0;
	_ =	sdelay $0x1  }
0x10a: {  	v62 =	vperm.xlane v6, v1;
	v4 =	vadd.f32 v7, v4;
	_ =	sdelay $0x1  }
0x10b: {  	v6 =	vadd.f32 v62, v6;
	v7 =	vperm.xlane v4, v1;
	_ =	sdelay $0x1  }
0x10c: {  	v8 =	vperm.xlane v6, v2;
	v4 =	vadd.f32 v7, v4;
	_ =	sdelay $0x1  }
0x10d: {  	v6 =	vadd.f32 v8, v6;
	v7 =	vperm.xlane v4, v2;
	_ =	sdelay $0x1  }
0x10e: {  	v8 =	vperm.xlane v6, v3;
	v7 =	vadd.f32 v7, v4;
	_ =	sdelay $0x1  }
0x10f: {  	v4 =	vadd.f32 v8, v6;
	v6 =	vperm.xlane v7, v3;
	_ =	sdelay $0x1  }
0x110: {  	v4 =	vmul.f32 $9.765625000e-04, v4;
	v6 =	vadd.f32 v6, v7;
	_ =	sdelay $0x1  }
0x111: {  	v6 =	vmul.f32 $9.765625000e-04, v6;
	v7 =	vmul.f32 v4, v4;
	_ =	sdelay $0x1  }
0x112: {  	v6 =	vsub.f32 v6, v7;
	_ =	sdelay $0x1  }
0x113: {  	v6 =	vadd.f32 $9.999999740e-06, v6;
	_ =	sdelay $0x1  }
0x114: {  	v7 =	vshra.s32 v6, $0x1;
	v6 =	vmul.f32 $5.000000000e-01, v6  }
0x115: {  	v7 =	vsub.s32 $0x5F3759DF, v7  }
0x116: {  	v63 =	vmul.f32 v7, v6;
	_ =	sdelay $0x1  }
0x117: {  	v8 =	vmul.f32 v7, v63;
	_ =	sdelay $0x1  }
0x118: {  	v8 =	vsub.f32 $1.500000000e+00, v8;
	_ =	sdelay $0x1  }
0x119: {  	v7 =	vmul.f32 v7, v8;
	_ =	sdelay $0x1  }
0x11a: {  	v8 =	vmul.f32 v7, v6;
	_ =	sdelay $0x1  }
0x11b: {  	v8 =	vmul.f32 v8, v7;
	_ =	sdelay $0x1  }
0x11c: {  	v8 =	vsub.f32 $1.500000000e+00, v8;
	_ =	sdelay $0x1  }
0x11d: {  	v7 =	vmul.f32 v8, v7;
	_ =	sdelay $0x1  }
0x11e: {  	v6 =	vmul.f32 v7, v6;
	_ =	sdelay $0x1  }
0x11f: {  	v6 =	vmul.f32 v6, v7;
	_ =	sdelay $0x1  }
0x120: {  	v6 =	vsub.f32 $1.500000000e+00, v6  }
0x121: {  	[tilespmem:s15+$0x19200] =	vst v61  }
0x122: {  	s6 =	simm.s32 $0x0;
	s9 =	simm.s32 $0x40;
	[tilespmem:s15+$0x19210] =	vst v5;
	v5 =	vmul.f32 v6, v7  }
.LBB2_9:
0x123: {  	p2 =	sne.s32 s9, $0xFC0;
	v6 =	vld [tilespmem:s6+$0x19200];
	_ =	sdelay $0x4  }
.Ltmp3:
0x124: {  	v6 =	vsub.f32 v6, v4;
	(pc) =	sbr.rel @p2 .LBB2_9-.Ltmp3, $3  }
0x125: {  	_ = 	snop  }
0x126: {  	v6 =	vmul.f32 v6, v5;
	_ =	sdelay $0x1  }
0x127: {  	[tilespmem:s6+$0x19200] =	vst v6;
	s6 =	sshra.s32 s9, $0x2;
	s9 =	sadd.s32 $0x40, s9  }
0x128: {  	v6 =	vld [tilespmem:s6+$0x19200];
	_ =	sdelay $0x4  }
0x129: {  	v4 =	vsub.f32 v6, v4  }
0x12a: {  	s9 =	sadd.s32 s13, s7  }
0x12b: {  	s9 =	sshll.u32 s9, $0x7;
	v4 =	vmul.f32 v4, v5  }
0x12c: {  	s9 =	sand.u32 $0x1FFFFE80, s9  }
0x12d: {  	s15 =	sadd.s32 s2, s9;
	[tilespmem:s6+$0x19200] =	vst v4  }
0x12e: {  	[hbm4b:s15+s3] =	stream.linear.scatter [tilespmem:s21], [sflag:$0x6], $0x400, $0x38;
	[tilespmem:$0x19E00] =	vst v63  }
0x12f: {  	_ =	swait.ge [sflag:s22], $0x5000  }
0x130: {  	[sflag:s22] =	ssyncset.done $0x0  }
0x131: {  	s6 =	simm.s32 @!p0 $0x7;
	[sflag:s22] =	ssyncadd.s32 $0xFFFFB000  }
0x132: {  	_ =	swait.ge @!p0 [sflag:s6], $0x400  }
0x133: {  	[sflag:s6] =	ssyncset.done @!p0 $0x0  }
0x134: {  	[sflag:s6] =	ssyncadd.s32 @!p0 $0xFFFFFC00;
	s6 =	smul.u32 @p1 $0x180, s1;
	_ =	sdelay $0x1  }
0x135: {  	s6 =	sshra.s32 @p1 s6, $0x2  }
0x136: {  	s15 =	simm.s32 $0x0;
	s6 =	sadd.s32 @p1 $0x78, s6  }
0x137: {  	[tilespmem:s14], [sflag:$0x2] =	stream.indirect.gather @p1 [hbm4b:s5+s11], $0x400, s6, s11, $0xb8;
	[tilespmem:$0x19E00] =	vst v63  }
0x138: {  	v6 =	vld [tilespmem:s15+$0x13A10]  }
0x139: {  	v8 =	vld [tilespmem:s15+$0x13610]  }
0x13a: {  	v4 =	vld [tilespmem:s15+$0x13210]  }
0x13b: {  	v17 =	vld [tilespmem:s15+$0xEE10]  }
0x13c: {  	v5 =	vld [tilespmem:s15+$0x10610]  }
0x13d: {  	v9 =	vld [tilespmem:s15+$0x12A10]  }
0x13e: {  	v14 =	vld [tilespmem:s15+$0x10210]  }
0x13f: {  	v12 =	vld [tilespmem:s15+$0x12610]  }
0x140: {  	v28 =	vld [tilespmem:s15+$0x12210]  }
0x141: {  	v15 =	vld [tilespmem:s15+$0xFE10]  }
0x142: {  	v18 =	vld [tilespmem:s15+$0xF210]  }
0x143: {  	v29 =	vld [tilespmem:s15+$0x11E10]  }
0x144: {  	v16 =	vld [tilespmem:s15+$0xF610]  }
0x145: {  	v19 =	vld [tilespmem:s15+$0xFA10]  }
0x146: {  	v7 =	vld [tilespmem:s15+$0x11610]  }
0x147: {  	v21 =	vld [tilespmem:s15+$0x11210]  }
0x148: {  	v22 =	vld [tilespmem:s15+$0x10E10]  }
0x149: {  	v11 =	vld [tilespmem:s15+$0x13200]  }
0x14a: {  	v24 =	vld [tilespmem:s15+$0x13A00]  }
0x14b: {  	v25 =	vld [tilespmem:s15+$0x13600]  }
0x14c: {  	v13 =	vld [tilespmem:s15+$0x10600]  }
0x14d: {  	v26 =	vld [tilespmem:s15+$0x10200]  }
0x14e: {  	v27 =	vld [tilespmem:s15+$0xFE00]  }
0x14f: {  	v30 =	vld [tilespmem:s15+$0xFA00]  }
0x150: {  	v31 =	vld [tilespmem:s15+$0xF600]  }
0x151: {  	v32 =	vld [tilespmem:s15+$0xF200]  }
0x152: {  	v33 =	vld [tilespmem:s15+$0xEE00]  }
0x153: {  	v34 =	vld [tilespmem:s15+$0x12A00]  }
0x154: {  	v35 =	vld [tilespmem:s15+$0x12600]  }
0x155: {  	v36 =	vld [tilespmem:s15+$0x12200]  }
0x156: {  	v37 =	vld [tilespmem:s15+$0x11E00]  }
0x157: {  	v20 =	vld [tilespmem:s15+$0x11A00];
	v10 =	vadd.f32 v6, v8;
	v12 =	vadd.f32 v9, v12  }
0x158: {  	v23 =	vld [tilespmem:s15+$0x11600];
	v9 =	vadd.f32 v14, v15;
	v8 =	vadd.f32 v19, v16  }
0x159: {  	v14 =	vadd.f32 v21, v22;
	v15 =	vadd.f32 v24, v25;
	v22 =	vld [tilespmem:s15+$0x11200]  }
0x15a: {  	v21 =	vadd.f32 v30, v31;
	v30 =	vadd.f32 v32, v33;
	v19 =	vld [tilespmem:s15+$0x11A10]  }
0x15b: {  	v31 =	vadd.f32 v34, v35;
	v63 =	vadd.f32 v36, v37;
	v24 =	vld [tilespmem:s15+$0x10E00]  }
0x15c: {  	v16 =	vadd.f32 v26, v27;
	v18 =	vadd.f32 v18, v17;
	v25 =	vld [tilespmem:s15+$0x12E10]  }
0x15d: {  	v6 =	vimm.f32 $0.0e+00;
	v26 =	vld [tilespmem:s15+$0x12E00];
	v28 =	vadd.f32 v28, v29;
	v17 =	vadd.f32 v21, v30  }
0x15e: {  	s9 =	simm.s32 $0x80;
	s6 =	simm.s32 $0x0;
	v27 =	vld [tilespmem:s15+$0x10A00];
	v21 =	vadd.f32 v31, v63;
	v18 =	vadd.f32 v8, v18;
	v8 =	vimm.f32 $0.0e+00  }
.LBB2_11:
0x15f: {  	s10 =	sshra.s32 s9, $0x2;
	s6 =	sadd.s32 $0x2, s6;
	v20 =	vadd.f32 v20, v23;
	v23 =	vld [tilespmem:s15+$0x10A10]  }
0x160: {  	v29 =	vld [tilespmem:s10+$0x13A10];
	p2 =	slt.u32 s6, $0x3E;
	v22 =	vadd.f32 v22, v24;
	v12 =	vadd.f32 v12, v28  }
0x161: {  	v24 =	vld [tilespmem:s10+$0x13610];
	v25 =	vadd.f32 v4, v25  }
0x162: {  	v4 =	vld [tilespmem:s10+$0x13210];
	v11 =	vadd.f32 v11, v26;
	v20 =	vadd.f32 v20, v22  }
0x163: {  	v26 =	vld [tilespmem:s10+$0xEE10];
	v13 =	vadd.f32 v27, v13;
	v22 =	vadd.f32 v10, v25  }
0x164: {  	v7 =	vadd.f32 v19, v7;
	v25 =	vld [tilespmem:s10+$0x10610];
	v10 =	vadd.f32 v15, v11  }
0x165: {  	v15 =	vadd.f32 v21, v20;
	v5 =	vadd.f32 v23, v5;
	v11 =	vld [tilespmem:s10+$0x12A10]  }
0x166: {  	v7 =	vadd.f32 v7, v14;
	v13 =	vadd.f32 v13, v16;
	v19 =	vld [tilespmem:s10+$0x10210]  }
0x167: {  	v15 =	vadd.f32 v10, v15;
	v9 =	vadd.f32 v5, v9;
	v14 =	vld [tilespmem:s10+$0x12610]  }
0x168: {  	v7 =	vadd.f32 v12, v7;
	v13 =	vadd.f32 v13, v17;
	v28 =	vld [tilespmem:s10+$0x12210]  }
0x169: {  	v10 =	vadd.f32 v29, v24;
	v16 =	vld [tilespmem:s10+$0xFE10];
	v5 =	vmov v25  }
0x16a: {  	v9 =	vadd.f32 v9, v18;
	v13 =	vadd.f32 v15, v13;
	v21 =	vld [tilespmem:s10+$0xF210]  }
0x16b: {  	v7 =	vadd.f32 v22, v7;
	v29 =	vld [tilespmem:s10+$0x11E10]  }
0x16c: {  	v15 =	vld [tilespmem:s10+$0xF610];
	v12 =	vadd.f32 v11, v14;
	[tilespmem:s15+$0x19600] =	vst v13;
	v11 =	vmul.f32 v13, v13  }
0x16d: {  	v6 =	vadd.f32 v13, v6;
	v13 =	vadd.f32 v7, v9;
	v14 =	vld [tilespmem:s10+$0xFA10]  }
0x16e: {  	v7 =	vld [tilespmem:s10+$0x11610];
	v9 =	vadd.f32 v19, v16  }
0x16f: {  	v8 =	vadd.f32 v11, v8;
	v6 =	vadd.f32 v13, v6;
	v16 =	vld [tilespmem:s10+$0x11210];
	[tilespmem:s15+$0x19610] =	vst v13;
	v13 =	vmul.f32 v13, v13;
	s15 =	smov.u32 s10  }
0x170: {  	v17 =	vld [tilespmem:s15+$0x10E10]  }
0x171: {  	v11 =	vld [tilespmem:s15+$0x13200];
	v8 =	vadd.f32 v13, v8  }
0x172: {  	v18 =	vld [tilespmem:s15+$0x13A00];
	v27 =	vadd.f32 v14, v15  }
0x173: {  	v15 =	vld [tilespmem:s15+$0x13600]  }
0x174: {  	v13 =	vld [tilespmem:s15+$0x10600]  }
0x175: {  	v19 =	vld [tilespmem:s15+$0x10200];
	v14 =	vadd.f32 v16, v17  }
0x176: {  	v16 =	vld [tilespmem:s15+$0xFE00]  }
0x177: {  	v17 =	vld [tilespmem:s15+$0xFA00]  }
0x178: {  	v20 =	vld [tilespmem:s15+$0xF600];
	v15 =	vadd.f32 v18, v15  }
0x179: {  	v18 =	vld [tilespmem:s15+$0xF200]  }
0x17a: {  	v22 =	vld [tilespmem:s15+$0xEE00]  }
0x17b: {  	v24 =	vld [tilespmem:s15+$0x12A00];
	v16 =	vadd.f32 v19, v16  }
0x17c: {  	v19 =	vld [tilespmem:s15+$0x12600]  }
0x17d: {  	v25 =	vld [tilespmem:s15+$0x12200];
	v17 =	vadd.f32 v17, v20  }
0x17e: {  	v30 =	vld [tilespmem:s15+$0x11E00]  }
0x17f: {  	v20 =	vld [tilespmem:s15+$0x11A00];
	v18 =	vadd.f32 v18, v22  }
0x180: {  	v23 =	vld [tilespmem:s15+$0x11600]  }
0x181: {  	v22 =	vld [tilespmem:s15+$0x11200];
	v31 =	vadd.f32 v24, v19;
	v17 =	vadd.f32 v17, v18  }
.Ltmp4:
0x182: {  	v19 =	vld [tilespmem:s15+$0x11A10];
	(pc) =	sbr.rel @p2 .LBB2_11-.Ltmp4, $4  }
0x183: {  	v24 =	vld [tilespmem:s15+$0x10E00];
	v18 =	vadd.f32 v25, v30;
	v30 =	vadd.f32 v21, v26  }
0x184: {  	v25 =	vld [tilespmem:s15+$0x12E10]  }
0x185: {  	v26 =	vld [tilespmem:s15+$0x12E00];
	v21 =	vadd.f32 v31, v18;
	v18 =	vadd.f32 v27, v30  }
0x186: {  	s9 =	sadd.s32 $0x80, s9;
	v28 =	vadd.f32 v28, v29;
	v27 =	vld [tilespmem:s15+$0x10A00]  }
0x187: {  	v20 =	vadd.f32 v20, v23;
	v7 =	vadd.f32 v19, v7  }
0x188: {  	v57 =	vld [tilespmem:s15+$0x10A10];
	v22 =	vadd.f32 v22, v24;
	v12 =	vadd.f32 v12, v28  }
0x189: {  	v4 =	vadd.f32 v4, v25;
	v7 =	vadd.f32 v7, v14  }
0x18a: {  	v11 =	vadd.f32 v11, v26;
	v20 =	vadd.f32 v20, v22  }
0x18b: {  	v13 =	vadd.f32 v27, v13;
	v4 =	vadd.f32 v10, v4  }
0x18c: {  	v58 =	vadd.f32 v15, v11;
	v59 =	vadd.f32 v21, v20  }
0x18d: {  	v5 =	vadd.f32 v57, v5;
	v13 =	vadd.f32 v13, v16  }
0x18e: {  	v7 =	vadd.f32 v12, v7;
	v10 =	vadd.f32 v58, v59  }
0x18f: {  	v5 =	vadd.f32 v5, v9;
	v60 =	vadd.f32 v13, v17  }
0x190: {  	v4 =	vadd.f32 v4, v7  }
0x191: {  	v5 =	vadd.f32 v5, v18;
	v61 =	vadd.f32 v10, v60;
	_ =	sdelay $0x1  }
0x192: {  	v5 =	vadd.f32 v4, v5;
	v7 =	vmul.f32 v61, v61;
	v6 =	vadd.f32 v61, v6;
	_ =	sdelay $0x1  }
0x193: {  	v4 =	vadd.f32 v7, v8;
	v6 =	vadd.f32 v5, v6;
	v7 =	vmul.f32 v5, v5;
	_ =	sdelay $0x1  }
0x194: {  	v4 =	vadd.f32 v7, v4;
	v7 =	vperm.xlane v6, v0;
	_ =	sdelay $0x1  }
0x195: {  	v6 =	vadd.f32 v7, v6;
	v7 =	vperm.xlane v4, v0;
	_ =	sdelay $0x1  }
0x196: {  	v62 =	vperm.xlane v6, v1;
	v4 =	vadd.f32 v7, v4;
	_ =	sdelay $0x1  }
0x197: {  	v6 =	vadd.f32 v62, v6;
	v7 =	vperm.xlane v4, v1;
	_ =	sdelay $0x1  }
0x198: {  	v8 =	vperm.xlane v6, v2;
	v4 =	vadd.f32 v7, v4;
	_ =	sdelay $0x1  }
0x199: {  	v6 =	vadd.f32 v8, v6;
	v7 =	vperm.xlane v4, v2;
	_ =	sdelay $0x1  }
0x19a: {  	v8 =	vperm.xlane v6, v3;
	v7 =	vadd.f32 v7, v4;
	_ =	sdelay $0x1  }
0x19b: {  	v4 =	vadd.f32 v8, v6;
	v6 =	vperm.xlane v7, v3;
	_ =	sdelay $0x1  }
0x19c: {  	v4 =	vmul.f32 $9.765625000e-04, v4;
	v6 =	vadd.f32 v6, v7;
	_ =	sdelay $0x1  }
0x19d: {  	v6 =	vmul.f32 $9.765625000e-04, v6;
	v7 =	vmul.f32 v4, v4;
	_ =	sdelay $0x1  }
0x19e: {  	v6 =	vsub.f32 v6, v7;
	_ =	sdelay $0x1  }
0x19f: {  	v6 =	vadd.f32 $9.999999740e-06, v6;
	_ =	sdelay $0x1  }
0x1a0: {  	v7 =	vshra.s32 v6, $0x1;
	v6 =	vmul.f32 $5.000000000e-01, v6  }
0x1a1: {  	v7 =	vsub.s32 $0x5F3759DF, v7  }
0x1a2: {  	v63 =	vmul.f32 v7, v6;
	_ =	sdelay $0x1  }
0x1a3: {  	v8 =	vmul.f32 v7, v63;
	_ =	sdelay $0x1  }
0x1a4: {  	v8 =	vsub.f32 $1.500000000e+00, v8;
	_ =	sdelay $0x1  }
0x1a5: {  	v7 =	vmul.f32 v7, v8;
	_ =	sdelay $0x1  }
0x1a6: {  	v8 =	vmul.f32 v7, v6;
	_ =	sdelay $0x1  }
0x1a7: {  	v8 =	vmul.f32 v8, v7;
	_ =	sdelay $0x1  }
0x1a8: {  	v8 =	vsub.f32 $1.500000000e+00, v8;
	_ =	sdelay $0x1  }
0x1a9: {  	v7 =	vmul.f32 v8, v7;
	_ =	sdelay $0x1  }
0x1aa: {  	v6 =	vmul.f32 v7, v6;
	_ =	sdelay $0x1  }
0x1ab: {  	v6 =	vmul.f32 v6, v7;
	_ =	sdelay $0x1  }
0x1ac: {  	v6 =	vsub.f32 $1.500000000e+00, v6  }
0x1ad: {  	[tilespmem:s15+$0x19600] =	vst v61  }
0x1ae: {  	s6 =	simm.s32 $0x0;
	s9 =	simm.s32 $0x40;
	[tilespmem:s15+$0x19610] =	vst v5;
	v5 =	vmul.f32 v6, v7  }
.LBB2_13:
0x1af: {  	p2 =	sne.s32 s9, $0xFC0;
	v6 =	vld [tilespmem:s6+$0x19600];
	_ =	sdelay $0x4  }
.Ltmp5:
0x1b0: {  	v6 =	vsub.f32 v6, v4;
	(pc) =	sbr.rel @p2 .LBB2_13-.Ltmp5, $3  }
0x1b1: {  	_ = 	snop  }
0x1b2: {  	v6 =	vmul.f32 v6, v5;
	_ =	sdelay $0x1  }
0x1b3: {  	[tilespmem:s6+$0x19600] =	vst v6;
	s6 =	sshra.s32 s9, $0x2;
	s9 =	sadd.s32 $0x40, s9  }
0x1b4: {  	v6 =	vld [tilespmem:s6+$0x19600];
	_ =	sdelay $0x4  }
0x1b5: {  	v4 =	vsub.f32 v6, v4  }
0x1b6: {  	s9 =	sadd.s32 s13, s8  }
0x1b7: {  	s9 =	sshll.u32 s9, $0x7;
	v4 =	vmul.f32 v4, v5  }
0x1b8: {  	s9 =	sand.u32 $0x1FFFFF00, s9  }
0x1b9: {  	s15 =	sadd.s32 s2, s9;
	[tilespmem:s6+$0x19600] =	vst v4  }
0x1ba: {  	[hbm4b:s15+s3] =	stream.linear.scatter [tilespmem:s23], [sflag:$0x7], $0x400, $0x38;
	[tilespmem:$0x19E00] =	vst v63  }
0x1bb: {  	_ =	swait.ge [sflag:s24], $0x5000  }
0x1bc: {  	[sflag:s24] =	ssyncset.done $0x0  }
0x1bd: {  	s6 =	simm.s32 @!p0 $0x8;
	[sflag:s24] =	ssyncadd.s32 $0xFFFFB000  }
0x1be: {  	_ =	swait.ge @!p0 [sflag:s6], $0x400  }
0x1bf: {  	[sflag:s6] =	ssyncset.done @!p0 $0x0  }
0x1c0: {  	[sflag:s6] =	ssyncadd.s32 @!p0 $0xFFFFFC00;
	s6 =	smul.u32 @p1 $0x180, s1;
	_ =	sdelay $0x1  }
0x1c1: {  	s6 =	sshra.s32 @p1 s6, $0x2  }
0x1c2: {  	s13 =	simm.s32 $0x0;
	s6 =	sadd.s32 @p1 $0x90, s6  }
0x1c3: {  	[tilespmem:s16], [sflag:$0x3] =	stream.indirect.gather @p1 [hbm4b:s5+s11], $0x400, s6, s11, $0xb8;
	[tilespmem:$0x19E00] =	vst v63  }
0x1c4: {  	v6 =	vld [tilespmem:s13+$0x18A10]  }
0x1c5: {  	v8 =	vld [tilespmem:s13+$0x18610]  }
0x1c6: {  	v4 =	vld [tilespmem:s13+$0x18210]  }
0x1c7: {  	v17 =	vld [tilespmem:s13+$0x13E10]  }
0x1c8: {  	v5 =	vld [tilespmem:s13+$0x15610]  }
0x1c9: {  	v9 =	vld [tilespmem:s13+$0x17A10]  }
0x1ca: {  	v14 =	vld [tilespmem:s13+$0x15210]  }
0x1cb: {  	v12 =	vld [tilespmem:s13+$0x17610]  }
0x1cc: {  	v28 =	vld [tilespmem:s13+$0x17210]  }
0x1cd: {  	v15 =	vld [tilespmem:s13+$0x14E10]  }
0x1ce: {  	v18 =	vld [tilespmem:s13+$0x14210]  }
0x1cf: {  	v29 =	vld [tilespmem:s13+$0x16E10]  }
0x1d0: {  	v16 =	vld [tilespmem:s13+$0x14610]  }
0x1d1: {  	v19 =	vld [tilespmem:s13+$0x14A10]  }
0x1d2: {  	v7 =	vld [tilespmem:s13+$0x16610]  }
0x1d3: {  	v21 =	vld [tilespmem:s13+$0x16210]  }
0x1d4: {  	v22 =	vld [tilespmem:s13+$0x15E10]  }
0x1d5: {  	v11 =	vld [tilespmem:s13+$0x18200]  }
0x1d6: {  	v24 =	vld [tilespmem:s13+$0x18A00]  }
0x1d7: {  	v25 =	vld [tilespmem:s13+$0x18600]  }
0x1d8: {  	v13 =	vld [tilespmem:s13+$0x15600]  }
0x1d9: {  	v26 =	vld [tilespmem:s13+$0x15200]  }
0x1da: {  	v27 =	vld [tilespmem:s13+$0x14E00]  }
0x1db: {  	v30 =	vld [tilespmem:s13+$0x14A00]  }
0x1dc: {  	v31 =	vld [tilespmem:s13+$0x14600]  }
0x1dd: {  	v32 =	vld [tilespmem:s13+$0x14200]  }
0x1de: {  	v33 =	vld [tilespmem:s13+$0x13E00]  }
0x1df: {  	v34 =	vld [tilespmem:s13+$0x17A00]  }
0x1e0: {  	v35 =	vld [tilespmem:s13+$0x17600]  }
0x1e1: {  	v36 =	vld [tilespmem:s13+$0x17200]  }
0x1e2: {  	v37 =	vld [tilespmem:s13+$0x16E00]  }
0x1e3: {  	v20 =	vld [tilespmem:s13+$0x16A00];
	v10 =	vadd.f32 v6, v8;
	v12 =	vadd.f32 v9, v12  }
0x1e4: {  	v23 =	vld [tilespmem:s13+$0x16600];
	v9 =	vadd.f32 v14, v15;
	v8 =	vadd.f32 v19, v16  }
0x1e5: {  	v14 =	vadd.f32 v21, v22;
	v15 =	vadd.f32 v24, v25;
	v22 =	vld [tilespmem:s13+$0x16200]  }
0x1e6: {  	v21 =	vadd.f32 v30, v31;
	v30 =	vadd.f32 v32, v33;
	v19 =	vld [tilespmem:s13+$0x16A10]  }
0x1e7: {  	v31 =	vadd.f32 v34, v35;
	v63 =	vadd.f32 v36, v37;
	v24 =	vld [tilespmem:s13+$0x15E00]  }
0x1e8: {  	v16 =	vadd.f32 v26, v27;
	v18 =	vadd.f32 v18, v17;
	v25 =	vld [tilespmem:s13+$0x17E10]  }
0x1e9: {  	v6 =	vimm.f32 $0.0e+00;
	v26 =	vld [tilespmem:s13+$0x17E00];
	v28 =	vadd.f32 v28, v29;
	v17 =	vadd.f32 v21, v30  }
0x1ea: {  	s9 =	simm.s32 $0x80;
	s6 =	simm.s32 $0x0;
	v27 =	vld [tilespmem:s13+$0x15A00];
	v21 =	vadd.f32 v31, v63;
	v18 =	vadd.f32 v8, v18;
	v8 =	vimm.f32 $0.0e+00  }
.LBB2_15:
0x1eb: {  	s10 =	sshra.s32 s9, $0x2;
	s6 =	sadd.s32 $0x2, s6;
	v20 =	vadd.f32 v20, v23;
	v23 =	vld [tilespmem:s13+$0x15A10]  }
0x1ec: {  	v29 =	vld [tilespmem:s10+$0x18A10];
	p0 =	slt.u32 s6, $0x3E;
	v22 =	vadd.f32 v22, v24;
	v12 =	vadd.f32 v12, v28  }
0x1ed: {  	v24 =	vld [tilespmem:s10+$0x18610];
	v25 =	vadd.f32 v4, v25  }
0x1ee: {  	v4 =	vld [tilespmem:s10+$0x18210];
	v11 =	vadd.f32 v11, v26;
	v20 =	vadd.f32 v20, v22  }
0x1ef: {  	v26 =	vld [tilespmem:s10+$0x13E10];
	v13 =	vadd.f32 v27, v13;
	v22 =	vadd.f32 v10, v25  }
0x1f0: {  	v7 =	vadd.f32 v19, v7;
	v25 =	vld [tilespmem:s10+$0x15610];
	v10 =	vadd.f32 v15, v11  }
0x1f1: {  	v15 =	vadd.f32 v21, v20;
	v5 =	vadd.f32 v23, v5;
	v11 =	vld [tilespmem:s10+$0x17A10]  }
0x1f2: {  	v7 =	vadd.f32 v7, v14;
	v13 =	vadd.f32 v13, v16;
	v19 =	vld [tilespmem:s10+$0x15210]  }
0x1f3: {  	v15 =	vadd.f32 v10, v15;
	v9 =	vadd.f32 v5, v9;
	v14 =	vld [tilespmem:s10+$0x17610]  }
0x1f4: {  	v7 =	vadd.f32 v12, v7;
	v13 =	vadd.f32 v13, v17;
	v28 =	vld [tilespmem:s10+$0x17210]  }
0x1f5: {  	v10 =	vadd.f32 v29, v24;
	v16 =	vld [tilespmem:s10+$0x14E10];
	v5 =	vmov v25  }
0x1f6: {  	v9 =	vadd.f32 v9, v18;
	v13 =	vadd.f32 v15, v13;
	v21 =	vld [tilespmem:s10+$0x14210]  }
0x1f7: {  	v7 =	vadd.f32 v22, v7;
	v29 =	vld [tilespmem:s10+$0x16E10]  }
0x1f8: {  	v15 =	vld [tilespmem:s10+$0x14610];
	v12 =	vadd.f32 v11, v14;
	[tilespmem:s13+$0x19A00] =	vst v13;
	v11 =	vmul.f32 v13, v13  }
0x1f9: {  	v6 =	vadd.f32 v13, v6;
	v13 =	vadd.f32 v7, v9;
	v14 =	vld [tilespmem:s10+$0x14A10]  }
0x1fa: {  	v7 =	vld [tilespmem:s10+$0x16610];
	v9 =	vadd.f32 v19, v16  }
0x1fb: {  	v8 =	vadd.f32 v11, v8;
	v6 =	vadd.f32 v13, v6;
	v16 =	vld [tilespmem:s10+$0x16210];
	[tilespmem:s13+$0x19A10] =	vst v13;
	v13 =	vmul.f32 v13, v13;
	s13 =	smov.u32 s10  }
0x1fc: {  	v17 =	vld [tilespmem:s13+$0x15E10]  }
0x1fd: {  	v11 =	vld [tilespmem:s13+$0x18200];
	v8 =	vadd.f32 v13, v8  }
0x1fe: {  	v18 =	vld [tilespmem:s13+$0x18A00];
	v27 =	vadd.f32 v14, v15  }
0x1ff: {  	v15 =	vld [tilespmem:s13+$0x18600]  }
0x200: {  	v13 =	vld [tilespmem:s13+$0x15600]  }
0x201: {  	v19 =	vld [tilespmem:s13+$0x15200];
	v14 =	vadd.f32 v16, v17  }
0x202: {  	v16 =	vld [tilespmem:s13+$0x14E00]  }
0x203: {  	v17 =	vld [tilespmem:s13+$0x14A00]  }
0x204: {  	v20 =	vld [tilespmem:s13+$0x14600];
	v15 =	vadd.f32 v18, v15  }
0x205: {  	v18 =	vld [tilespmem:s13+$0x14200]  }
0x206: {  	v22 =	vld [tilespmem:s13+$0x13E00]  }
0x207: {  	v24 =	vld [tilespmem:s13+$0x17A00];
	v16 =	vadd.f32 v19, v16  }
0x208: {  	v19 =	vld [tilespmem:s13+$0x17600]  }
0x209: {  	v25 =	vld [tilespmem:s13+$0x17200];
	v17 =	vadd.f32 v17, v20  }
0x20a: {  	v30 =	vld [tilespmem:s13+$0x16E00]  }
0x20b: {  	v20 =	vld [tilespmem:s13+$0x16A00];
	v18 =	vadd.f32 v18, v22  }
0x20c: {  	v23 =	vld [tilespmem:s13+$0x16600]  }
0x20d: {  	v22 =	vld [tilespmem:s13+$0x16200];
	v31 =	vadd.f32 v24, v19;
	v17 =	vadd.f32 v17, v18  }
.Ltmp6:
0x20e: {  	v19 =	vld [tilespmem:s13+$0x16A10];
	(pc) =	sbr.rel @p0 .LBB2_15-.Ltmp6, $4  }
0x20f: {  	v24 =	vld [tilespmem:s13+$0x15E00];
	v18 =	vadd.f32 v25, v30;
	v30 =	vadd.f32 v21, v26  }
0x210: {  	v25 =	vld [tilespmem:s13+$0x17E10]  }
0x211: {  	v26 =	vld [tilespmem:s13+$0x17E00];
	v21 =	vadd.f32 v31, v18;
	v18 =	vadd.f32 v27, v30  }
0x212: {  	s9 =	sadd.s32 $0x80, s9;
	v28 =	vadd.f32 v28, v29;
	v27 =	vld [tilespmem:s13+$0x15A00]  }
0x213: {  	v20 =	vadd.f32 v20, v23;
	v7 =	vadd.f32 v19, v7  }
0x214: {  	v57 =	vld [tilespmem:s13+$0x15A10];
	v22 =	vadd.f32 v22, v24;
	v12 =	vadd.f32 v12, v28  }
0x215: {  	v4 =	vadd.f32 v4, v25;
	v7 =	vadd.f32 v7, v14  }
0x216: {  	v11 =	vadd.f32 v11, v26;
	v20 =	vadd.f32 v20, v22  }
0x217: {  	v13 =	vadd.f32 v27, v13;
	v4 =	vadd.f32 v10, v4  }
0x218: {  	v58 =	vadd.f32 v15, v11;
	v59 =	vadd.f32 v21, v20  }
0x219: {  	v5 =	vadd.f32 v57, v5;
	v13 =	vadd.f32 v13, v16  }
0x21a: {  	v7 =	vadd.f32 v12, v7;
	v10 =	vadd.f32 v58, v59  }
0x21b: {  	v5 =	vadd.f32 v5, v9;
	v60 =	vadd.f32 v13, v17  }
0x21c: {  	v4 =	vadd.f32 v4, v7  }
0x21d: {  	v5 =	vadd.f32 v5, v18;
	v61 =	vadd.f32 v10, v60;
	_ =	sdelay $0x1  }
0x21e: {  	v5 =	vadd.f32 v4, v5;
	v7 =	vmul.f32 v61, v61;
	v6 =	vadd.f32 v61, v6;
	_ =	sdelay $0x1  }
0x21f: {  	v4 =	vadd.f32 v7, v8;
	v6 =	vadd.f32 v5, v6;
	v7 =	vmul.f32 v5, v5;
	_ =	sdelay $0x1  }
0x220: {  	v4 =	vadd.f32 v7, v4;
	v7 =	vperm.xlane v6, v0;
	_ =	sdelay $0x1  }
0x221: {  	v6 =	vadd.f32 v7, v6;
	v7 =	vperm.xlane v4, v0;
	_ =	sdelay $0x1  }
0x222: {  	v62 =	vperm.xlane v6, v1;
	v4 =	vadd.f32 v7, v4;
	_ =	sdelay $0x1  }
0x223: {  	v6 =	vadd.f32 v62, v6;
	v7 =	vperm.xlane v4, v1;
	_ =	sdelay $0x1  }
0x224: {  	v8 =	vperm.xlane v6, v2;
	v4 =	vadd.f32 v7, v4;
	_ =	sdelay $0x1  }
0x225: {  	v6 =	vadd.f32 v8, v6;
	v7 =	vperm.xlane v4, v2;
	_ =	sdelay $0x1  }
0x226: {  	v8 =	vperm.xlane v6, v3;
	v7 =	vadd.f32 v7, v4;
	_ =	sdelay $0x1  }
0x227: {  	v4 =	vadd.f32 v8, v6;
	v6 =	vperm.xlane v7, v3;
	_ =	sdelay $0x1  }
0x228: {  	v4 =	vmul.f32 $9.765625000e-04, v4;
	v6 =	vadd.f32 v6, v7;
	_ =	sdelay $0x1  }
0x229: {  	v6 =	vmul.f32 $9.765625000e-04, v6;
	v7 =	vmul.f32 v4, v4;
	_ =	sdelay $0x1  }
0x22a: {  	v6 =	vsub.f32 v6, v7;
	_ =	sdelay $0x1  }
0x22b: {  	v6 =	vadd.f32 $9.999999740e-06, v6;
	_ =	sdelay $0x1  }
0x22c: {  	v7 =	vshra.s32 v6, $0x1;
	v6 =	vmul.f32 $5.000000000e-01, v6  }
0x22d: {  	v7 =	vsub.s32 $0x5F3759DF, v7  }
0x22e: {  	v63 =	vmul.f32 v7, v6;
	_ =	sdelay $0x1  }
0x22f: {  	v8 =	vmul.f32 v7, v63;
	_ =	sdelay $0x1  }
0x230: {  	v8 =	vsub.f32 $1.500000000e+00, v8;
	_ =	sdelay $0x1  }
0x231: {  	v7 =	vmul.f32 v7, v8;
	_ =	sdelay $0x1  }
0x232: {  	v8 =	vmul.f32 v7, v6;
	_ =	sdelay $0x1  }
0x233: {  	v8 =	vmul.f32 v8, v7;
	_ =	sdelay $0x1  }
0x234: {  	v8 =	vsub.f32 $1.500000000e+00, v8;
	_ =	sdelay $0x1  }
0x235: {  	v7 =	vmul.f32 v8, v7;
	_ =	sdelay $0x1  }
0x236: {  	v6 =	vmul.f32 v7, v6;
	_ =	sdelay $0x1  }
0x237: {  	v6 =	vmul.f32 v6, v7;
	_ =	sdelay $0x1  }
0x238: {  	v6 =	vsub.f32 $1.500000000e+00, v6  }
0x239: {  	[tilespmem:s13+$0x19A00] =	vst v61  }
0x23a: {  	s6 =	simm.s32 $0x0;
	s9 =	simm.s32 $0x40;
	[tilespmem:s13+$0x19A10] =	vst v5;
	v5 =	vmul.f32 v6, v7  }
.LBB2_17:
0x23b: {  	p0 =	sne.s32 s9, $0xFC0;
	v6 =	vld [tilespmem:s6+$0x19A00];
	_ =	sdelay $0x4  }
.Ltmp7:
0x23c: {  	v6 =	vsub.f32 v6, v4;
	(pc) =	sbr.rel @p0 .LBB2_17-.Ltmp7, $3  }
0x23d: {  	_ = 	snop  }
0x23e: {  	v6 =	vmul.f32 v6, v5;
	_ =	sdelay $0x1  }
0x23f: {  	[tilespmem:s6+$0x19A00] =	vst v6;
	s6 =	sshra.s32 s9, $0x2;
	s9 =	sadd.s32 $0x40, s9  }
0x240: {  	v6 =	vld [tilespmem:s6+$0x19A00];
	_ =	sdelay $0x3  }
0x241: {  	s1 =	sadd.s32 $0x1, s1  }
0x242: {  	p0 =	sne.s32 s1, $0xD0;
	v4 =	vsub.f32 v6, v4  }
.Ltmp8:
0x243: {  	s0 =	sadd.s32 s4, s0;
	(pc) =	sbr.rel @p0 .LBB2_2-.Ltmp8, $4  }
0x244: {  	s0 =	sshll.u32 s0, $0x7;
	v4 =	vmul.f32 v4, v5  }
0x245: {  	s0 =	sand.u32 $0x1FFFFF80, s0  }
0x246: {  	s0 =	sadd.s32 s2, s0;
	[tilespmem:s6+$0x19A00] =	vst v4  }
0x247: {  	[hbm4b:s0+s3] =	stream.linear.scatter [tilespmem:s25], [sflag:$0x8], $0x400, $0x38;
	[tilespmem:$0x19E00] =	vst v63  }
0x248: {  	_ =	swait.ge [sflag:s26], $0x400  }
0x249: {  	[sflag:s26] =	ssyncset.done $0x0  }
0x24a: {  	[sflag:s26] =	ssyncadd.s32 $0xFFFFFC00  }
0x24b: {  	_ =	swait.ge [sflag:s28], $0x400  }
0x24c: {  	[sflag:s28] =	ssyncset.done $0x0  }
0x24d: {  	[sflag:s28] =	ssyncadd.s32 $0xFFFFFC00  }
0x24e: {  	_ =	swait.ge [sflag:s29], $0x400  }
0x24f: {  	[sflag:s29] =	ssyncset.done $0x0  }
0x250: {  	[sflag:s29] =	ssyncadd.s32 $0xFFFFFC00  }
0x251: {  	_ =	swait.ge [sflag:s30], $0x400  }
0x252: {  	s31 =	sadd.s32 $0x1, s31;
	s0 =	rddreg [dreg:$0x4]  }
0x253: {  	p0 =	sne.s32 s31, s0  }
.Ltmp9:
0x254: {  	_ = 	snop;
	(pc) =	sbr.rel @p0 .LBB2_1-.Ltmp9, $3  }
0x255: {  	_ =	sdelay $0x1  }
0x256: {  	[sflag:s30] =	ssyncset.done $0x0  }
0x257: {  	[sflag:s30] =	ssyncadd.s32 $0xFFFFFC00  }
0x258: {  	_ =	sfence.sel $0x180000  }
0x259: {  	[bflag:$0x0] =	sbarrier.arrive $0xFFFF  }
0x25a: {  	_ =	strace $0x9000004A  }
0x25b: {  	s0 =	stileid.u32;
	[bflag:$0x2] =	sbarrier.arrive $0xFFFF  }
0x25c: {  	p0 =	sne.s32 s0, $0x0;
	s0 =	rddreg [dreg:$0x2]  }
0x25d: {  	s0 =	sadd.s32 @!p0 $0x100000, s0  }
0x25e: {  	[sflag:s0] =	ssyncadd.tile.s32 @!p0 $0x1;
	_ =	shalt  }
.Lfunc_end2:
_tile_overlayer_lowered:
.L_overlay_start_2:
0x25f: {  	(tag) =	ssettag $0x2  }
0x260: {  	s0 =	rddreg [dreg:$0x0];
	s2 =	stileid.u32  }
0x261: {  	s1 =	rddreg [dreg:$0x1];
	p0 =	sne.s32 s2, $0x0  }
0x262: {  	s3 =	rddreg [dreg:$0x2];
	[bflag:$0x3] =	sbarrier.arrive $0xFFFF;
	s2 =	simm.s32 @!p0 $0x1C09  }
0x263: {  	[timem:s3], [sflag:s2] =	dma.local @!p0 [hbm:s0], s1  }
0x264: {  	s0 =	simm.s32 @!p0 $0x9  }
0x265: {  	_ =	swait.ge @!p0 [sflag:s0], s1  }
0x266: {  	s1 =	ssub.s32 @!p0 $0x0, s1;
	[sflag:s0] =	ssyncset.done @!p0 $0x0  }
0x267: {  	[sflag:s0] =	ssyncadd.s32 @!p0 s1  }
0x268: {  	[bflag:$0x3] =	sbarrier.arrive $0xFFFF  }
0x269: {  	_ =	shalt  }

// kernel: sparse-core-data-format-call.1.cloned.1.call-start
scs
called_computation.1_lowered:
.L_overlay_start_0:
0x0: {  	s2 =	sld [smem:$0x3FD9]  }
0x1: {  	s3 =	sld [smem:$0x3FFE];
	_ =	sdelay $0x1  }
0x2: {  	s1 =	srdreg.scid  }
0x3: {  	s0 =	sand.u32 $0x1, s1  }
0x4: {  	s18 =	sshll.u32 s0, $0xA;
	s2 =	sadd.s32 s3, s2  }
0x5: {  	s2 =	sadd.s32 s2, s18  }
0x6: {  	[smem:$0x3FC6] =	sst s2  }
0x7: {  	_ = 	snop  }
0x8: {  	s2 =	sld [smem:$0x3FC8];
	(tm) =	ssettm $0x1  }
0x9: {  	s19 =	sld [smem:$0x3FFB];
	_ =	sdelay $0x3  }
0xa: {  	_ =	strace s19  }
0xb: {  	s3 =	sld [smem:$0x3FFC];
	_ =	sdelay $0x3  }
0xc: {  	_ =	strace s3  }
0xd: {  	s3 =	sld [smem:$0x3FFD];
	_ =	sdelay $0x3  }
0xe: {  	_ =	strace s3  }
0xf: {  	_ =	strace $0x8FFFFFFF  }
0x10: {  	s20 =	sld [smem:$0x3FDB];
	_ =	sdelay $0x1  }
0x11: {  	s4 =	simm.s32 $_scs_section_size  }
0x12: {  	s5 =	simm.s32 $_size__tile_overlayer_lowered;
	s6 =	simm.s32 $_tile_overlayer_lowered  }
0x13: {  	s23 =	simm.s32 $0x1BFF;
	s22 =	sshll.u32 s6, $0x1;
	s3 =	sadd.s32 s4, s20  }
0x14: {  	s7 =	simm.s32 $0x0;
	s21 =	sshll.u32 s5, $0x1;
	s5 =	sadd.s32 s22, s3  }
0x15: {  	[timem:s7], [sflag:s23] =	dma.local [hbm:s5], s21  }
0x16: {  	_ =	swait.ge [sflag:s23], s21  }
0x17: {  	s4 =	ssub.s32 $0x0, s21;
	[sflag:s23] =	ssyncset.done $0x0  }
0x18: {  	[sflag:s23] =	ssyncadd.s32 s4;
	_ =	sdelay $0x1  }
0x19: {  	s24 =	simm.s32 $0x1B8B  }
0x1a: {  	_ =	swait.ge [sflag:s24], $0x1  }
0x1b: {  	[sflag:s24] =	ssyncset.done $0x0  }
0x1c: {  	s26 =	simm.s32 $0x1B8E;
	s25 =	sld [smem:$0x3FFE];
	[sflag:s24] =	ssyncadd.s32 $0xFFFFFFFF  }
0x1d: {  	s27 =	simm.s32 $execute0_lowered;
	[smem:$0x3FD2] =	sst s26  }
0x1e: {  	s5 =	sshll.u32 s27, $0x1;
	_ =	strace $0x80000046;
	[dreg:$0x1] =	wrdreg $0xFFFFFFFF  }
0x1f: {  	s28 =	simm.s32 $_size_execute0_lowered;
	s3 =	sadd.s32 s3, s5;
	[dreg:$0x0] =	wrdreg $0x0  }
0x20: {  	s5 =	sshll.u32 s28, $0x1;
	[dreg:$0x2] =	wrdreg s3  }
0x21: {  	[dreg:$0x3] =	wrdreg s5  }
0x22: {  	[dreg:$0x4] =	wrdreg $0xC0  }
0x23: {  	_ =	task [dreg:s7], $0x5FFFF  }
0x24: {  	[dreg:$0x1] =	wrdreg $0xFFFFFFFF  }
0x25: {  	[dreg:$0x0] =	wrdreg $0x60  }
0x26: {  	[dreg:$0x2] =	wrdreg s2  }
0x27: {  	[dreg:$0x3] =	wrdreg s25  }
0x28: {  	[dreg:$0x4] =	wrdreg $0x9  }
0x29: {  	_ =	task.clear_ibuf [dreg:s7], $0x5FFFF;
	_ =	strace $0x90000046  }
0x2a: {  	s29 =	simm.s32 $0x9;
	_ =	strace $0x80000048  }
0x2b: {  	_ =	swait.ge [sflag:s29], $0x1  }
0x2c: {  	[sflag:s29] =	ssyncadd.s32 $0xFFFFFFFF  }
0x2d: {  	_ =	strace $0x90000048  }
0x2e: {  	_ =	sfence  }
0x2f: {  	s30 =	sld [smem:$0x0];
	_ =	sdelay $0x2  }
0x30: {  	s31 =	sshll.u32 s1, $0xD;
	s1 =	sshrl.u32 s1, $0x2  }
0x31: {  	s3 =	sand.u32 $0x4000, s31;
	s1 =	sadd.s32 s1, s30  }
0x32: {  	s0 =	sor.u32 s3, s0;
	s1 =	sshll.u32 s1, $0x11  }
0x33: {  	s0 =	sor.u32 s1, s0  }
0x34: {  	s0 =	sadd.s32 $0x8F2B, s0  }
0x35: {  	[sflag:s0] =	ssyncadd.remote.s32 $0x1  }
0x36: {  	_ =	sfence.sel $0xFFFF  }
0x37: {  	[dreg:$0x0] =	wrdreg $0xFFFFFFFF;
	(pc) =	sbr.abs _section_cstart, $3  }
0x38: {  	[dreg:$0x1] =	wrdreg $0xFFFFFFFF  }
0x39: {  	_ =	task.clear_ibuf [dreg:s7], $0x2FFFF;
	_ =	strace $0x9FFFFFFF  }
0x3a: {  	(tm) =	ssettm $0x7FFFFFFF  }
0x3b: {  	_ =	shalt  }
tec
execute0_lowered:
.L_overlay_start_1:
0x0: {  	(tag) =	ssettag $0x1  }
0x1: {  	s0 =	srdreg.scid  }
0x2: {  	s1 =	sshll.u32 s0, $0x4  }
0x3: {  	s2 =	rddreg [dreg:$0x0];
	s0 =	stileid.u32;
	s1 =	sand.u32 $0x10, s1  }
0x4: {  	s4 =	rddreg [dreg:$0x1];
	s7 =	simm.s32 $0x1;
	s1 =	sor.u32 s0, s1  }
0x5: {  	s8 =	simm.s32 $0x2;
	s9 =	simm.s32 $0x0;
	s3 =	sshll.u32 s1, $0x1  }
0x6: {  	s12 =	simm.s32 $0x0;
	s11 =	simm.s32 $0x0;
	s6 =	ssub.s32 $0x30D4, s3  }
.Ltmp0:
0x7: {  	s4 =	sadd.s32 $0xE00, s4;
	s5 =	sand.u32 $0x3E, s6;
	(pc) =	sbr.rel .LBB1_1-.Ltmp0, $4  }
0x8: {  	s1 =	rddreg [dreg:$0x2];
	_ =	strace $0x80000047;
	p0 =	sne.s32 s5, $0x0  }
0x9: {  	s6 =	sshrl.u32 s6, $0x6;
	s5 =	simm.s32 $0x1;
	s7 =	simm.s32 @!p0 $0x0  }
0xa: {  	s10 =	smov.u32 s3;
	[sflag:s5] =	ssyncpa.u1 $0x0;
	s6 =	sadd.s32 s7, s6  }
0xb: {  	[sflag:s8] =	ssyncpa.u1 $0x0;
	s8 =	simm.s32 $0x0;
	s7 =	sadd.s32 $0x1, s6  }
.LBB1_9:
0xc: {  	s14 =	sadd.s32 $0x40, s10  }
0xd: {  	p1 =	sgt.s32 s14, $0x30D3  }
0xe: {  	s14 =	smov.u32 @p1 s3;
	p1 =	sne.s32 s11, s7  }
.Ltmp1:
0xf: {  	p0 =	slt.u32 s11, $0x2;
	(pc) =	sbr.rel @!p1 .LBB1_10-.Ltmp1, $4  }
0x10: {  	s13 =	simm.s32 @!p0 $0x2  }
0x11: {  	s15 =	sadd.s32 $0x1, s11;
	_ =	swait.ge @!p0 [sflag:s13], $0x4000  }
0x12: {  	s12 =	smov.u32 s10;
	s9 =	sadd.s32 $0x4000, s9;
	[sflag:s13] =	ssyncset.done @!p0 $0x0  }
0x13: {  	s11 =	smov.u32 s15;
	s10 =	smov.u32 s14;
	[sflag:s13] =	ssyncadd.s32 @!p0 $0xFFFFC000  }
.LBB1_1:
0x14: {  	p0 =	sge.u32 s11, s6  }
0x15: {  	s13 =	sxor.u32 @!p0 $0xFFFFFFFF, s11  }
0x16: {  	s31 =	sadd.s32 $0xFFFFFFFF, s11;
	s14 =	sshll.u32 @!p0 s10, $0xA;
	s13 =	sshll.u32 @!p0 s13, $0xE  }
0x17: {  	s15 =	simm.s32 @!p0 $0x0;
	s14 =	sadd.s32 @!p0 s2, s14;
	s13 =	sand.u32 @!p0 $0x4000, s13  }
0x18: {  	[tilespmem:s13], [sflag:$0x1] =	stream.linear.gather @!p0 [hbm4b:s14+s15], $0x4000, $0x38;
	[tilespmem:$0x10000] =	vst v63  }
0x19: {  	p0 =	sge.u32 s31, s6  }
.Ltmp2:
0x1a: {  	_ = 	snop;
	(pc) =	sbr.rel @p0 .LBB1_9-.Ltmp2, $1  }
0x1b: {  	_ =	sdelay $0x3  }
0x1c: {  	s13 =	sshll.u32 s9, $0x2  }
0x1d: {  	_ =	swait.ge [sflag:s5], $0x4000;
	s14 =	sshll.u32 s11, $0xE;
	s16 =	simm.s32 $0x0  }
0x1e: {  	p1 =	por $0x1, $0x1;
	s13 =	sand.u32 $0x10000, s13;
	[sflag:s5] =	ssyncset.done $0x0  }
0x1f: {  	s14 =	sand.u32 $0x4000, s14;
	s15 =	sshrl.u32 s13, $0x2;
	[sflag:s5] =	ssyncadd.s32 $0xFFFFC000  }
0x20: {  	s13 =	sor.u32 $0x8000, s14;
	s14 =	sadd.s32 $0x8040, s15;
	s15 =	sadd.s32 $0x40, s15  }
.LBB1_3:
0x21: {  	s16 =	sshll.u32 s16, $0x2  }
0x22: {  	p0 =	por p1, p1;
	s17 =	sshra.s32 s16, $0x2  }
0x23: {  	s18 =	simm.s32 $0x0;
	s16 =	sadd.s32 s17, s14;
	s17 =	sadd.s32 s17, s15  }
.LBB1_4:
0x24: {  	v0 =	vmov s17;
	_ =	sdelay $0x3  }
0x25: {  	s20 =	simm.s32 $0x0  }
0x26: {  	v6 =	vld.idx.msk [tilespmem:v0+s20+$0x30 ss:$0x1], $0xffff  }
0x27: {  	v7 =	vld.idx.msk [tilespmem:v0+s20+$0xFFFFFFC0 ss:$0x1], $0xffff  }
0x28: {  	v5 =	vld.idx.msk [tilespmem:v0+s20+$0xFFFFFFD0 ss:$0x1], $0xffff  }
0x29: {  	v4 =	vld.idx.msk [tilespmem:v0+s20+$0xFFFFFFE0 ss:$0x1], $0xffff  }
0x2a: {  	v3 =	vld.idx.msk [tilespmem:v0+s20+$0xFFFFFFF0 ss:$0x1], $0xffff  }
0x2b: {  	v1 =	vld.idx.msk [tilespmem:v0+s20+$0x0 ss:$0x1], $0xffff  }
0x2c: {  	v2 =	vld.idx.msk [tilespmem:v0+s20+$0x10 ss:$0x1], $0xffff;
	[tilespmem:s16+$0x30] =	vst v6  }
0x2d: {  	s19 =	simm.s32 $0x80;
	s21 =	simm.s32 $0x400;
	[tilespmem:s16+$0xFFFFFFC0] =	vst v7;
	v6 =	vld.idx.msk [tilespmem:v0+s20+$0x20 ss:$0x1], $0xffff;
	s20 =	smov.u32 s16  }
.LBB1_5:
0x2e: {  	p1 =	sne.s32 s21, $0xE00;
	v7 =	vld.idx.msk [tilespmem:v0+s19+$0x30 ss:$0x1], $0xffff;
	[tilespmem:s20+$0xFFFFFFD0] =	vst v5  }
0x2f: {  	v8 =	vld.idx.msk [tilespmem:v0+s19+$0xFFFFFFC0 ss:$0x1], $0xffff;
	[tilespmem:s20+$0xFFFFFFE0] =	vst v4  }
0x30: {  	v5 =	vld.idx.msk [tilespmem:v0+s19+$0xFFFFFFD0 ss:$0x1], $0xffff;
	[tilespmem:s20+$0xFFFFFFF0] =	vst v3  }
.Ltmp3:
0x31: {  	v4 =	vld.idx.msk [tilespmem:v0+s19+$0xFFFFFFE0 ss:$0x1], $0xffff;
	[tilespmem:s20+$0x0] =	vst v1;
	(pc) =	sbr.rel @p1 .LBB1_5-.Ltmp3, $4  }
0x32: {  	v3 =	vld.idx.msk [tilespmem:v0+s19+$0xFFFFFFF0 ss:$0x1], $0xffff;
	[tilespmem:s20+$0x10] =	vst v2  }
0x33: {  	v1 =	vld.idx.msk [tilespmem:v0+s19+$0x0 ss:$0x1], $0xffff;
	[tilespmem:s20+$0x20] =	vst v6;
	s20 =	sadd.s32 $0x400, s20  }
0x34: {  	v2 =	vld.idx.msk [tilespmem:v0+s19+$0x10 ss:$0x1], $0xffff;
	[tilespmem:s20+$0x30] =	vst v7  }
0x35: {  	[tilespmem:s20+$0xFFFFFFC0] =	vst v8;
	v6 =	vld.idx.msk [tilespmem:v0+s19+$0x20 ss:$0x1], $0xffff;
	s19 =	sshra.s32 s21, $0x2;
	s21 =	sadd.s32 $0x200, s21  }
0x36: {  	_ =	sdelay $0x2  }
0x37: {  	[tilespmem:s20+$0xFFFFFFD0] =	vst v5  }
0x38: {  	v56 =	vld.idx.msk [tilespmem:v0+s19+$0x30 ss:$0x1], $0xffff;
	[tilespmem:s20+$0xFFFFFFE0] =	vst v4  }
0x39: {  	v57 =	vld.idx.msk [tilespmem:v0+s19+$0xFFFFFFC0 ss:$0x1], $0xffff;
	[tilespmem:s20+$0xFFFFFFF0] =	vst v3  }
0x3a: {  	v58 =	vld.idx.msk [tilespmem:v0+s19+$0xFFFFFFD0 ss:$0x1], $0xffff;
	[tilespmem:s20+$0x0] =	vst v1  }
0x3b: {  	v59 =	vld.idx.msk [tilespmem:v0+s19+$0xFFFFFFE0 ss:$0x1], $0xffff;
	[tilespmem:s20+$0x10] =	vst v2  }
0x3c: {  	v60 =	vld.idx.msk [tilespmem:v0+s19+$0xFFFFFFF0 ss:$0x1], $0xffff;
	s31 =	sadd.s32 $0x400, s20;
	[tilespmem:s20+$0x20] =	vst v6  }
0x3d: {  	v61 =	vld.idx.msk [tilespmem:v0+s19+$0x0 ss:$0x1], $0xffff;
	[tilespmem:s31+$0x30] =	vst v56  }
0x3e: {  	v62 =	vld.idx.msk [tilespmem:v0+s19+$0x10 ss:$0x1], $0xffff;
	s18 =	sadd.s32 $0x1, s18;
	[tilespmem:s31+$0xFFFFFFC0] =	vst v57  }
0x3f: {  	v63 =	vld.idx.msk [tilespmem:v0+s19+$0x20 ss:$0x1], $0xffff;
	p1 =	sne.s32 s18, $0x8;
	[tilespmem:s31+$0xFFFFFFD0] =	vst v58  }
.Ltmp4:
0x40: {  	[tilespmem:s31+$0xFFFFFFE0] =	vst v59;
	(pc) =	sbr.rel @p1 .LBB1_4-.Ltmp4, $4  }
0x41: {  	[tilespmem:s31+$0xFFFFFFF0] =	vst v60  }
0x42: {  	[tilespmem:s31+$0x0] =	vst v61  }
0x43: {  	[tilespmem:s31+$0x10] =	vst v62  }
0x44: {  	s16 =	sadd.s32 $0x80, s16;
	s17 =	sadd.s32 $0x400, s17;
	[tilespmem:s31+$0x20] =	vst v63  }
.Ltmp5:
0x45: {  	(pc) =	sbr.rel @p0 .LBB1_3-.Ltmp5, $2  }
0x46: {  	_ =	sdelay $0x2  }
0x47: {  	s16 =	simm.s32 $0x2000;
	p1 =	por $0x0, $0x0  }
.Ltmp6:
0x48: {  	(pc) =	sbr.rel .LBB1_9-.Ltmp6, $4  }
0x49: {  	_ = 	snop  }
0x4a: {  	s12 =	sshll.u32 s12, $0xA  }
0x4b: {  	s12 =	sadd.s32 s4, s12  }
0x4c: {  	[hbm4b:s12+s8] =	stream.linear.scatter [tilespmem:s13], [sflag:$0x2], $0x4000, $0x38;
	[tilespmem:$0x10000] =	vst v63  }
.LBB1_10:
0x4d: {  	_ =	sfence.sel $0x180000  }
0x4e: {  	s2 =	simm.s32 $0x1;
	[bflag:$0x0] =	sbarrier.arrive $0xFFFF  }
0x4f: {  	s31 =	simm.s32 $0x2;
	[sflag:s2] =	ssyncpa.u1 $0x1  }
0x50: {  	[sflag:s31] =	ssyncpa.u1 $0x1  }
0x51: {  	p0 =	sne.s32 s0, $0x0;
	_ =	strace $0x90000047  }
0x52: {  	s0 =	sadd.s32 @!p0 $0x100000, s1;
	[bflag:$0x2] =	sbarrier.arrive $0xFFFF  }
0x53: {  	[sflag:s0] =	ssyncadd.tile.s32 @!p0 $0x1;
	_ =	shalt  }
.Lfunc_end1:
_tile_overlayer_lowered:
.L_overlay_start_2:
0x54: {  	(tag) =	ssettag $0x2  }
0x55: {  	s0 =	rddreg [dreg:$0x0];
	s2 =	stileid.u32  }
0x56: {  	s1 =	rddreg [dreg:$0x1];
	p0 =	sne.s32 s2, $0x0  }
0x57: {  	s3 =	rddreg [dreg:$0x2];
	[bflag:$0x3] =	sbarrier.arrive $0xFFFF;
	s2 =	simm.s32 @!p0 $0x1C01  }
0x58: {  	[timem:s3], [sflag:s2] =	dma.local @!p0 [hbm:s0], s1  }
0x59: {  	s0 =	simm.s32 @!p0 $0x1  }
0x5a: {  	_ =	swait.ge @!p0 [sflag:s0], s1  }
0x5b: {  	s1 =	ssub.s32 @!p0 $0x0, s1;
	[sflag:s0] =	ssyncset.done @!p0 $0x0  }
0x5c: {  	[sflag:s0] =	ssyncadd.s32 @!p0 s1  }
0x5d: {  	[bflag:$0x3] =	sbarrier.arrive $0xFFFF  }
0x5e: {  	_ =	shalt  }

// kernel: sparse-core-data-format-call.cloned.1.call-start
scs
called_computation_lowered:
.L_overlay_start_0:
0x0: {  	s2 =	sld [smem:$0x3FD9]  }
0x1: {  	s3 =	sld [smem:$0x3FFE];
	_ =	sdelay $0x1  }
0x2: {  	s1 =	srdreg.scid  }
0x3: {  	s0 =	sand.u32 $0x1, s1  }
0x4: {  	s18 =	sshll.u32 s0, $0xA;
	s2 =	sadd.s32 s3, s2  }
0x5: {  	s2 =	sadd.s32 s2, s18  }
0x6: {  	[smem:$0x3FC6] =	sst s2  }
0x7: {  	_ = 	snop  }
0x8: {  	s2 =	sld [smem:$0x3FD0];
	(tm) =	ssettm $0x1  }
0x9: {  	s19 =	sld [smem:$0x3FFB];
	_ =	sdelay $0x3  }
0xa: {  	_ =	strace s19  }
0xb: {  	s3 =	sld [smem:$0x3FFC];
	_ =	sdelay $0x3  }
0xc: {  	_ =	strace s3  }
0xd: {  	s3 =	sld [smem:$0x3FFD];
	_ =	sdelay $0x3  }
0xe: {  	_ =	strace s3  }
0xf: {  	_ =	strace $0x8FFFFFFF  }
0x10: {  	s20 =	sld [smem:$0x3FDB];
	_ =	sdelay $0x1  }
0x11: {  	s4 =	simm.s32 $_scs_section_size  }
0x12: {  	s5 =	simm.s32 $_size__tile_overlayer_lowered;
	s6 =	simm.s32 $_tile_overlayer_lowered  }
0x13: {  	s23 =	simm.s32 $0x1BFF;
	s22 =	sshll.u32 s6, $0x1;
	s3 =	sadd.s32 s4, s20  }
0x14: {  	s7 =	simm.s32 $0x0;
	s21 =	sshll.u32 s5, $0x1;
	s5 =	sadd.s32 s22, s3  }
0x15: {  	[timem:s7], [sflag:s23] =	dma.local [hbm:s5], s21  }
0x16: {  	_ =	swait.ge [sflag:s23], s21  }
0x17: {  	s4 =	ssub.s32 $0x0, s21;
	[sflag:s23] =	ssyncset.done $0x0  }
0x18: {  	[sflag:s23] =	ssyncadd.s32 s4;
	_ =	sdelay $0x1  }
0x19: {  	s24 =	simm.s32 $0x1B8B  }
0x1a: {  	_ =	swait.ge [sflag:s24], $0x1  }
0x1b: {  	[sflag:s24] =	ssyncset.done $0x0  }
0x1c: {  	s26 =	simm.s32 $0x1B8E;
	s25 =	sld [smem:$0x3FFE];
	[sflag:s24] =	ssyncadd.s32 $0xFFFFFFFF  }
0x1d: {  	s27 =	simm.s32 $execute0_lowered;
	[smem:$0x3FD2] =	sst s26  }
0x1e: {  	s5 =	sshll.u32 s27, $0x1;
	_ =	strace $0x8000004C;
	[dreg:$0x1] =	wrdreg $0xFFFFFFFF  }
0x1f: {  	s28 =	simm.s32 $_size_execute0_lowered;
	s3 =	sadd.s32 s3, s5;
	[dreg:$0x0] =	wrdreg $0x0  }
0x20: {  	s5 =	sshll.u32 s28, $0x1;
	[dreg:$0x2] =	wrdreg s3  }
0x21: {  	[dreg:$0x3] =	wrdreg s5  }
0x22: {  	[dreg:$0x4] =	wrdreg $0xC0  }
0x23: {  	_ =	task [dreg:s7], $0x5FFFF  }
0x24: {  	[dreg:$0x1] =	wrdreg $0xFFFFFFFF  }
0x25: {  	[dreg:$0x0] =	wrdreg $0x60  }
0x26: {  	[dreg:$0x2] =	wrdreg s25  }
0x27: {  	[dreg:$0x3] =	wrdreg s2  }
0x28: {  	[dreg:$0x4] =	wrdreg $0x9  }
0x29: {  	_ =	task.clear_ibuf [dreg:s7], $0x5FFFF;
	_ =	strace $0x9000004C  }
0x2a: {  	s29 =	simm.s32 $0x9;
	_ =	strace $0x8000004E  }
0x2b: {  	_ =	swait.ge [sflag:s29], $0x1  }
0x2c: {  	[sflag:s29] =	ssyncadd.s32 $0xFFFFFFFF  }
0x2d: {  	_ =	strace $0x9000004E  }
0x2e: {  	_ =	sfence  }
0x2f: {  	s30 =	sld [smem:$0x0];
	_ =	sdelay $0x2  }
0x30: {  	s31 =	sshll.u32 s1, $0xD;
	s1 =	sshrl.u32 s1, $0x2  }
0x31: {  	s3 =	sand.u32 $0x4000, s31;
	s1 =	sadd.s32 s1, s30  }
0x32: {  	s0 =	sor.u32 s3, s0;
	s1 =	sshll.u32 s1, $0x11  }
0x33: {  	s0 =	sor.u32 s1, s0  }
0x34: {  	s0 =	sadd.s32 $0x8F2B, s0  }
0x35: {  	[sflag:s0] =	ssyncadd.remote.s32 $0x1  }
0x36: {  	_ =	sfence.sel $0xFFFF  }
0x37: {  	[dreg:$0x0] =	wrdreg $0xFFFFFFFF;
	(pc) =	sbr.abs _section_cstart, $3  }
0x38: {  	[dreg:$0x1] =	wrdreg $0xFFFFFFFF  }
0x39: {  	_ =	task.clear_ibuf [dreg:s7], $0x2FFFF;
	_ =	strace $0x9FFFFFFF  }
0x3a: {  	(tm) =	ssettm $0x7FFFFFFF  }
0x3b: {  	_ =	shalt  }
tec
execute0_lowered:
.L_overlay_start_1:
0x0: {  	(tag) =	ssettag $0x1  }
0x1: {  	s0 =	stileid.u32;
	s1 =	srdreg.scid  }
0x2: {  	s2 =	sshll.u32 s0, $0x7;
	s3 =	sshll.u32 s0, $0x4;
	s4 =	sshll.u32 s1, $0x8  }
0x3: {  	s7 =	rddreg [dreg:$0x0];
	s1 =	sand.u32 $0x380, s2;
	s29 =	sor.u32 s3, s4  }
0x4: {  	s8 =	simm.s32 $0x2;
	s2 =	sand.u32 $0x180, s29;
	s30 =	ssub.s32 $0x400, s1  }
0x5: {  	s15 =	simm.s32 $0x0;
	s31 =	sand.u32 $0x380, s30;
	s5 =	ssub.s32 $0x400, s2  }
0x6: {  	s4 =	simm.s32 $0x1;
	p0 =	sne.s32 s31, $0x0;
	s6 =	sand.u32 $0x180, s5  }
0x7: {  	s4 =	simm.s32 @!p0 $0x0;
	p0 =	sne.s32 s6, $0x0;
	s6 =	simm.s32 $0x1  }
0x8: {  	s3 =	sshrl.u32 s30, $0xA;
	s5 =	sshrl.u32 s5, $0x9;
	s6 =	simm.s32 @!p0 $0x0  }
0x9: {  	s9 =	simm.s32 $0x2000;
	s3 =	sadd.s32 s4, s3;
	s5 =	sadd.s32 s6, s5  }
0xa: {  	s10 =	simm.s32 $0x0;
	s16 =	simm.s32 $0x0;
	s6 =	smul.u32 s5, s3  }
.Ltmp0:
0xb: {  	s17 =	simm.s32 $0x0;
	s4 =	rddreg [dreg:$0x1];
	(pc) =	sbr.rel .LBB1_1-.Ltmp0, $4  }
0xc: {  	s12 =	simm.s32 $0x0;
	s14 =	simm.s32 $0x0;
	s3 =	rddreg [dreg:$0x2]  }
0xd: {  	_ =	strace $0x8000004D;
	s5 =	simm.s32 $0x1;
	s6 =	smul.u32 $0x1A, s6  }
0xe: {  	s7 =	sadd.s32 $0xE00, s7;
	s13 =	smov.u32 s1;
	[sflag:s5] =	ssyncpa.u1 $0x0  }
0xf: {  	s11 =	smov.u32 s2;
	[sflag:s8] =	ssyncpa.u1 $0x0;
	s8 =	sor.u32 $0x1, s6  }
.LBB1_4:
0x10: {  	_ =	sdelay $0x3  }
0x11: {  	[tilespmem:v0+s20+$0xFFFFFFD0 ss:$0x1] =	vst.idx.msk $0xffff, v6  }
0x12: {  	v56 =	vld.idx.msk [tilespmem:v1+s19+$0x0 ss:$0x1], $0xffff;
	[tilespmem:v0+s20+$0xFFFFFFE0 ss:$0x1] =	vst.idx.msk $0xffff, v4  }
0x13: {  	v57 =	vld.idx.msk [tilespmem:v1+s19+$0xFFFFFF90 ss:$0x1], $0xffff;
	[tilespmem:v0+s20+$0xFFFFFFF0 ss:$0x1] =	vst.idx.msk $0xffff, v2  }
0x14: {  	v58 =	vld.idx.msk [tilespmem:v1+s19+$0xFFFFFFA0 ss:$0x1], $0xffff;
	[tilespmem:v0+s20+$0x0 ss:$0x1] =	vst.idx.msk $0xffff, v3  }
0x15: {  	v59 =	vld.idx.msk [tilespmem:v1+s19+$0xFFFFFFB0 ss:$0x1], $0xffff;
	[tilespmem:v0+s20+$0x10 ss:$0x1] =	vst.idx.msk $0xffff, v5  }
0x16: {  	v60 =	vld.idx.msk [tilespmem:v1+s19+$0xFFFFFFC0 ss:$0x1], $0xffff;
	[tilespmem:v0+s20+$0x20 ss:$0x1] =	vst.idx.msk $0xffff, v7  }
0x17: {  	v61 =	vld.idx.msk [tilespmem:v1+s19+$0xFFFFFFD0 ss:$0x1], $0xffff;
	[tilespmem:v0+s19+$0x30 ss:$0x1] =	vst.idx.msk $0xffff, v56  }
0x18: {  	v62 =	vld.idx.msk [tilespmem:v1+s19+$0xFFFFFFE0 ss:$0x1], $0xffff;
	[tilespmem:v0+s19+$0xFFFFFFC0 ss:$0x1] =	vst.idx.msk $0xffff, v57  }
0x19: {  	v63 =	vld.idx.msk [tilespmem:v1+s19+$0xFFFFFFF0 ss:$0x1], $0xffff;
	s17 =	sshll.u32 s17, $0x7;
	[tilespmem:v0+s19+$0xFFFFFFD0 ss:$0x1] =	vst.idx.msk $0xffff, v58  }
0x1a: {  	s30 =	sand.u32 $0x78, s15;
	s16 =	sshll.u32 s16, $0x11;
	s21 =	sand.u32 $0x380, s17;
	[tilespmem:v0+s19+$0xFFFFFFE0 ss:$0x1] =	vst.idx.msk $0xffff, v59  }
0x1b: {  	s31 =	sand.u32 $0x7, s15;
	s17 =	sand.u32 $0x1FC00, s17;
	s20 =	sor.u32 s21, s30;
	[tilespmem:v0+s19+$0xFFFFFFF0 ss:$0x1] =	vst.idx.msk $0xffff, v60  }
0x1c: {  	s16 =	sadd.s32 s4, s16;
	s17 =	sadd.s32 s15, s17;
	s20 =	sshrl.u32 s20, $0x3;
	[tilespmem:v0+s19+$0x0 ss:$0x1] =	vst.idx.msk $0xffff, v61  }
0x1d: {  	s15 =	sshll.u32 s31, $0x12;
	s17 =	sand.u32 $0x1FF80, s17;
	s16 =	sadd.s32 s20, s16;
	[tilespmem:v0+s19+$0x10 ss:$0x1] =	vst.idx.msk $0xffff, v62  }
0x1e: {  	s15 =	sor.u32 $0x400, s15;
	[tilespmem:v0+s19+$0x20 ss:$0x1] =	vst.idx.msk $0xffff, v63;
	s16 =	sadd.s32 s17, s16  }
0x1f: {  	[hbm4b:s16+s15] =	stream.strided.scatter [tilespmem:s18], [sflag:$0x2], $0x4000, s9, s15, $0x38;
	[tilespmem:$0x10000] =	vst v63  }
.LBB1_5:
0x20: {  	s18 =	sadd.s32 $0x200, s11  }
0x21: {  	s15 =	simm.s32 $0x1;
	p1 =	sgt.s32 s18, $0x3FF  }
0x22: {  	s15 =	simm.s32 @!p1 $0x0  }
0x23: {  	s19 =	sadd.s32 s15, s12  }
0x24: {  	s21 =	smov.u32 s13;
	s15 =	sadd.s32 $0x400, s13;
	p2 =	sgt.s32 s19, $0x19  }
0x25: {  	s21 =	smov.u32 @p2 s15  }
0x26: {  	p0 =	slt.u32 s14, $0x2;
	s18 =	smov.u32 @p1 s2;
	p1 =	sgt.s32 s21, $0x3FF  }
0x27: {  	s20 =	simm.s32 @!p0 $0x2;
	s21 =	smov.u32 @p1 s1;
	p1 =	sne.s32 s14, s8  }
.Ltmp1:
0x28: {  	_ =	swait.ge @!p0 [sflag:s20], $0x4000;
	(pc) =	sbr.rel @!p1 .LBB1_6-.Ltmp1, $4  }
0x29: {  	s16 =	smov.u32 s12;
	[sflag:s20] =	ssyncset.done @!p0 $0x0  }
0x2a: {  	s17 =	smov.u32 s13;
	s10 =	sadd.s32 $0x4000, s10;
	[sflag:s20] =	ssyncadd.s32 @!p0 $0xFFFFC000  }
0x2b: {  	s19 =	simm.s32 @p2 $0x0;
	s15 =	smov.u32 s11;
	s11 =	smov.u32 s18  }
0x2c: {  	s12 =	smov.u32 s19;
	s14 =	sadd.s32 $0x1, s14;
	s13 =	smov.u32 s21  }
.LBB1_1:
0x2d: {  	p0 =	sge.u32 s14, s6  }
0x2e: {  	s31 =	sadd.s32 $0xFFFFFFFF, s14;
	s18 =	sshll.u32 @!p0 s12, $0x7  }
0x2f: {  	s19 =	sxor.u32 @!p0 $0xFFFFFFFF, s14;
	s20 =	sand.u32 @!p0 $0x78, s11;
	s21 =	sand.u32 @!p0 $0x380, s18  }
0x30: {  	s19 =	sshll.u32 @!p0 s19, $0xE;
	s20 =	sor.u32 @!p0 s20, s21;
	s21 =	sshll.u32 @!p0 s13, $0xC  }
0x31: {  	s18 =	sand.u32 @!p0 $0xC00, s18;
	s20 =	sshrl.u32 @!p0 s20, $0x3;
	s21 =	sadd.s32 @!p0 s7, s21  }
0x32: {  	s18 =	sadd.s32 @!p0 s11, s18;
	s20 =	sadd.s32 @!p0 s20, s21;
	s21 =	sand.u32 @!p0 $0x7, s11  }
0x33: {  	s19 =	sand.u32 @!p0 $0x4000, s19;
	s18 =	sand.u32 @!p0 $0xF80, s18;
	s21 =	sshll.u32 @!p0 s21, $0x12  }
0x34: {  	s18 =	sadd.s32 @!p0 s18, s20;
	s20 =	sor.u32 @!p0 $0x80, s21;
	s21 =	simm.s32 @!p0 $0x8000  }
0x35: {  	[tilespmem:s19], [sflag:$0x1] =	stream.strided.gather @!p0 [hbm4b:s18+s20], $0x4000, s21, s20, $0x38;
	[tilespmem:$0x10000] =	vst v63  }
0x36: {  	p0 =	sge.u32 s31, s6  }
.Ltmp2:
0x37: {  	_ = 	snop;
	(pc) =	sbr.rel @p0 .LBB1_5-.Ltmp2, $1  }
0x38: {  	_ =	sdelay $0x3  }
0x39: {  	s18 =	sand.u32 $0x4000, s10  }
0x3a: {  	s19 =	sor.u32 $0x70, s18  }
0x3b: {  	v1 =	vmov s19;
	_ =	sdelay $0x1  }
0x3c: {  	_ =	swait.ge [sflag:s5], $0x4000  }
0x3d: {  	[sflag:s5] =	ssyncset.done $0x0  }
0x3e: {  	s20 =	simm.s32 $0x0;
	[sflag:s5] =	ssyncadd.s32 $0xFFFFC000  }
0x3f: {  	s18 =	sor.u32 $0x8040, s18;
	v7 =	vld.idx.msk [tilespmem:v1+s20+$0x0 ss:$0x1], $0xffff  }
0x40: {  	v0 =	vmov s18;
	v8 =	vld.idx.msk [tilespmem:v1+s20+$0xFFFFFF90 ss:$0x1], $0xffff  }
0x41: {  	v6 =	vld.idx.msk [tilespmem:v1+s20+$0xFFFFFFA0 ss:$0x1], $0xffff  }
0x42: {  	v4 =	vld.idx.msk [tilespmem:v1+s20+$0xFFFFFFB0 ss:$0x1], $0xffff  }
0x43: {  	v2 =	vld.idx.msk [tilespmem:v1+s20+$0xFFFFFFC0 ss:$0x1], $0xffff  }
0x44: {  	s31 =	sshll.u32 s14, $0xE;
	v3 =	vld.idx.msk [tilespmem:v1+s20+$0xFFFFFFD0 ss:$0x1], $0xffff  }
0x45: {  	s18 =	sand.u32 $0x4000, s31;
	v5 =	vld.idx.msk [tilespmem:v1+s20+$0xFFFFFFE0 ss:$0x1], $0xffff;
	[tilespmem:v0+s20+$0x30 ss:$0x1] =	vst.idx.msk $0xffff, v7  }
0x46: {  	s21 =	simm.s32 $0x400;
	s19 =	simm.s32 $0x80;
	s18 =	sor.u32 $0x8000, s18;
	[tilespmem:v0+s20+$0xFFFFFFC0 ss:$0x1] =	vst.idx.msk $0xffff, v8;
	v7 =	vld.idx.msk [tilespmem:v1+s20+$0xFFFFFFF0 ss:$0x1], $0xffff  }
.LBB1_3:
0x47: {  	p0 =	sne.s32 s21, $0xFE00;
	v8 =	vld.idx.msk [tilespmem:v1+s19+$0x0 ss:$0x1], $0xffff;
	[tilespmem:v0+s20+$0xFFFFFFD0 ss:$0x1] =	vst.idx.msk $0xffff, v6  }
0x48: {  	v9 =	vld.idx.msk [tilespmem:v1+s19+$0xFFFFFF90 ss:$0x1], $0xffff;
	[tilespmem:v0+s20+$0xFFFFFFE0 ss:$0x1] =	vst.idx.msk $0xffff, v4  }
0x49: {  	v6 =	vld.idx.msk [tilespmem:v1+s19+$0xFFFFFFA0 ss:$0x1], $0xffff;
	[tilespmem:v0+s20+$0xFFFFFFF0 ss:$0x1] =	vst.idx.msk $0xffff, v2  }
.Ltmp3:
0x4a: {  	v4 =	vld.idx.msk [tilespmem:v1+s19+$0xFFFFFFB0 ss:$0x1], $0xffff;
	[tilespmem:v0+s20+$0x0 ss:$0x1] =	vst.idx.msk $0xffff, v3;
	(pc) =	sbr.rel @p0 .LBB1_3-.Ltmp3, $4  }
0x4b: {  	v2 =	vld.idx.msk [tilespmem:v1+s19+$0xFFFFFFC0 ss:$0x1], $0xffff;
	[tilespmem:v0+s20+$0x10 ss:$0x1] =	vst.idx.msk $0xffff, v5  }
0x4c: {  	v3 =	vld.idx.msk [tilespmem:v1+s19+$0xFFFFFFD0 ss:$0x1], $0xffff;
	[tilespmem:v0+s20+$0x20 ss:$0x1] =	vst.idx.msk $0xffff, v7;
	s20 =	smov.u32 s19  }
0x4d: {  	v5 =	vld.idx.msk [tilespmem:v1+s20+$0xFFFFFFE0 ss:$0x1], $0xffff;
	[tilespmem:v0+s20+$0x30 ss:$0x1] =	vst.idx.msk $0xffff, v8  }
0x4e: {  	s19 =	sshra.s32 s21, $0x2;
	s21 =	sadd.s32 $0x200, s21;
	[tilespmem:v0+s20+$0xFFFFFFC0 ss:$0x1] =	vst.idx.msk $0xffff, v9;
	v7 =	vld.idx.msk [tilespmem:v1+s20+$0xFFFFFFF0 ss:$0x1], $0xffff  }
.Ltmp4:
0x4f: {  	_ = 	snop;
	(pc) =	sbr.rel .LBB1_4-.Ltmp4, $1  }
0x50: {  	_ =	sdelay $0x3  }
.LBB1_6:
0x51: {  	_ =	sfence.sel $0x180000  }
0x52: {  	s1 =	simm.s32 $0x1;
	[bflag:$0x0] =	sbarrier.arrive $0xFFFF  }
0x53: {  	s31 =	simm.s32 $0x2;
	[sflag:s1] =	ssyncpa.u1 $0x1  }
0x54: {  	[sflag:s31] =	ssyncpa.u1 $0x1  }
0x55: {  	p0 =	sne.s32 s0, $0x0;
	_ =	strace $0x9000004D  }
0x56: {  	s0 =	sadd.s32 @!p0 $0x100000, s3;
	[bflag:$0x2] =	sbarrier.arrive $0xFFFF  }
0x57: {  	[sflag:s0] =	ssyncadd.tile.s32 @!p0 $0x1;
	_ =	shalt  }
.Lfunc_end1:
_tile_overlayer_lowered:
.L_overlay_start_2:
0x58: {  	(tag) =	ssettag $0x2  }
0x59: {  	s0 =	rddreg [dreg:$0x0];
	s2 =	stileid.u32  }
0x5a: {  	s1 =	rddreg [dreg:$0x1];
	p0 =	sne.s32 s2, $0x0  }
0x5b: {  	s3 =	rddreg [dreg:$0x2];
	[bflag:$0x3] =	sbarrier.arrive $0xFFFF;
	s2 =	simm.s32 @!p0 $0x1C01  }
0x5c: {  	[timem:s3], [sflag:s2] =	dma.local @!p0 [hbm:s0], s1  }
0x5d: {  	s0 =	simm.s32 @!p0 $0x1  }
0x5e: {  	_ =	swait.ge @!p0 [sflag:s0], s1  }
0x5f: {  	s1 =	ssub.s32 @!p0 $0x0, s1;
	[sflag:s0] =	ssyncset.done @!p0 $0x0  }
0x60: {  	[sflag:s0] =	ssyncadd.s32 @!p0 s1  }
0x61: {  	[bflag:$0x3] =	sbarrier.arrive $0xFFFF  }
0x62: {  	_ =	shalt  }

</sc_bundles>
